<compile_context>
chip_gen: v7x
topology: tpu7x:2x2x1
jax: 0.10.2.dev20260603
libtpu: 0.0.44.dev20260713+nightly
codegen_flags: <defaults>
</compile_context>

<pallas_src>
import functools

import jax
import jax.numpy as jnp
from jax import lax
from jax.experimental import pallas as pl
from jax.experimental.pallas import tpu as pltpu
from jax.experimental.pallas import tpu_sc as plsc

N = 10000
E = 320000
D = 128
H = 128
OUT = 128
G = 128

NC = 2
NS = 16
NW = NC * NS
EPW = E // NW
CH = 125
NCH = EPW // CH
HALF = NCH // 2
RPT = 624
TAIL = N - NS * RPT
ZB = 96
ZT = RPT - 6 * ZB


def _sc_aggregate(h, src3d, dst3d):
    mesh = plsc.VectorSubcoreMesh(core_axis_name="c", subcore_axis_name="s",
                                  num_cores=NC, num_subcores=NS)

    @functools.partial(
        pl.kernel,
        out_type=jax.ShapeDtypeStruct((NC, N, D), jnp.float32),
        mesh=mesh,
        scratch_types=[
            pltpu.VMEM((HALF, CH), jnp.int32),
            pltpu.VMEM((HALF, CH), jnp.int32),
            pltpu.VMEM((CH, D), jnp.float32),
            pltpu.VMEM((CH, D), jnp.float32),
            pltpu.VMEM_SHARED((N, D), jnp.float32),
            pltpu.SemaphoreType.DMA,
            pltpu.SemaphoreType.DMA,
        ],
    )
    def agg_kernel(h_hbm, src_hbm, dst_hbm, out_hbm,
                   idxs, idxd, rows0, rows1, acc, sem0, sem1):
        c = lax.axis_index("c")
        s = lax.axis_index("s")
        w = c * NS + s
        zv = jnp.zeros((16,), jnp.float32)

        def zrow(i, _):
            def zcol(j, _):
                rows0[i, pl.ds(j * 16, 16)] = zv
                return 0
            return lax.fori_loop(0, D // 16, zcol, 0)

        lax.fori_loop(0, ZB, zrow, 0)
        for j in range(RPT // ZB):
            pltpu.sync_copy(rows0.at[pl.ds(0, ZB)],
                            acc.at[pl.ds(s * RPT + j * ZB, ZB)])
        pltpu.sync_copy(rows0.at[pl.ds(0, ZT)],
                        acc.at[pl.ds(s * RPT + 6 * ZB, ZT)])

        @pl.when(s == NS - 1)
        def _():
            pltpu.sync_copy(rows0.at[pl.ds(0, TAIL)],
                            acc.at[pl.ds(NS * RPT, TAIL)])

        plsc.subcore_barrier()
        for half in range(2):
            pltpu.sync_copy(src_hbm.at[w, pl.ds(half * HALF, HALF)], idxs)
            pltpu.sync_copy(dst_hbm.at[w, pl.ds(half * HALF, HALF)], idxd)
            pltpu.async_copy(h_hbm.at[idxs.at[0]], rows0, sem0)

            def body(i, _):
                g = 2 * i
                pltpu.async_copy(h_hbm.at[idxs.at[g + 1]], rows1, sem1)
                pltpu.make_async_copy(h_hbm.at[idxs.at[g]], rows0, sem0).wait()
                pltpu.sync_copy(rows0, acc.at[idxd.at[g]], add=True)

                @pl.when(g + 2 < HALF)
                def _():
                    pltpu.async_copy(h_hbm.at[idxs.at[g + 2]], rows0, sem0)

                pltpu.make_async_copy(h_hbm.at[idxs.at[g + 1]], rows1,
                                      sem1).wait()
                pltpu.sync_copy(rows1, acc.at[idxd.at[g + 1]], add=True)
                return 0

            lax.fori_loop(0, HALF // 2, body, 0)
        plsc.subcore_barrier()
        pltpu.sync_copy(acc.at[pl.ds(s * RPT, RPT)],
                        out_hbm.at[c, pl.ds(s * RPT, RPT)])

        @pl.when(s == NS - 1)
        def _():
            pltpu.sync_copy(acc.at[pl.ds(NS * RPT, TAIL)],
                            out_hbm.at[c, pl.ds(NS * RPT, TAIL)])

    return agg_kernel(h, src3d, dst3d)


ROWS_BLK = 2000
GRID = N // ROWS_BLK


def _mlp_body(h_ref, a0_ref, a1_ref, eps_ref, wa_ref, ba_ref, wb_ref, bb_ref,
              o_ref):
    z = h_ref[...] * (1.0 + eps_ref[0, 0]) + a0_ref[...] + a1_ref[...]
    t = jnp.dot(z, wa_ref[...], preferred_element_type=jnp.float32)
    t = jnp.maximum(t + ba_ref[...], 0.0)
    u = jnp.dot(t, wb_ref[...], preferred_element_type=jnp.float32)
    o_ref[...] = jnp.maximum(u + bb_ref[...], 0.0)


def _tc_mlp(h, agg, eps, wa, ba, wb, bb):
    fo = wb.shape[1]
    return pl.pallas_call(
        _mlp_body,
        grid=(GRID,),
        in_specs=[
            pl.BlockSpec((ROWS_BLK, D), lambda i: (i, 0)),
            pl.BlockSpec((ROWS_BLK, D), lambda i: (i, 0)),
            pl.BlockSpec((ROWS_BLK, D), lambda i: (i, 0)),
            pl.BlockSpec(memory_space=pltpu.SMEM),
            pl.BlockSpec((D, 2 * H), lambda i: (0, 0)),
            pl.BlockSpec((1, 2 * H), lambda i: (0, 0)),
            pl.BlockSpec((2 * H, fo), lambda i: (0, 0)),
            pl.BlockSpec((1, fo), lambda i: (0, 0)),
        ],
        out_specs=pl.BlockSpec((ROWS_BLK, fo), lambda i: (i, 0)),
        out_shape=jax.ShapeDtypeStruct((N, fo), jnp.float32),
    )(h, agg[0], agg[1], eps.reshape(1, 1), wa, ba.reshape(1, -1), wb,
      bb.reshape(1, -1))


def _l3_body(h_ref, a0_ref, a1_ref, eps_ref, wa_ref, ba_ref, wb_ref, bb_ref,
             batch_ref, wf1_ref, bf1_ref, wf2_ref, bf2_ref, o_ref, pool_ref):
    i = pl.program_id(0)
    z = h_ref[...] * (1.0 + eps_ref[0, 0]) + a0_ref[...] + a1_ref[...]
    t = jnp.dot(z, wa_ref[...], preferred_element_type=jnp.float32)
    t = jnp.maximum(t + ba_ref[...], 0.0)
    u = jnp.dot(t, wb_ref[...], preferred_element_type=jnp.float32)
    h3 = jnp.maximum(u + bb_ref[...], 0.0)
    bt = jnp.broadcast_to(batch_ref[0], (G, ROWS_BLK))
    gt = lax.broadcasted_iota(jnp.int32, (G, ROWS_BLK), 0)
    onehot_t = (bt == gt).astype(jnp.float32)
    contrib = jnp.dot(onehot_t, h3, preferred_element_type=jnp.float32)

    @pl.when(i == 0)
    def _():
        pool_ref[...] = contrib

    @pl.when(i > 0)
    def _():
        pool_ref[...] = pool_ref[...] + contrib

    @pl.when(i == pl.num_programs(0) - 1)
    def _():
        p = jnp.dot(pool_ref[...], wf1_ref[...],
                    preferred_element_type=jnp.float32)
        p = jnp.maximum(p + bf1_ref[...], 0.0)
        o_ref[...] = (jnp.sum(p * wf2_ref[...], axis=1, keepdims=True)
                      + bf2_ref[0, 0])


def _tc_l3_pool(h, agg, eps, wa, ba, wb, bb, batch3d, wf1, bf1, wf2, bf2):
    return pl.pallas_call(
        _l3_body,
        grid=(GRID,),
        in_specs=[
            pl.BlockSpec((ROWS_BLK, D), lambda i: (i, 0)),
            pl.BlockSpec((ROWS_BLK, D), lambda i: (i, 0)),
            pl.BlockSpec((ROWS_BLK, D), lambda i: (i, 0)),
            pl.BlockSpec(memory_space=pltpu.SMEM),
            pl.BlockSpec((H, 2 * H), lambda i: (0, 0)),
            pl.BlockSpec((1, 2 * H), lambda i: (0, 0)),
            pl.BlockSpec((2 * H, OUT), lambda i: (0, 0)),
            pl.BlockSpec((1, OUT), lambda i: (0, 0)),
            pl.BlockSpec((1, 1, ROWS_BLK), lambda i: (i, 0, 0)),
            pl.BlockSpec((OUT, OUT), lambda i: (0, 0)),
            pl.BlockSpec((1, OUT), lambda i: (0, 0)),
            pl.BlockSpec((1, OUT), lambda i: (0, 0)),
            pl.BlockSpec(memory_space=pltpu.SMEM),
        ],
        out_specs=pl.BlockSpec((G, 1), lambda i: (0, 0)),
        out_shape=jax.ShapeDtypeStruct((G, 1), jnp.float32),
        scratch_shapes=[pltpu.VMEM((G, OUT), jnp.float32)],
    )(h, agg[0], agg[1], eps.reshape(1, 1), wa, ba.reshape(1, -1), wb,
      bb.reshape(1, -1), batch3d, wf1, bf1.reshape(1, -1),
      wf2.reshape(1, -1), bf2.reshape(1, 1))


def kernel(x, edge_index, batch, eps0, W0a, b0a, W0b, b0b, eps1, W1a, b1a,
           W1b, b1b, eps2, W2a, b2a, W2b, b2b, Wf1, bf1, Wf2, bf2):
    src3d = edge_index[0].astype(jnp.int32).reshape(NW, NCH, CH)
    dst3d = edge_index[1].astype(jnp.int32).reshape(NW, NCH, CH)
    batch3d = batch.astype(jnp.int32).reshape(GRID, 1, ROWS_BLK)

    agg = _sc_aggregate(x, src3d, dst3d)
    h = _tc_mlp(x, agg, eps0, W0a, b0a, W0b, b0b)
    agg = _sc_aggregate(h, src3d, dst3d)
    h = _tc_mlp(h, agg, eps1, W1a, b1a, W1b, b1b)
    agg = _sc_aggregate(h, src3d, dst3d)
    return _tc_l3_pool(h, agg, eps2, W2a, b2a, W2b, b2b, batch3d,
                       Wf1, bf1, Wf2, bf2)

# --- scband reference (transcript-rebuilt; emitter-appended) ---
"""Pipeline reference for scband-gin-2267742732765 (READ-ONLY COPY).

The authoritative reference and input builder live on the scoring server;
editing this copy changes nothing except your own understanding.
"""

import jax, jax.numpy as jnp
import numpy as np

N = 10000
E = 320000
D = 128
H = 128
OUT = 128
G = 128

def _lin(k, fin, fout):
    kw, kb = jax.random.split(k)
    W = jax.random.normal(kw, (fin, fout), dtype=jnp.float32) * (1.0 / np.sqrt(fin))
    b = jax.random.normal(kb, (fout,), dtype=jnp.float32) * 0.01
    return W, b

def setup_inputs(seed: int = 0):
    key = jax.random.key(seed)
    ks = jax.random.split(key, 12)
    x = jax.random.normal(ks[0], (N, D), dtype=jnp.float32)
    edge_index = jax.random.randint(ks[1], (2, E), 0, N)
    batch = jnp.sort(jax.random.randint(ks[2], (N,), 0, G))
    W0a, b0a = _lin(ks[3], D, 2 * H)
    W0b, b0b = _lin(ks[4], 2 * H, H)
    W1a, b1a = _lin(ks[5], H, 2 * H)
    W1b, b1b = _lin(ks[6], 2 * H, H)
    W2a, b2a = _lin(ks[7], H, 2 * H)
    W2b, b2b = _lin(ks[8], 2 * H, OUT)
    Wf1, bf1 = _lin(ks[9], OUT, OUT)
    Wf2, bf2 = _lin(ks[10], OUT, 1)
    eps0 = jnp.zeros((), dtype=jnp.float32)
    eps1 = jnp.zeros((), dtype=jnp.float32)
    eps2 = jnp.zeros((), dtype=jnp.float32)
    return {"x": x, "edge_index": edge_index, "batch": batch,
            "eps0": eps0, "W0a": W0a, "b0a": b0a, "W0b": W0b, "b0b": b0b,
            "eps1": eps1, "W1a": W1a, "b1a": b1a, "W1b": W1b, "b1b": b1b,
            "eps2": eps2, "W2a": W2a, "b2a": b2a, "W2b": W2b, "b2b": b2b,
            "Wf1": Wf1, "bf1": bf1, "Wf2": Wf2, "bf2": bf2}

def _gin_conv(x, edge_index, eps, Wa, ba, Wb, bb):
    src = edge_index[0]
    dst = edge_index[1]
    agg = jnp.zeros_like(x).at[dst].add(x[src])
    h = (1.0 + eps) * x + agg
    h = jax.nn.relu(h @ Wa + ba)
    h = jax.nn.relu(h @ Wb + bb)
    return h

def reference(x, edge_index, batch, eps0, W0a, b0a, W0b, b0b, eps1, W1a, b1a, W1b, b1b, eps2, W2a, b2a, W2b, b2b, Wf1, bf1, Wf2, bf2):
    h = _gin_conv(x, edge_index, eps0, W0a, b0a, W0b, b0b)
    h = _gin_conv(h, edge_index, eps1, W1a, b1a, W1b, b1b)
    h = _gin_conv(h, edge_index, eps2, W2a, b2a, W2b, b2b)
    pooled = jax.ops.segment_sum(h, batch, num_segments=G)
    out = jax.nn.relu(pooled @ Wf1 + bf1)
    out = out @ Wf2 + bf2
    return out

if __name__ == "__main__":
    import jax
    _d = setup_inputs()
    print(jax.jit(kernel)(*tuple(_d.values())))

</pallas_src>

<mosaic_0001>
#map = affine_map<(d0, d1) -> (0, 0)>
#map1 = affine_map<(d0, d1) -> (0, 0, 0)>
module attributes {stable_mosaic.version = 14 : i64} {
  func.func @agg_kernel(%arg0: i32, %arg1: i32, %arg2: memref<10000x128xf32, #tpu.memory_space<hbm>>, %arg3: memref<32x80x125xi32, #tpu.memory_space<hbm>>, %arg4: memref<32x80x125xi32, #tpu.memory_space<hbm>>, %arg5: memref<2x10000x128xf32, #tpu.memory_space<hbm>>, %arg6: memref<40x125xi32, #tpu.memory_space<vmem>>, %arg7: memref<40x125xi32, #tpu.memory_space<vmem>>, %arg8: memref<125x128xf32, #tpu.memory_space<vmem>>, %arg9: memref<125x128xf32, #tpu.memory_space<vmem>>, %arg10: memref<10000x128xf32, #tpu.memory_space<vmem_shared>>, %arg11: memref<!tpu.dma_semaphore, #tpu.memory_space<semaphore_mem>>, %arg12: memref<!tpu.dma_semaphore, #tpu.memory_space<semaphore_mem>>) attributes {dimension_semantics = [#tpu.dimension_semantics<core_parallel>, #tpu.dimension_semantics<subcore_parallel>], iteration_bounds = array<i64: 2, 16>, scalar_prefetch = 0 : i64, scratch_operands = 7 : i64, tpu.core_type = #tpu.core_type<sc_vector_subcore>, window_params = [{transform_indices = #map}, {transform_indices = #map1}, {transform_indices = #map1}, {transform_indices = #map1}]} {
    %mul3A = arith.constant 16 : i32
    %mul3A_0 = arith.muli %arg0, %mul3A : i32
    %add3A = arith.addi %mul3A_0, %arg1 : i32
    %broadcast_in_dim3A = arith.constant 0.000000e+00 : f32
    %broadcast_in_dim3A_1 = vector.broadcast %broadcast_in_dim3A : f32 to vector<16xf32>
    %scan3A = arith.constant 0 : i32
    %scan3A_2 = arith.constant 0 : i32
    %scan3A_3 = arith.constant 96 : i32
    %scan3A_4 = arith.addi %scan3A_2, %scan3A_3 : i32
    %scan3A_5 = arith.constant 1 : i32
    %scan3A_6 = scf.for %scan3A_75 = %scan3A_2 to %scan3A_4 step %scan3A_5 iter_args(%scan3A_76 = %scan3A) -> (i32)  : i32 {
      %scan3A_77 = arith.constant 0 : i32
      %scan3A_78 = arith.constant 0 : i32
      %scan3A_79 = arith.constant 8 : i32
      %scan3A_80 = arith.addi %scan3A_78, %scan3A_79 : i32
      %scan3A_81 = arith.constant 1 : i32
      %scan3A_82 = scf.for %scan3A_84 = %scan3A_78 to %scan3A_80 step %scan3A_81 iter_args(%scan3A_85 = %scan3A_77) -> (i32)  : i32 {
        %mul3A_86 = arith.constant 16 : i32
        %mul3A_87 = arith.muli %scan3A_84, %mul3A_86 : i32
        %swap3A = arith.index_cast %scan3A_75 : i32 to index
        %swap3A_88 = arith.index_cast %mul3A_87 : i32 to index
        %swap3A_89 = tpu.vector_load %arg8[%swap3A, %swap3A_88] {strides = array<i32>} : memref<125x128xf32, #tpu.memory_space<vmem>>, vector<1x16xf32>,
        %swap3A_90 = vector.shape_cast %swap3A_89 : vector<1x16xf32> to vector<16xf32>
        %swap3A_91 = vector.shape_cast %broadcast_in_dim3A_1 : vector<16xf32> to vector<1x16xf32>
        tpu.vector_store %arg8[%swap3A, %swap3A_88], %swap3A_91 {strides = array<i32>} : memref<125x128xf32, #tpu.memory_space<vmem>>, vector<1x16xf32>,
        %scan3A_92 = arith.constant 0 : i32
        scf.yield %scan3A_92 : i32
      }
      %scan3A_83 = arith.constant 8 : i32
      scf.yield %scan3A_82 : i32
    }
    %scan3A_7 = arith.constant 96 : i32
    %mul3A_8 = arith.constant 624 : i32
    %mul3A_9 = arith.muli %arg1, %mul3A_8 : i32
    %add3A_10 = arith.constant 0 : i32
    %add3A_11 = arith.addi %mul3A_9, %add3A_10 : i32
    "tpu.region"() ({
      %run_scoped3A = tpu.sem_alloc : memref<!tpu.dma_semaphore, #tpu.memory_space<semaphore_mem>>
      %dma_start3A_75 = arith.constant 0 : i32
      %dma_start3A_76 = arith.constant 0 : i32
      %dma_start3A_77 = tpu.memref_slice %arg8[%dma_start3A_75, %dma_start3A_76] : memref<125x128xf32, #tpu.memory_space<vmem>> -> memref<96x128xf32, #tpu.memory_space<vmem>>
      %dma_start3A_78 = arith.constant 0 : i32
      %dma_start3A_79 = tpu.memref_slice %arg10[%add3A_11, %dma_start3A_78] : memref<10000x128xf32, #tpu.memory_space<vmem_shared>> -> memref<96x128xf32, #tpu.memory_space<vmem_shared>>
      %dma_start3A_80 = arith.constant 0 : i32
      %dma_start3A_81 = tpu.memref_slice %arg10[%add3A_11, %dma_start3A_80] : memref<10000x128xf32, #tpu.memory_space<vmem_shared>> -> memref<96x128xf32, #tpu.memory_space<vmem_shared>>
      %dma_start3A_82 = arith.constant 0 : i32
      %dma_start3A_83 = arith.constant 0 : i32
      %dma_start3A_84 = tpu.memref_slice %arg8[%dma_start3A_82, %dma_start3A_83] : memref<125x128xf32, #tpu.memory_space<vmem>> -> memref<96x128xf32, #tpu.memory_space<vmem>>
      tpu.enqueue_dma source(%dma_start3A_84 : memref<96x128xf32, #tpu.memory_space<vmem>>) target(%dma_start3A_81 : memref<96x128xf32, #tpu.memory_space<vmem_shared>>) target_semaphore(%run_scoped3A : memref<!tpu.dma_semaphore, #tpu.memory_space<semaphore_mem>>)
      %dma_wait3A = arith.constant 0 : i32
      %dma_wait3A_85 = arith.constant 0 : i32
      %dma_wait3A_86 = tpu.memref_slice %arg8[%dma_wait3A, %dma_wait3A_85] : memref<125x128xf32, #tpu.memory_space<vmem>> -> memref<96x128xf32, #tpu.memory_space<vmem>>
      %dma_wait3A_87 = arith.constant 0 : i32
      %dma_wait3A_88 = tpu.memref_slice %arg10[%add3A_11, %dma_wait3A_87] : memref<10000x128xf32, #tpu.memory_space<vmem_shared>> -> memref<96x128xf32, #tpu.memory_space<vmem_shared>>
      %dma_wait3A_89 = arith.constant 0 : i32
      %dma_wait3A_90 = tpu.memref_slice %arg10[%add3A_11, %dma_wait3A_89] : memref<10000x128xf32, #tpu.memory_space<vmem_shared>> -> memref<96x128xf32, #tpu.memory_space<vmem_shared>>
      %dma_wait3A_91 = arith.constant 0 : i32
      %dma_wait3A_92 = arith.constant 0 : i32
      %dma_wait3A_93 = tpu.memref_slice %arg8[%dma_wait3A_91, %dma_wait3A_92] : memref<125x128xf32, #tpu.memory_space<vmem>> -> memref<96x128xf32, #tpu.memory_space<vmem>>
      tpu.wait_dma2 semaphore(%run_scoped3A : memref<!tpu.dma_semaphore, #tpu.memory_space<semaphore_mem>>) src(%dma_wait3A_93 : memref<96x128xf32, #tpu.memory_space<vmem>>) dst(%dma_wait3A_90 : memref<96x128xf32, #tpu.memory_space<vmem_shared>>)
      tpu.yield
    }) : () -> ()
    %mul3A_12 = arith.constant 624 : i32
    %mul3A_13 = arith.muli %arg1, %mul3A_12 : i32
    %add3A_14 = arith.constant 96 : i32
    %add3A_15 = arith.addi %mul3A_13, %add3A_14 : i32
    "tpu.region"() ({
      %run_scoped3A = tpu.sem_alloc : memref<!tpu.dma_semaphore, #tpu.memory_space<semaphore_mem>>
      %dma_start3A_75 = arith.constant 0 : i32
      %dma_start3A_76 = arith.constant 0 : i32
      %dma_start3A_77 = tpu.memref_slice %arg8[%dma_start3A_75, %dma_start3A_76] : memref<125x128xf32, #tpu.memory_space<vmem>> -> memref<96x128xf32, #tpu.memory_space<vmem>>
      %dma_start3A_78 = arith.constant 0 : i32
      %dma_start3A_79 = tpu.memref_slice %arg10[%add3A_15, %dma_start3A_78] : memref<10000x128xf32, #tpu.memory_space<vmem_shared>> -> memref<96x128xf32, #tpu.memory_space<vmem_shared>>
      %dma_start3A_80 = arith.constant 0 : i32
      %dma_start3A_81 = tpu.memref_slice %arg10[%add3A_15, %dma_start3A_80] : memref<10000x128xf32, #tpu.memory_space<vmem_shared>> -> memref<96x128xf32, #tpu.memory_space<vmem_shared>>
      %dma_start3A_82 = arith.constant 0 : i32
      %dma_start3A_83 = arith.constant 0 : i32
      %dma_start3A_84 = tpu.memref_slice %arg8[%dma_start3A_82, %dma_start3A_83] : memref<125x128xf32, #tpu.memory_space<vmem>> -> memref<96x128xf32, #tpu.memory_space<vmem>>
      tpu.enqueue_dma source(%dma_start3A_84 : memref<96x128xf32, #tpu.memory_space<vmem>>) target(%dma_start3A_81 : memref<96x128xf32, #tpu.memory_space<vmem_shared>>) target_semaphore(%run_scoped3A : memref<!tpu.dma_semaphore, #tpu.memory_space<semaphore_mem>>)
      %dma_wait3A = arith.constant 0 : i32
      %dma_wait3A_85 = arith.constant 0 : i32
      %dma_wait3A_86 = tpu.memref_slice %arg8[%dma_wait3A, %dma_wait3A_85] : memref<125x128xf32, #tpu.memory_space<vmem>> -> memref<96x128xf32, #tpu.memory_space<vmem>>
      %dma_wait3A_87 = arith.constant 0 : i32
      %dma_wait3A_88 = tpu.memref_slice %arg10[%add3A_15, %dma_wait3A_87] : memref<10000x128xf32, #tpu.memory_space<vmem_shared>> -> memref<96x128xf32, #tpu.memory_space<vmem_shared>>
      %dma_wait3A_89 = arith.constant 0 : i32
      %dma_wait3A_90 = tpu.memref_slice %arg10[%add3A_15, %dma_wait3A_89] : memref<10000x128xf32, #tpu.memory_space<vmem_shared>> -> memref<96x128xf32, #tpu.memory_space<vmem_shared>>
      %dma_wait3A_91 = arith.constant 0 : i32
      %dma_wait3A_92 = arith.constant 0 : i32
      %dma_wait3A_93 = tpu.memref_slice %arg8[%dma_wait3A_91, %dma_wait3A_92] : memref<125x128xf32, #tpu.memory_space<vmem>> -> memref<96x128xf32, #tpu.memory_space<vmem>>
      tpu.wait_dma2 semaphore(%run_scoped3A : memref<!tpu.dma_semaphore, #tpu.memory_space<semaphore_mem>>) src(%dma_wait3A_93 : memref<96x128xf32, #tpu.memory_space<vmem>>) dst(%dma_wait3A_90 : memref<96x128xf32, #tpu.memory_space<vmem_shared>>)
      tpu.yield
    }) : () -> ()
    %mul3A_16 = arith.constant 624 : i32
    %mul3A_17 = arith.muli %arg1, %mul3A_16 : i32
    %add3A_18 = arith.constant 192 : i32
    %add3A_19 = arith.addi %mul3A_17, %add3A_18 : i32
    "tpu.region"() ({
      %run_scoped3A = tpu.sem_alloc : memref<!tpu.dma_semaphore, #tpu.memory_space<semaphore_mem>>
      %dma_start3A_75 = arith.constant 0 : i32
      %dma_start3A_76 = arith.constant 0 : i32
      %dma_start3A_77 = tpu.memref_slice %arg8[%dma_start3A_75, %dma_start3A_76] : memref<125x128xf32, #tpu.memory_space<vmem>> -> memref<96x128xf32, #tpu.memory_space<vmem>>
      %dma_start3A_78 = arith.constant 0 : i32
      %dma_start3A_79 = tpu.memref_slice %arg10[%add3A_19, %dma_start3A_78] : memref<10000x128xf32, #tpu.memory_space<vmem_shared>> -> memref<96x128xf32, #tpu.memory_space<vmem_shared>>
      %dma_start3A_80 = arith.constant 0 : i32
      %dma_start3A_81 = tpu.memref_slice %arg10[%add3A_19, %dma_start3A_80] : memref<10000x128xf32, #tpu.memory_space<vmem_shared>> -> memref<96x128xf32, #tpu.memory_space<vmem_shared>>
      %dma_start3A_82 = arith.constant 0 : i32
      %dma_start3A_83 = arith.constant 0 : i32
      %dma_start3A_84 = tpu.memref_slice %arg8[%dma_start3A_82, %dma_start3A_83] : memref<125x128xf32, #tpu.memory_space<vmem>> -> memref<96x128xf32, #tpu.memory_space<vmem>>
      tpu.enqueue_dma source(%dma_start3A_84 : memref<96x128xf32, #tpu.memory_space<vmem>>) target(%dma_start3A_81 : memref<96x128xf32, #tpu.memory_space<vmem_shared>>) target_semaphore(%run_scoped3A : memref<!tpu.dma_semaphore, #tpu.memory_space<semaphore_mem>>)
      %dma_wait3A = arith.constant 0 : i32
      %dma_wait3A_85 = arith.constant 0 : i32
      %dma_wait3A_86 = tpu.memref_slice %arg8[%dma_wait3A, %dma_wait3A_85] : memref<125x128xf32, #tpu.memory_space<vmem>> -> memref<96x128xf32, #tpu.memory_space<vmem>>
      %dma_wait3A_87 = arith.constant 0 : i32
      %dma_wait3A_88 = tpu.memref_slice %arg10[%add3A_19, %dma_wait3A_87] : memref<10000x128xf32, #tpu.memory_space<vmem_shared>> -> memref<96x128xf32, #tpu.memory_space<vmem_shared>>
      %dma_wait3A_89 = arith.constant 0 : i32
      %dma_wait3A_90 = tpu.memref_slice %arg10[%add3A_19, %dma_wait3A_89] : memref<10000x128xf32, #tpu.memory_space<vmem_shared>> -> memref<96x128xf32, #tpu.memory_space<vmem_shared>>
      %dma_wait3A_91 = arith.constant 0 : i32
      %dma_wait3A_92 = arith.constant 0 : i32
      %dma_wait3A_93 = tpu.memref_slice %arg8[%dma_wait3A_91, %dma_wait3A_92] : memref<125x128xf32, #tpu.memory_space<vmem>> -> memref<96x128xf32, #tpu.memory_space<vmem>>
      tpu.wait_dma2 semaphore(%run_scoped3A : memref<!tpu.dma_semaphore, #tpu.memory_space<semaphore_mem>>) src(%dma_wait3A_93 : memref<96x128xf32, #tpu.memory_space<vmem>>) dst(%dma_wait3A_90 : memref<96x128xf32, #tpu.memory_space<vmem_shared>>)
      tpu.yield
    }) : () -> ()
    %mul3A_20 = arith.constant 624 : i32
    %mul3A_21 = arith.muli %arg1, %mul3A_20 : i32
    %add3A_22 = arith.constant 288 : i32
    %add3A_23 = arith.addi %mul3A_21, %add3A_22 : i32
    "tpu.region"() ({
      %run_scoped3A = tpu.sem_alloc : memref<!tpu.dma_semaphore, #tpu.memory_space<semaphore_mem>>
      %dma_start3A_75 = arith.constant 0 : i32
      %dma_start3A_76 = arith.constant 0 : i32
      %dma_start3A_77 = tpu.memref_slice %arg8[%dma_start3A_75, %dma_start3A_76] : memref<125x128xf32, #tpu.memory_space<vmem>> -> memref<96x128xf32, #tpu.memory_space<vmem>>
      %dma_start3A_78 = arith.constant 0 : i32
      %dma_start3A_79 = tpu.memref_slice %arg10[%add3A_23, %dma_start3A_78] : memref<10000x128xf32, #tpu.memory_space<vmem_shared>> -> memref<96x128xf32, #tpu.memory_space<vmem_shared>>
      %dma_start3A_80 = arith.constant 0 : i32
      %dma_start3A_81 = tpu.memref_slice %arg10[%add3A_23, %dma_start3A_80] : memref<10000x128xf32, #tpu.memory_space<vmem_shared>> -> memref<96x128xf32, #tpu.memory_space<vmem_shared>>
      %dma_start3A_82 = arith.constant 0 : i32
      %dma_start3A_83 = arith.constant 0 : i32
      %dma_start3A_84 = tpu.memref_slice %arg8[%dma_start3A_82, %dma_start3A_83] : memref<125x128xf32, #tpu.memory_space<vmem>> -> memref<96x128xf32, #tpu.memory_space<vmem>>
      tpu.enqueue_dma source(%dma_start3A_84 : memref<96x128xf32, #tpu.memory_space<vmem>>) target(%dma_start3A_81 : memref<96x128xf32, #tpu.memory_space<vmem_shared>>) target_semaphore(%run_scoped3A : memref<!tpu.dma_semaphore, #tpu.memory_space<semaphore_mem>>)
      %dma_wait3A = arith.constant 0 : i32
      %dma_wait3A_85 = arith.constant 0 : i32
      %dma_wait3A_86 = tpu.memref_slice %arg8[%dma_wait3A, %dma_wait3A_85] : memref<125x128xf32, #tpu.memory_space<vmem>> -> memref<96x128xf32, #tpu.memory_space<vmem>>
      %dma_wait3A_87 = arith.constant 0 : i32
      %dma_wait3A_88 = tpu.memref_slice %arg10[%add3A_23, %dma_wait3A_87] : memref<10000x128xf32, #tpu.memory_space<vmem_shared>> -> memref<96x128xf32, #tpu.memory_space<vmem_shared>>
      %dma_wait3A_89 = arith.constant 0 : i32
      %dma_wait3A_90 = tpu.memref_slice %arg10[%add3A_23, %dma_wait3A_89] : memref<10000x128xf32, #tpu.memory_space<vmem_shared>> -> memref<96x128xf32, #tpu.memory_space<vmem_shared>>
      %dma_wait3A_91 = arith.constant 0 : i32
      %dma_wait3A_92 = arith.constant 0 : i32
      %dma_wait3A_93 = tpu.memref_slice %arg8[%dma_wait3A_91, %dma_wait3A_92] : memref<125x128xf32, #tpu.memory_space<vmem>> -> memref<96x128xf32, #tpu.memory_space<vmem>>
      tpu.wait_dma2 semaphore(%run_scoped3A : memref<!tpu.dma_semaphore, #tpu.memory_space<semaphore_mem>>) src(%dma_wait3A_93 : memref<96x128xf32, #tpu.memory_space<vmem>>) dst(%dma_wait3A_90 : memref<96x128xf32, #tpu.memory_space<vmem_shared>>)
      tpu.yield
    }) : () -> ()
    %mul3A_24 = arith.constant 624 : i32
    %mul3A_25 = arith.muli %arg1, %mul3A_24 : i32
    %add3A_26 = arith.constant 384 : i32
    %add3A_27 = arith.addi %mul3A_25, %add3A_26 : i32
    "tpu.region"() ({
      %run_scoped3A = tpu.sem_alloc : memref<!tpu.dma_semaphore, #tpu.memory_space<semaphore_mem>>
      %dma_start3A_75 = arith.constant 0 : i32
      %dma_start3A_76 = arith.constant 0 : i32
      %dma_start3A_77 = tpu.memref_slice %arg8[%dma_start3A_75, %dma_start3A_76] : memref<125x128xf32, #tpu.memory_space<vmem>> -> memref<96x128xf32, #tpu.memory_space<vmem>>
      %dma_start3A_78 = arith.constant 0 : i32
      %dma_start3A_79 = tpu.memref_slice %arg10[%add3A_27, %dma_start3A_78] : memref<10000x128xf32, #tpu.memory_space<vmem_shared>> -> memref<96x128xf32, #tpu.memory_space<vmem_shared>>
      %dma_start3A_80 = arith.constant 0 : i32
      %dma_start3A_81 = tpu.memref_slice %arg10[%add3A_27, %dma_start3A_80] : memref<10000x128xf32, #tpu.memory_space<vmem_shared>> -> memref<96x128xf32, #tpu.memory_space<vmem_shared>>
      %dma_start3A_82 = arith.constant 0 : i32
      %dma_start3A_83 = arith.constant 0 : i32
      %dma_start3A_84 = tpu.memref_slice %arg8[%dma_start3A_82, %dma_start3A_83] : memref<125x128xf32, #tpu.memory_space<vmem>> -> memref<96x128xf32, #tpu.memory_space<vmem>>
      tpu.enqueue_dma source(%dma_start3A_84 : memref<96x128xf32, #tpu.memory_space<vmem>>) target(%dma_start3A_81 : memref<96x128xf32, #tpu.memory_space<vmem_shared>>) target_semaphore(%run_scoped3A : memref<!tpu.dma_semaphore, #tpu.memory_space<semaphore_mem>>)
      %dma_wait3A = arith.constant 0 : i32
      %dma_wait3A_85 = arith.constant 0 : i32
      %dma_wait3A_86 = tpu.memref_slice %arg8[%dma_wait3A, %dma_wait3A_85] : memref<125x128xf32, #tpu.memory_space<vmem>> -> memref<96x128xf32, #tpu.memory_space<vmem>>
      %dma_wait3A_87 = arith.constant 0 : i32
      %dma_wait3A_88 = tpu.memref_slice %arg10[%add3A_27, %dma_wait3A_87] : memref<10000x128xf32, #tpu.memory_space<vmem_shared>> -> memref<96x128xf32, #tpu.memory_space<vmem_shared>>
      %dma_wait3A_89 = arith.constant 0 : i32
      %dma_wait3A_90 = tpu.memref_slice %arg10[%add3A_27, %dma_wait3A_89] : memref<10000x128xf32, #tpu.memory_space<vmem_shared>> -> memref<96x128xf32, #tpu.memory_space<vmem_shared>>
      %dma_wait3A_91 = arith.constant 0 : i32
      %dma_wait3A_92 = arith.constant 0 : i32
      %dma_wait3A_93 = tpu.memref_slice %arg8[%dma_wait3A_91, %dma_wait3A_92] : memref<125x128xf32, #tpu.memory_space<vmem>> -> memref<96x128xf32, #tpu.memory_space<vmem>>
      tpu.wait_dma2 semaphore(%run_scoped3A : memref<!tpu.dma_semaphore, #tpu.memory_space<semaphore_mem>>) src(%dma_wait3A_93 : memref<96x128xf32, #tpu.memory_space<vmem>>) dst(%dma_wait3A_90 : memref<96x128xf32, #tpu.memory_space<vmem_shared>>)
      tpu.yield
    }) : () -> ()
    %mul3A_28 = arith.constant 624 : i32
    %mul3A_29 = arith.muli %arg1, %mul3A_28 : i32
    %add3A_30 = arith.constant 480 : i32
    %add3A_31 = arith.addi %mul3A_29, %add3A_30 : i32
    "tpu.region"() ({
      %run_scoped3A = tpu.sem_alloc : memref<!tpu.dma_semaphore, #tpu.memory_space<semaphore_mem>>
      %dma_start3A_75 = arith.constant 0 : i32
      %dma_start3A_76 = arith.constant 0 : i32
      %dma_start3A_77 = tpu.memref_slice %arg8[%dma_start3A_75, %dma_start3A_76] : memref<125x128xf32, #tpu.memory_space<vmem>> -> memref<96x128xf32, #tpu.memory_space<vmem>>
      %dma_start3A_78 = arith.constant 0 : i32
      %dma_start3A_79 = tpu.memref_slice %arg10[%add3A_31, %dma_start3A_78] : memref<10000x128xf32, #tpu.memory_space<vmem_shared>> -> memref<96x128xf32, #tpu.memory_space<vmem_shared>>
      %dma_start3A_80 = arith.constant 0 : i32
      %dma_start3A_81 = tpu.memref_slice %arg10[%add3A_31, %dma_start3A_80] : memref<10000x128xf32, #tpu.memory_space<vmem_shared>> -> memref<96x128xf32, #tpu.memory_space<vmem_shared>>
      %dma_start3A_82 = arith.constant 0 : i32
      %dma_start3A_83 = arith.constant 0 : i32
      %dma_start3A_84 = tpu.memref_slice %arg8[%dma_start3A_82, %dma_start3A_83] : memref<125x128xf32, #tpu.memory_space<vmem>> -> memref<96x128xf32, #tpu.memory_space<vmem>>
      tpu.enqueue_dma source(%dma_start3A_84 : memref<96x128xf32, #tpu.memory_space<vmem>>) target(%dma_start3A_81 : memref<96x128xf32, #tpu.memory_space<vmem_shared>>) target_semaphore(%run_scoped3A : memref<!tpu.dma_semaphore, #tpu.memory_space<semaphore_mem>>)
      %dma_wait3A = arith.constant 0 : i32
      %dma_wait3A_85 = arith.constant 0 : i32
      %dma_wait3A_86 = tpu.memref_slice %arg8[%dma_wait3A, %dma_wait3A_85] : memref<125x128xf32, #tpu.memory_space<vmem>> -> memref<96x128xf32, #tpu.memory_space<vmem>>
      %dma_wait3A_87 = arith.constant 0 : i32
      %dma_wait3A_88 = tpu.memref_slice %arg10[%add3A_31, %dma_wait3A_87] : memref<10000x128xf32, #tpu.memory_space<vmem_shared>> -> memref<96x128xf32, #tpu.memory_space<vmem_shared>>
      %dma_wait3A_89 = arith.constant 0 : i32
      %dma_wait3A_90 = tpu.memref_slice %arg10[%add3A_31, %dma_wait3A_89] : memref<10000x128xf32, #tpu.memory_space<vmem_shared>> -> memref<96x128xf32, #tpu.memory_space<vmem_shared>>
      %dma_wait3A_91 = arith.constant 0 : i32
      %dma_wait3A_92 = arith.constant 0 : i32
      %dma_wait3A_93 = tpu.memref_slice %arg8[%dma_wait3A_91, %dma_wait3A_92] : memref<125x128xf32, #tpu.memory_space<vmem>> -> memref<96x128xf32, #tpu.memory_space<vmem>>
      tpu.wait_dma2 semaphore(%run_scoped3A : memref<!tpu.dma_semaphore, #tpu.memory_space<semaphore_mem>>) src(%dma_wait3A_93 : memref<96x128xf32, #tpu.memory_space<vmem>>) dst(%dma_wait3A_90 : memref<96x128xf32, #tpu.memory_space<vmem_shared>>)
      tpu.yield
    }) : () -> ()
    %mul3A_32 = arith.constant 624 : i32
    %mul3A_33 = arith.muli %arg1, %mul3A_32 : i32
    %add3A_34 = arith.constant 576 : i32
    %add3A_35 = arith.addi %mul3A_33, %add3A_34 : i32
    "tpu.region"() ({
      %run_scoped3A = tpu.sem_alloc : memref<!tpu.dma_semaphore, #tpu.memory_space<semaphore_mem>>
      %dma_start3A_75 = arith.constant 0 : i32
      %dma_start3A_76 = arith.constant 0 : i32
      %dma_start3A_77 = tpu.memref_slice %arg8[%dma_start3A_75, %dma_start3A_76] : memref<125x128xf32, #tpu.memory_space<vmem>> -> memref<48x128xf32, #tpu.memory_space<vmem>>
      %dma_start3A_78 = arith.constant 0 : i32
      %dma_start3A_79 = tpu.memref_slice %arg10[%add3A_35, %dma_start3A_78] : memref<10000x128xf32, #tpu.memory_space<vmem_shared>> -> memref<48x128xf32, #tpu.memory_space<vmem_shared>>
      %dma_start3A_80 = arith.constant 0 : i32
      %dma_start3A_81 = tpu.memref_slice %arg10[%add3A_35, %dma_start3A_80] : memref<10000x128xf32, #tpu.memory_space<vmem_shared>> -> memref<48x128xf32, #tpu.memory_space<vmem_shared>>
      %dma_start3A_82 = arith.constant 0 : i32
      %dma_start3A_83 = arith.constant 0 : i32
      %dma_start3A_84 = tpu.memref_slice %arg8[%dma_start3A_82, %dma_start3A_83] : memref<125x128xf32, #tpu.memory_space<vmem>> -> memref<48x128xf32, #tpu.memory_space<vmem>>
      tpu.enqueue_dma source(%dma_start3A_84 : memref<48x128xf32, #tpu.memory_space<vmem>>) target(%dma_start3A_81 : memref<48x128xf32, #tpu.memory_space<vmem_shared>>) target_semaphore(%run_scoped3A : memref<!tpu.dma_semaphore, #tpu.memory_space<semaphore_mem>>)
      %dma_wait3A = arith.constant 0 : i32
      %dma_wait3A_85 = arith.constant 0 : i32
      %dma_wait3A_86 = tpu.memref_slice %arg8[%dma_wait3A, %dma_wait3A_85] : memref<125x128xf32, #tpu.memory_space<vmem>> -> memref<48x128xf32, #tpu.memory_space<vmem>>
      %dma_wait3A_87 = arith.constant 0 : i32
      %dma_wait3A_88 = tpu.memref_slice %arg10[%add3A_35, %dma_wait3A_87] : memref<10000x128xf32, #tpu.memory_space<vmem_shared>> -> memref<48x128xf32, #tpu.memory_space<vmem_shared>>
      %dma_wait3A_89 = arith.constant 0 : i32
      %dma_wait3A_90 = tpu.memref_slice %arg10[%add3A_35, %dma_wait3A_89] : memref<10000x128xf32, #tpu.memory_space<vmem_shared>> -> memref<48x128xf32, #tpu.memory_space<vmem_shared>>
      %dma_wait3A_91 = arith.constant 0 : i32
      %dma_wait3A_92 = arith.constant 0 : i32
      %dma_wait3A_93 = tpu.memref_slice %arg8[%dma_wait3A_91, %dma_wait3A_92] : memref<125x128xf32, #tpu.memory_space<vmem>> -> memref<48x128xf32, #tpu.memory_space<vmem>>
      tpu.wait_dma2 semaphore(%run_scoped3A : memref<!tpu.dma_semaphore, #tpu.memory_space<semaphore_mem>>) src(%dma_wait3A_93 : memref<48x128xf32, #tpu.memory_space<vmem>>) dst(%dma_wait3A_90 : memref<48x128xf32, #tpu.memory_space<vmem_shared>>)
      tpu.yield
    }) : () -> ()
    %eq3A = arith.constant 15 : i32
    %eq3A_36 = arith.cmpi eq, %arg1, %eq3A : i32
    %convert_element_type3A = arith.extui %eq3A_36 : i1 to i32
    %cond3A = arith.constant 0 : i32
    %cond3A_37 = arith.cmpi ne, %convert_element_type3A, %cond3A : i32
    scf.if %cond3A_37 {
      "tpu.region"() ({
        %run_scoped3A = tpu.sem_alloc : memref<!tpu.dma_semaphore, #tpu.memory_space<semaphore_mem>>
        %dma_start3A_75 = arith.constant 0 : i32
        %dma_start3A_76 = arith.constant 0 : i32
        %dma_start3A_77 = tpu.memref_slice %arg8[%dma_start3A_75, %dma_start3A_76] : memref<125x128xf32, #tpu.memory_space<vmem>> -> memref<16x128xf32, #tpu.memory_space<vmem>>
        %dma_start3A_78 = arith.constant 9984 : i32
        %dma_start3A_79 = arith.constant 0 : i32
        %dma_start3A_80 = tpu.memref_slice %arg10[%dma_start3A_78, %dma_start3A_79] : memref<10000x128xf32, #tpu.memory_space<vmem_shared>> -> memref<16x128xf32, #tpu.memory_space<vmem_shared>>
        %dma_start3A_81 = arith.constant 9984 : i32
        %dma_start3A_82 = arith.constant 0 : i32
        %dma_start3A_83 = tpu.memref_slice %arg10[%dma_start3A_81, %dma_start3A_82] : memref<10000x128xf32, #tpu.memory_space<vmem_shared>> -> memref<16x128xf32, #tpu.memory_space<vmem_shared>>
        %dma_start3A_84 = arith.constant 0 : i32
        %dma_start3A_85 = arith.constant 0 : i32
        %dma_start3A_86 = tpu.memref_slice %arg8[%dma_start3A_84, %dma_start3A_85] : memref<125x128xf32, #tpu.memory_space<vmem>> -> memref<16x128xf32, #tpu.memory_space<vmem>>
        tpu.enqueue_dma source(%dma_start3A_86 : memref<16x128xf32, #tpu.memory_space<vmem>>) target(%dma_start3A_83 : memref<16x128xf32, #tpu.memory_space<vmem_shared>>) target_semaphore(%run_scoped3A : memref<!tpu.dma_semaphore, #tpu.memory_space<semaphore_mem>>)
        %dma_wait3A = arith.constant 0 : i32
        %dma_wait3A_87 = arith.constant 0 : i32
        %dma_wait3A_88 = tpu.memref_slice %arg8[%dma_wait3A, %dma_wait3A_87] : memref<125x128xf32, #tpu.memory_space<vmem>> -> memref<16x128xf32, #tpu.memory_space<vmem>>
        %dma_wait3A_89 = arith.constant 9984 : i32
        %dma_wait3A_90 = arith.constant 0 : i32
        %dma_wait3A_91 = tpu.memref_slice %arg10[%dma_wait3A_89, %dma_wait3A_90] : memref<10000x128xf32, #tpu.memory_space<vmem_shared>> -> memref<16x128xf32, #tpu.memory_space<vmem_shared>>
        %dma_wait3A_92 = arith.constant 9984 : i32
        %dma_wait3A_93 = arith.constant 0 : i32
        %dma_wait3A_94 = tpu.memref_slice %arg10[%dma_wait3A_92, %dma_wait3A_93] : memref<10000x128xf32, #tpu.memory_space<vmem_shared>> -> memref<16x128xf32, #tpu.memory_space<vmem_shared>>
        %dma_wait3A_95 = arith.constant 0 : i32
        %dma_wait3A_96 = arith.constant 0 : i32
        %dma_wait3A_97 = tpu.memref_slice %arg8[%dma_wait3A_95, %dma_wait3A_96] : memref<125x128xf32, #tpu.memory_space<vmem>> -> memref<16x128xf32, #tpu.memory_space<vmem>>
        tpu.wait_dma2 semaphore(%run_scoped3A : memref<!tpu.dma_semaphore, #tpu.memory_space<semaphore_mem>>) src(%dma_wait3A_97 : memref<16x128xf32, #tpu.memory_space<vmem>>) dst(%dma_wait3A_94 : memref<16x128xf32, #tpu.memory_space<vmem_shared>>)
        tpu.yield
      }) : () -> ()
    } else {
    }
    %barrier3A = arith.constant 0 : index
    tpu.barrier barrier_id(%barrier3A)
    "tpu.region"() ({
      %run_scoped3A = tpu.sem_alloc : memref<!tpu.dma_semaphore, #tpu.memory_space<semaphore_mem>>
      %dma_start3A_75 = arith.constant 0 : i32
      %dma_start3A_76 = arith.constant 0 : i32
      %dma_start3A_77 = tpu.memref_slice %arg3[%add3A, %dma_start3A_75, %dma_start3A_76] : memref<32x80x125xi32, #tpu.memory_space<hbm>> -> memref<1x40x125xi32, #tpu.memory_space<hbm>>
      %dma_start3A_78 = tpu.memref_squeeze %dma_start3A_77 : memref<1x40x125xi32, #tpu.memory_space<hbm>> -> memref<40x125xi32, #tpu.memory_space<hbm>>
      %dma_start3A_79 = arith.constant 0 : i32
      %dma_start3A_80 = arith.constant 0 : i32
      %dma_start3A_81 = tpu.memref_slice %arg3[%add3A, %dma_start3A_79, %dma_start3A_80] : memref<32x80x125xi32, #tpu.memory_space<hbm>> -> memref<1x40x125xi32, #tpu.memory_space<hbm>>
      %dma_start3A_82 = tpu.memref_squeeze %dma_start3A_81 : memref<1x40x125xi32, #tpu.memory_space<hbm>> -> memref<40x125xi32, #tpu.memory_space<hbm>>
      tpu.enqueue_dma source(%dma_start3A_82 : memref<40x125xi32, #tpu.memory_space<hbm>>) target(%arg6 : memref<40x125xi32, #tpu.memory_space<vmem>>) target_semaphore(%run_scoped3A : memref<!tpu.dma_semaphore, #tpu.memory_space<semaphore_mem>>)
      %dma_wait3A = arith.constant 0 : i32
      %dma_wait3A_83 = arith.constant 0 : i32
      %dma_wait3A_84 = tpu.memref_slice %arg3[%add3A, %dma_wait3A, %dma_wait3A_83] : memref<32x80x125xi32, #tpu.memory_space<hbm>> -> memref<1x40x125xi32, #tpu.memory_space<hbm>>
      %dma_wait3A_85 = tpu.memref_squeeze %dma_wait3A_84 : memref<1x40x125xi32, #tpu.memory_space<hbm>> -> memref<40x125xi32, #tpu.memory_space<hbm>>
      %dma_wait3A_86 = arith.constant 0 : i32
      %dma_wait3A_87 = arith.constant 0 : i32
      %dma_wait3A_88 = tpu.memref_slice %arg3[%add3A, %dma_wait3A_86, %dma_wait3A_87] : memref<32x80x125xi32, #tpu.memory_space<hbm>> -> memref<1x40x125xi32, #tpu.memory_space<hbm>>
      %dma_wait3A_89 = tpu.memref_squeeze %dma_wait3A_88 : memref<1x40x125xi32, #tpu.memory_space<hbm>> -> memref<40x125xi32, #tpu.memory_space<hbm>>
      tpu.wait_dma2 semaphore(%run_scoped3A : memref<!tpu.dma_semaphore, #tpu.memory_space<semaphore_mem>>) src(%dma_wait3A_89 : memref<40x125xi32, #tpu.memory_space<hbm>>) dst(%arg6 : memref<40x125xi32, #tpu.memory_space<vmem>>)
      tpu.yield
    }) : () -> ()
    "tpu.region"() ({
      %run_scoped3A = tpu.sem_alloc : memref<!tpu.dma_semaphore, #tpu.memory_space<semaphore_mem>>
      %dma_start3A_75 = arith.constant 0 : i32
      %dma_start3A_76 = arith.constant 0 : i32
      %dma_start3A_77 = tpu.memref_slice %arg4[%add3A, %dma_start3A_75, %dma_start3A_76] : memref<32x80x125xi32, #tpu.memory_space<hbm>> -> memref<1x40x125xi32, #tpu.memory_space<hbm>>
      %dma_start3A_78 = tpu.memref_squeeze %dma_start3A_77 : memref<1x40x125xi32, #tpu.memory_space<hbm>> -> memref<40x125xi32, #tpu.memory_space<hbm>>
      %dma_start3A_79 = arith.constant 0 : i32
      %dma_start3A_80 = arith.constant 0 : i32
      %dma_start3A_81 = tpu.memref_slice %arg4[%add3A, %dma_start3A_79, %dma_start3A_80] : memref<32x80x125xi32, #tpu.memory_space<hbm>> -> memref<1x40x125xi32, #tpu.memory_space<hbm>>
      %dma_start3A_82 = tpu.memref_squeeze %dma_start3A_81 : memref<1x40x125xi32, #tpu.memory_space<hbm>> -> memref<40x125xi32, #tpu.memory_space<hbm>>
      tpu.enqueue_dma source(%dma_start3A_82 : memref<40x125xi32, #tpu.memory_space<hbm>>) target(%arg7 : memref<40x125xi32, #tpu.memory_space<vmem>>) target_semaphore(%run_scoped3A : memref<!tpu.dma_semaphore, #tpu.memory_space<semaphore_mem>>)
      %dma_wait3A = arith.constant 0 : i32
      %dma_wait3A_83 = arith.constant 0 : i32
      %dma_wait3A_84 = tpu.memref_slice %arg4[%add3A, %dma_wait3A, %dma_wait3A_83] : memref<32x80x125xi32, #tpu.memory_space<hbm>> -> memref<1x40x125xi32, #tpu.memory_space<hbm>>
      %dma_wait3A_85 = tpu.memref_squeeze %dma_wait3A_84 : memref<1x40x125xi32, #tpu.memory_space<hbm>> -> memref<40x125xi32, #tpu.memory_space<hbm>>
      %dma_wait3A_86 = arith.constant 0 : i32
      %dma_wait3A_87 = arith.constant 0 : i32
      %dma_wait3A_88 = tpu.memref_slice %arg4[%add3A, %dma_wait3A_86, %dma_wait3A_87] : memref<32x80x125xi32, #tpu.memory_space<hbm>> -> memref<1x40x125xi32, #tpu.memory_space<hbm>>
      %dma_wait3A_89 = tpu.memref_squeeze %dma_wait3A_88 : memref<1x40x125xi32, #tpu.memory_space<hbm>> -> memref<40x125xi32, #tpu.memory_space<hbm>>
      tpu.wait_dma2 semaphore(%run_scoped3A : memref<!tpu.dma_semaphore, #tpu.memory_space<semaphore_mem>>) src(%dma_wait3A_89 : memref<40x125xi32, #tpu.memory_space<hbm>>) dst(%arg7 : memref<40x125xi32, #tpu.memory_space<vmem>>)
      tpu.yield
    }) : () -> ()
    %dma_start3A = arith.constant 0 : i32
    %dma_start3A_38 = arith.constant 0 : i32
    %dma_start3A_39 = tpu.memref_slice %arg6[%dma_start3A, %dma_start3A_38] : memref<40x125xi32, #tpu.memory_space<vmem>> -> memref<1x125xi32, #tpu.memory_space<vmem>>
    %dma_start3A_40 = tpu.memref_squeeze %dma_start3A_39 : memref<1x125xi32, #tpu.memory_space<vmem>> -> memref<125xi32, #tpu.memory_space<vmem>>
    %dma_start3A_41 = arith.constant 0 : i32
    %dma_start3A_42 = arith.constant 0 : i32
    %dma_start3A_43 = tpu.memref_slice %arg2[%dma_start3A_41, %dma_start3A_42] : memref<10000x128xf32, #tpu.memory_space<hbm>> -> memref<10000x128xf32, #tpu.memory_space<hbm>>
    tpu.enqueue_indirect_dma source(%dma_start3A_43 : memref<10000x128xf32, #tpu.memory_space<hbm>>) target(%arg8 : memref<125x128xf32, #tpu.memory_space<vmem>>) offsets(%dma_start3A_40 : memref<125xi32, #tpu.memory_space<vmem>>) semaphore(%arg11 : memref<!tpu.dma_semaphore, #tpu.memory_space<semaphore_mem>>)
    %scan3A_44 = arith.constant 0 : i32
    %scan3A_45 = arith.constant 0 : i32
    %scan3A_46 = arith.constant 20 : i32
    %scan3A_47 = arith.addi %scan3A_45, %scan3A_46 : i32
    %scan3A_48 = arith.constant 1 : i32
    %scan3A_49 = scf.for %scan3A_75 = %scan3A_45 to %scan3A_47 step %scan3A_48 iter_args(%scan3A_76 = %scan3A_44) -> (i32)  : i32 {
      %mul3A_77 = arith.constant 2 : i32
      %mul3A_78 = arith.muli %mul3A_77, %scan3A_75 : i32
      %add3A_79 = arith.constant 1 : i32
      %add3A_80 = arith.addi %mul3A_78, %add3A_79 : i32
      %dma_start3A_81 = arith.constant 0 : i32
      %dma_start3A_82 = tpu.memref_slice %arg6[%add3A_80, %dma_start3A_81] : memref<40x125xi32, #tpu.memory_space<vmem>> -> memref<1x125xi32, #tpu.memory_space<vmem>>
      %dma_start3A_83 = tpu.memref_squeeze %dma_start3A_82 : memref<1x125xi32, #tpu.memory_space<vmem>> -> memref<125xi32, #tpu.memory_space<vmem>>
      %dma_start3A_84 = arith.constant 0 : i32
      %dma_start3A_85 = arith.constant 0 : i32
      %dma_start3A_86 = tpu.memref_slice %arg2[%dma_start3A_84, %dma_start3A_85] : memref<10000x128xf32, #tpu.memory_space<hbm>> -> memref<10000x128xf32, #tpu.memory_space<hbm>>
      tpu.enqueue_indirect_dma source(%dma_start3A_86 : memref<10000x128xf32, #tpu.memory_space<hbm>>) target(%arg9 : memref<125x128xf32, #tpu.memory_space<vmem>>) offsets(%dma_start3A_83 : memref<125xi32, #tpu.memory_space<vmem>>) semaphore(%arg12 : memref<!tpu.dma_semaphore, #tpu.memory_space<semaphore_mem>>)
      %dma_wait3A = arith.constant 0 : i32
      %dma_wait3A_87 = tpu.memref_slice %arg6[%mul3A_78, %dma_wait3A] : memref<40x125xi32, #tpu.memory_space<vmem>> -> memref<1x125xi32, #tpu.memory_space<vmem>>
      %dma_wait3A_88 = tpu.memref_squeeze %dma_wait3A_87 : memref<1x125xi32, #tpu.memory_space<vmem>> -> memref<125xi32, #tpu.memory_space<vmem>>
      %dma_wait3A_89 = arith.constant 0 : i32
      %dma_wait3A_90 = arith.constant 0 : i32
      %dma_wait3A_91 = tpu.memref_slice %arg2[%dma_wait3A_89, %dma_wait3A_90] : memref<10000x128xf32, #tpu.memory_space<hbm>> -> memref<10000x128xf32, #tpu.memory_space<hbm>>
      tpu.wait_indirect_dma semaphore(%arg11 : memref<!tpu.dma_semaphore, #tpu.memory_space<semaphore_mem>>) src(%dma_wait3A_91 : memref<10000x128xf32, #tpu.memory_space<hbm>>) dst(%arg8 : memref<125x128xf32, #tpu.memory_space<vmem>>)
      "tpu.region"() ({
        %run_scoped3A = tpu.sem_alloc : memref<!tpu.dma_semaphore, #tpu.memory_space<semaphore_mem>>
        %dma_start3A_109 = arith.constant 0 : i32
        %dma_start3A_110 = tpu.memref_slice %arg7[%mul3A_78, %dma_start3A_109] : memref<40x125xi32, #tpu.memory_space<vmem>> -> memref<1x125xi32, #tpu.memory_space<vmem>>
        %dma_start3A_111 = tpu.memref_squeeze %dma_start3A_110 : memref<1x125xi32, #tpu.memory_space<vmem>> -> memref<125xi32, #tpu.memory_space<vmem>>
        %dma_start3A_112 = arith.constant 0 : i32
        %dma_start3A_113 = arith.constant 0 : i32
        %dma_start3A_114 = tpu.memref_slice %arg10[%dma_start3A_112, %dma_start3A_113] : memref<10000x128xf32, #tpu.memory_space<vmem_shared>> -> memref<10000x128xf32, #tpu.memory_space<vmem_shared>>
        tpu.enqueue_indirect_dma source(%arg8 : memref<125x128xf32, #tpu.memory_space<vmem>>) target(%dma_start3A_114 : memref<10000x128xf32, #tpu.memory_space<vmem_shared>>) offsets(%dma_start3A_111 : memref<125xi32, #tpu.memory_space<vmem>>) semaphore(%run_scoped3A : memref<!tpu.dma_semaphore, #tpu.memory_space<semaphore_mem>>) {add = true}
        %dma_wait3A_115 = arith.constant 0 : i32
        %dma_wait3A_116 = tpu.memref_slice %arg7[%mul3A_78, %dma_wait3A_115] : memref<40x125xi32, #tpu.memory_space<vmem>> -> memref<1x125xi32, #tpu.memory_space<vmem>>
        %dma_wait3A_117 = tpu.memref_squeeze %dma_wait3A_116 : memref<1x125xi32, #tpu.memory_space<vmem>> -> memref<125xi32, #tpu.memory_space<vmem>>
        %dma_wait3A_118 = arith.constant 0 : i32
        %dma_wait3A_119 = arith.constant 0 : i32
        %dma_wait3A_120 = tpu.memref_slice %arg10[%dma_wait3A_118, %dma_wait3A_119] : memref<10000x128xf32, #tpu.memory_space<vmem_shared>> -> memref<10000x128xf32, #tpu.memory_space<vmem_shared>>
        tpu.wait_indirect_dma semaphore(%run_scoped3A : memref<!tpu.dma_semaphore, #tpu.memory_space<semaphore_mem>>) src(%arg8 : memref<125x128xf32, #tpu.memory_space<vmem>>) dst(%dma_wait3A_120 : memref<10000x128xf32, #tpu.memory_space<vmem_shared>>)
        tpu.yield
      }) : () -> ()
      %add3A_92 = arith.constant 2 : i32
      %add3A_93 = arith.addi %mul3A_78, %add3A_92 : i32
      %lt3A = arith.constant 40 : i32
      %lt3A_94 = arith.cmpi slt, %add3A_93, %lt3A : i32
      %convert_element_type3A_95 = arith.extui %lt3A_94 : i1 to i32
      %cond3A_96 = arith.constant 0 : i32
      %cond3A_97 = arith.cmpi ne, %convert_element_type3A_95, %cond3A_96 : i32
      scf.if %cond3A_97 {
        %add3A_109 = arith.constant 2 : i32
        %add3A_110 = arith.addi %mul3A_78, %add3A_109 : i32
        %dma_start3A_111 = arith.constant 0 : i32
        %dma_start3A_112 = tpu.memref_slice %arg6[%add3A_110, %dma_start3A_111] : memref<40x125xi32, #tpu.memory_space<vmem>> -> memref<1x125xi32, #tpu.memory_space<vmem>>
        %dma_start3A_113 = tpu.memref_squeeze %dma_start3A_112 : memref<1x125xi32, #tpu.memory_space<vmem>> -> memref<125xi32, #tpu.memory_space<vmem>>
        %dma_start3A_114 = arith.constant 0 : i32
        %dma_start3A_115 = arith.constant 0 : i32
        %dma_start3A_116 = tpu.memref_slice %arg2[%dma_start3A_114, %dma_start3A_115] : memref<10000x128xf32, #tpu.memory_space<hbm>> -> memref<10000x128xf32, #tpu.memory_space<hbm>>
        tpu.enqueue_indirect_dma source(%dma_start3A_116 : memref<10000x128xf32, #tpu.memory_space<hbm>>) target(%arg8 : memref<125x128xf32, #tpu.memory_space<vmem>>) offsets(%dma_start3A_113 : memref<125xi32, #tpu.memory_space<vmem>>) semaphore(%arg11 : memref<!tpu.dma_semaphore, #tpu.memory_space<semaphore_mem>>)
      } else {
      }
      %add3A_98 = arith.constant 1 : i32
      %add3A_99 = arith.addi %mul3A_78, %add3A_98 : i32
      %dma_wait3A_100 = arith.constant 0 : i32
      %dma_wait3A_101 = tpu.memref_slice %arg6[%add3A_99, %dma_wait3A_100] : memref<40x125xi32, #tpu.memory_space<vmem>> -> memref<1x125xi32, #tpu.memory_space<vmem>>
      %dma_wait3A_102 = tpu.memref_squeeze %dma_wait3A_101 : memref<1x125xi32, #tpu.memory_space<vmem>> -> memref<125xi32, #tpu.memory_space<vmem>>
      %dma_wait3A_103 = arith.constant 0 : i32
      %dma_wait3A_104 = arith.constant 0 : i32
      %dma_wait3A_105 = tpu.memref_slice %arg2[%dma_wait3A_103, %dma_wait3A_104] : memref<10000x128xf32, #tpu.memory_space<hbm>> -> memref<10000x128xf32, #tpu.memory_space<hbm>>
      tpu.wait_indirect_dma semaphore(%arg12 : memref<!tpu.dma_semaphore, #tpu.memory_space<semaphore_mem>>) src(%dma_wait3A_105 : memref<10000x128xf32, #tpu.memory_space<hbm>>) dst(%arg9 : memref<125x128xf32, #tpu.memory_space<vmem>>)
      %add3A_106 = arith.constant 1 : i32
      %add3A_107 = arith.addi %mul3A_78, %add3A_106 : i32
      "tpu.region"() ({
        %run_scoped3A = tpu.sem_alloc : memref<!tpu.dma_semaphore, #tpu.memory_space<semaphore_mem>>
        %dma_start3A_109 = arith.constant 0 : i32
        %dma_start3A_110 = tpu.memref_slice %arg7[%add3A_107, %dma_start3A_109] : memref<40x125xi32, #tpu.memory_space<vmem>> -> memref<1x125xi32, #tpu.memory_space<vmem>>
        %dma_start3A_111 = tpu.memref_squeeze %dma_start3A_110 : memref<1x125xi32, #tpu.memory_space<vmem>> -> memref<125xi32, #tpu.memory_space<vmem>>
        %dma_start3A_112 = arith.constant 0 : i32
        %dma_start3A_113 = arith.constant 0 : i32
        %dma_start3A_114 = tpu.memref_slice %arg10[%dma_start3A_112, %dma_start3A_113] : memref<10000x128xf32, #tpu.memory_space<vmem_shared>> -> memref<10000x128xf32, #tpu.memory_space<vmem_shared>>
        tpu.enqueue_indirect_dma source(%arg9 : memref<125x128xf32, #tpu.memory_space<vmem>>) target(%dma_start3A_114 : memref<10000x128xf32, #tpu.memory_space<vmem_shared>>) offsets(%dma_start3A_111 : memref<125xi32, #tpu.memory_space<vmem>>) semaphore(%run_scoped3A : memref<!tpu.dma_semaphore, #tpu.memory_space<semaphore_mem>>) {add = true}
        %dma_wait3A_115 = arith.constant 0 : i32
        %dma_wait3A_116 = tpu.memref_slice %arg7[%add3A_107, %dma_wait3A_115] : memref<40x125xi32, #tpu.memory_space<vmem>> -> memref<1x125xi32, #tpu.memory_space<vmem>>
        %dma_wait3A_117 = tpu.memref_squeeze %dma_wait3A_116 : memref<1x125xi32, #tpu.memory_space<vmem>> -> memref<125xi32, #tpu.memory_space<vmem>>
        %dma_wait3A_118 = arith.constant 0 : i32
        %dma_wait3A_119 = arith.constant 0 : i32
        %dma_wait3A_120 = tpu.memref_slice %arg10[%dma_wait3A_118, %dma_wait3A_119] : memref<10000x128xf32, #tpu.memory_space<vmem_shared>> -> memref<10000x128xf32, #tpu.memory_space<vmem_shared>>
        tpu.wait_indirect_dma semaphore(%run_scoped3A : memref<!tpu.dma_semaphore, #tpu.memory_space<semaphore_mem>>) src(%arg9 : memref<125x128xf32, #tpu.memory_space<vmem>>) dst(%dma_wait3A_120 : memref<10000x128xf32, #tpu.memory_space<vmem_shared>>)
        tpu.yield
      }) : () -> ()
      %scan3A_108 = arith.constant 0 : i32
      scf.yield %scan3A_108 : i32
    }
    %scan3A_50 = arith.constant 20 : i32
    "tpu.region"() ({
      %run_scoped3A = tpu.sem_alloc : memref<!tpu.dma_semaphore, #tpu.memory_space<semaphore_mem>>
      %dma_start3A_75 = arith.constant 40 : i32
      %dma_start3A_76 = arith.constant 0 : i32
      %dma_start3A_77 = tpu.memref_slice %arg3[%add3A, %dma_start3A_75, %dma_start3A_76] : memref<32x80x125xi32, #tpu.memory_space<hbm>> -> memref<1x40x125xi32, #tpu.memory_space<hbm>>
      %dma_start3A_78 = tpu.memref_squeeze %dma_start3A_77 : memref<1x40x125xi32, #tpu.memory_space<hbm>> -> memref<40x125xi32, #tpu.memory_space<hbm>>
      %dma_start3A_79 = arith.constant 40 : i32
      %dma_start3A_80 = arith.constant 0 : i32
      %dma_start3A_81 = tpu.memref_slice %arg3[%add3A, %dma_start3A_79, %dma_start3A_80] : memref<32x80x125xi32, #tpu.memory_space<hbm>> -> memref<1x40x125xi32, #tpu.memory_space<hbm>>
      %dma_start3A_82 = tpu.memref_squeeze %dma_start3A_81 : memref<1x40x125xi32, #tpu.memory_space<hbm>> -> memref<40x125xi32, #tpu.memory_space<hbm>>
      tpu.enqueue_dma source(%dma_start3A_82 : memref<40x125xi32, #tpu.memory_space<hbm>>) target(%arg6 : memref<40x125xi32, #tpu.memory_space<vmem>>) target_semaphore(%run_scoped3A : memref<!tpu.dma_semaphore, #tpu.memory_space<semaphore_mem>>)
      %dma_wait3A = arith.constant 40 : i32
      %dma_wait3A_83 = arith.constant 0 : i32
      %dma_wait3A_84 = tpu.memref_slice %arg3[%add3A, %dma_wait3A, %dma_wait3A_83] : memref<32x80x125xi32, #tpu.memory_space<hbm>> -> memref<1x40x125xi32, #tpu.memory_space<hbm>>
      %dma_wait3A_85 = tpu.memref_squeeze %dma_wait3A_84 : memref<1x40x125xi32, #tpu.memory_space<hbm>> -> memref<40x125xi32, #tpu.memory_space<hbm>>
      %dma_wait3A_86 = arith.constant 40 : i32
      %dma_wait3A_87 = arith.constant 0 : i32
      %dma_wait3A_88 = tpu.memref_slice %arg3[%add3A, %dma_wait3A_86, %dma_wait3A_87] : memref<32x80x125xi32, #tpu.memory_space<hbm>> -> memref<1x40x125xi32, #tpu.memory_space<hbm>>
      %dma_wait3A_89 = tpu.memref_squeeze %dma_wait3A_88 : memref<1x40x125xi32, #tpu.memory_space<hbm>> -> memref<40x125xi32, #tpu.memory_space<hbm>>
      tpu.wait_dma2 semaphore(%run_scoped3A : memref<!tpu.dma_semaphore, #tpu.memory_space<semaphore_mem>>) src(%dma_wait3A_89 : memref<40x125xi32, #tpu.memory_space<hbm>>) dst(%arg6 : memref<40x125xi32, #tpu.memory_space<vmem>>)
      tpu.yield
    }) : () -> ()
    "tpu.region"() ({
      %run_scoped3A = tpu.sem_alloc : memref<!tpu.dma_semaphore, #tpu.memory_space<semaphore_mem>>
      %dma_start3A_75 = arith.constant 40 : i32
      %dma_start3A_76 = arith.constant 0 : i32
      %dma_start3A_77 = tpu.memref_slice %arg4[%add3A, %dma_start3A_75, %dma_start3A_76] : memref<32x80x125xi32, #tpu.memory_space<hbm>> -> memref<1x40x125xi32, #tpu.memory_space<hbm>>
      %dma_start3A_78 = tpu.memref_squeeze %dma_start3A_77 : memref<1x40x125xi32, #tpu.memory_space<hbm>> -> memref<40x125xi32, #tpu.memory_space<hbm>>
      %dma_start3A_79 = arith.constant 40 : i32
      %dma_start3A_80 = arith.constant 0 : i32
      %dma_start3A_81 = tpu.memref_slice %arg4[%add3A, %dma_start3A_79, %dma_start3A_80] : memref<32x80x125xi32, #tpu.memory_space<hbm>> -> memref<1x40x125xi32, #tpu.memory_space<hbm>>
      %dma_start3A_82 = tpu.memref_squeeze %dma_start3A_81 : memref<1x40x125xi32, #tpu.memory_space<hbm>> -> memref<40x125xi32, #tpu.memory_space<hbm>>
      tpu.enqueue_dma source(%dma_start3A_82 : memref<40x125xi32, #tpu.memory_space<hbm>>) target(%arg7 : memref<40x125xi32, #tpu.memory_space<vmem>>) target_semaphore(%run_scoped3A : memref<!tpu.dma_semaphore, #tpu.memory_space<semaphore_mem>>)
      %dma_wait3A = arith.constant 40 : i32
      %dma_wait3A_83 = arith.constant 0 : i32
      %dma_wait3A_84 = tpu.memref_slice %arg4[%add3A, %dma_wait3A, %dma_wait3A_83] : memref<32x80x125xi32, #tpu.memory_space<hbm>> -> memref<1x40x125xi32, #tpu.memory_space<hbm>>
      %dma_wait3A_85 = tpu.memref_squeeze %dma_wait3A_84 : memref<1x40x125xi32, #tpu.memory_space<hbm>> -> memref<40x125xi32, #tpu.memory_space<hbm>>
      %dma_wait3A_86 = arith.constant 40 : i32
      %dma_wait3A_87 = arith.constant 0 : i32
      %dma_wait3A_88 = tpu.memref_slice %arg4[%add3A, %dma_wait3A_86, %dma_wait3A_87] : memref<32x80x125xi32, #tpu.memory_space<hbm>> -> memref<1x40x125xi32, #tpu.memory_space<hbm>>
      %dma_wait3A_89 = tpu.memref_squeeze %dma_wait3A_88 : memref<1x40x125xi32, #tpu.memory_space<hbm>> -> memref<40x125xi32, #tpu.memory_space<hbm>>
      tpu.wait_dma2 semaphore(%run_scoped3A : memref<!tpu.dma_semaphore, #tpu.memory_space<semaphore_mem>>) src(%dma_wait3A_89 : memref<40x125xi32, #tpu.memory_space<hbm>>) dst(%arg7 : memref<40x125xi32, #tpu.memory_space<vmem>>)
      tpu.yield
    }) : () -> ()
    %dma_start3A_51 = arith.constant 0 : i32
    %dma_start3A_52 = arith.constant 0 : i32
    %dma_start3A_53 = tpu.memref_slice %arg6[%dma_start3A_51, %dma_start3A_52] : memref<40x125xi32, #tpu.memory_space<vmem>> -> memref<1x125xi32, #tpu.memory_space<vmem>>
    %dma_start3A_54 = tpu.memref_squeeze %dma_start3A_53 : memref<1x125xi32, #tpu.memory_space<vmem>> -> memref<125xi32, #tpu.memory_space<vmem>>
    %dma_start3A_55 = arith.constant 0 : i32
    %dma_start3A_56 = arith.constant 0 : i32
    %dma_start3A_57 = tpu.memref_slice %arg2[%dma_start3A_55, %dma_start3A_56] : memref<10000x128xf32, #tpu.memory_space<hbm>> -> memref<10000x128xf32, #tpu.memory_space<hbm>>
    tpu.enqueue_indirect_dma source(%dma_start3A_57 : memref<10000x128xf32, #tpu.memory_space<hbm>>) target(%arg8 : memref<125x128xf32, #tpu.memory_space<vmem>>) offsets(%dma_start3A_54 : memref<125xi32, #tpu.memory_space<vmem>>) semaphore(%arg11 : memref<!tpu.dma_semaphore, #tpu.memory_space<semaphore_mem>>)
    %scan3A_58 = arith.constant 0 : i32
    %scan3A_59 = arith.constant 0 : i32
    %scan3A_60 = arith.constant 20 : i32
    %scan3A_61 = arith.addi %scan3A_59, %scan3A_60 : i32
    %scan3A_62 = arith.constant 1 : i32
    %scan3A_63 = scf.for %scan3A_75 = %scan3A_59 to %scan3A_61 step %scan3A_62 iter_args(%scan3A_76 = %scan3A_58) -> (i32)  : i32 {
      %mul3A_77 = arith.constant 2 : i32
      %mul3A_78 = arith.muli %mul3A_77, %scan3A_75 : i32
      %add3A_79 = arith.constant 1 : i32
      %add3A_80 = arith.addi %mul3A_78, %add3A_79 : i32
      %dma_start3A_81 = arith.constant 0 : i32
      %dma_start3A_82 = tpu.memref_slice %arg6[%add3A_80, %dma_start3A_81] : memref<40x125xi32, #tpu.memory_space<vmem>> -> memref<1x125xi32, #tpu.memory_space<vmem>>
      %dma_start3A_83 = tpu.memref_squeeze %dma_start3A_82 : memref<1x125xi32, #tpu.memory_space<vmem>> -> memref<125xi32, #tpu.memory_space<vmem>>
      %dma_start3A_84 = arith.constant 0 : i32
      %dma_start3A_85 = arith.constant 0 : i32
      %dma_start3A_86 = tpu.memref_slice %arg2[%dma_start3A_84, %dma_start3A_85] : memref<10000x128xf32, #tpu.memory_space<hbm>> -> memref<10000x128xf32, #tpu.memory_space<hbm>>
      tpu.enqueue_indirect_dma source(%dma_start3A_86 : memref<10000x128xf32, #tpu.memory_space<hbm>>) target(%arg9 : memref<125x128xf32, #tpu.memory_space<vmem>>) offsets(%dma_start3A_83 : memref<125xi32, #tpu.memory_space<vmem>>) semaphore(%arg12 : memref<!tpu.dma_semaphore, #tpu.memory_space<semaphore_mem>>)
      %dma_wait3A = arith.constant 0 : i32
      %dma_wait3A_87 = tpu.memref_slice %arg6[%mul3A_78, %dma_wait3A] : memref<40x125xi32, #tpu.memory_space<vmem>> -> memref<1x125xi32, #tpu.memory_space<vmem>>
      %dma_wait3A_88 = tpu.memref_squeeze %dma_wait3A_87 : memref<1x125xi32, #tpu.memory_space<vmem>> -> memref<125xi32, #tpu.memory_space<vmem>>
      %dma_wait3A_89 = arith.constant 0 : i32
      %dma_wait3A_90 = arith.constant 0 : i32
      %dma_wait3A_91 = tpu.memref_slice %arg2[%dma_wait3A_89, %dma_wait3A_90] : memref<10000x128xf32, #tpu.memory_space<hbm>> -> memref<10000x128xf32, #tpu.memory_space<hbm>>
      tpu.wait_indirect_dma semaphore(%arg11 : memref<!tpu.dma_semaphore, #tpu.memory_space<semaphore_mem>>) src(%dma_wait3A_91 : memref<10000x128xf32, #tpu.memory_space<hbm>>) dst(%arg8 : memref<125x128xf32, #tpu.memory_space<vmem>>)
      "tpu.region"() ({
        %run_scoped3A = tpu.sem_alloc : memref<!tpu.dma_semaphore, #tpu.memory_space<semaphore_mem>>
        %dma_start3A_109 = arith.constant 0 : i32
        %dma_start3A_110 = tpu.memref_slice %arg7[%mul3A_78, %dma_start3A_109] : memref<40x125xi32, #tpu.memory_space<vmem>> -> memref<1x125xi32, #tpu.memory_space<vmem>>
        %dma_start3A_111 = tpu.memref_squeeze %dma_start3A_110 : memref<1x125xi32, #tpu.memory_space<vmem>> -> memref<125xi32, #tpu.memory_space<vmem>>
        %dma_start3A_112 = arith.constant 0 : i32
        %dma_start3A_113 = arith.constant 0 : i32
        %dma_start3A_114 = tpu.memref_slice %arg10[%dma_start3A_112, %dma_start3A_113] : memref<10000x128xf32, #tpu.memory_space<vmem_shared>> -> memref<10000x128xf32, #tpu.memory_space<vmem_shared>>
        tpu.enqueue_indirect_dma source(%arg8 : memref<125x128xf32, #tpu.memory_space<vmem>>) target(%dma_start3A_114 : memref<10000x128xf32, #tpu.memory_space<vmem_shared>>) offsets(%dma_start3A_111 : memref<125xi32, #tpu.memory_space<vmem>>) semaphore(%run_scoped3A : memref<!tpu.dma_semaphore, #tpu.memory_space<semaphore_mem>>) {add = true}
        %dma_wait3A_115 = arith.constant 0 : i32
        %dma_wait3A_116 = tpu.memref_slice %arg7[%mul3A_78, %dma_wait3A_115] : memref<40x125xi32, #tpu.memory_space<vmem>> -> memref<1x125xi32, #tpu.memory_space<vmem>>
        %dma_wait3A_117 = tpu.memref_squeeze %dma_wait3A_116 : memref<1x125xi32, #tpu.memory_space<vmem>> -> memref<125xi32, #tpu.memory_space<vmem>>
        %dma_wait3A_118 = arith.constant 0 : i32
        %dma_wait3A_119 = arith.constant 0 : i32
        %dma_wait3A_120 = tpu.memref_slice %arg10[%dma_wait3A_118, %dma_wait3A_119] : memref<10000x128xf32, #tpu.memory_space<vmem_shared>> -> memref<10000x128xf32, #tpu.memory_space<vmem_shared>>
        tpu.wait_indirect_dma semaphore(%run_scoped3A : memref<!tpu.dma_semaphore, #tpu.memory_space<semaphore_mem>>) src(%arg8 : memref<125x128xf32, #tpu.memory_space<vmem>>) dst(%dma_wait3A_120 : memref<10000x128xf32, #tpu.memory_space<vmem_shared>>)
        tpu.yield
      }) : () -> ()
      %add3A_92 = arith.constant 2 : i32
      %add3A_93 = arith.addi %mul3A_78, %add3A_92 : i32
      %lt3A = arith.constant 40 : i32
      %lt3A_94 = arith.cmpi slt, %add3A_93, %lt3A : i32
      %convert_element_type3A_95 = arith.extui %lt3A_94 : i1 to i32
      %cond3A_96 = arith.constant 0 : i32
      %cond3A_97 = arith.cmpi ne, %convert_element_type3A_95, %cond3A_96 : i32
      scf.if %cond3A_97 {
        %add3A_109 = arith.constant 2 : i32
        %add3A_110 = arith.addi %mul3A_78, %add3A_109 : i32
        %dma_start3A_111 = arith.constant 0 : i32
        %dma_start3A_112 = tpu.memref_slice %arg6[%add3A_110, %dma_start3A_111] : memref<40x125xi32, #tpu.memory_space<vmem>> -> memref<1x125xi32, #tpu.memory_space<vmem>>
        %dma_start3A_113 = tpu.memref_squeeze %dma_start3A_112 : memref<1x125xi32, #tpu.memory_space<vmem>> -> memref<125xi32, #tpu.memory_space<vmem>>
        %dma_start3A_114 = arith.constant 0 : i32
        %dma_start3A_115 = arith.constant 0 : i32
        %dma_start3A_116 = tpu.memref_slice %arg2[%dma_start3A_114, %dma_start3A_115] : memref<10000x128xf32, #tpu.memory_space<hbm>> -> memref<10000x128xf32, #tpu.memory_space<hbm>>
        tpu.enqueue_indirect_dma source(%dma_start3A_116 : memref<10000x128xf32, #tpu.memory_space<hbm>>) target(%arg8 : memref<125x128xf32, #tpu.memory_space<vmem>>) offsets(%dma_start3A_113 : memref<125xi32, #tpu.memory_space<vmem>>) semaphore(%arg11 : memref<!tpu.dma_semaphore, #tpu.memory_space<semaphore_mem>>)
      } else {
      }
      %add3A_98 = arith.constant 1 : i32
      %add3A_99 = arith.addi %mul3A_78, %add3A_98 : i32
      %dma_wait3A_100 = arith.constant 0 : i32
      %dma_wait3A_101 = tpu.memref_slice %arg6[%add3A_99, %dma_wait3A_100] : memref<40x125xi32, #tpu.memory_space<vmem>> -> memref<1x125xi32, #tpu.memory_space<vmem>>
      %dma_wait3A_102 = tpu.memref_squeeze %dma_wait3A_101 : memref<1x125xi32, #tpu.memory_space<vmem>> -> memref<125xi32, #tpu.memory_space<vmem>>
      %dma_wait3A_103 = arith.constant 0 : i32
      %dma_wait3A_104 = arith.constant 0 : i32
      %dma_wait3A_105 = tpu.memref_slice %arg2[%dma_wait3A_103, %dma_wait3A_104] : memref<10000x128xf32, #tpu.memory_space<hbm>> -> memref<10000x128xf32, #tpu.memory_space<hbm>>
      tpu.wait_indirect_dma semaphore(%arg12 : memref<!tpu.dma_semaphore, #tpu.memory_space<semaphore_mem>>) src(%dma_wait3A_105 : memref<10000x128xf32, #tpu.memory_space<hbm>>) dst(%arg9 : memref<125x128xf32, #tpu.memory_space<vmem>>)
      %add3A_106 = arith.constant 1 : i32
      %add3A_107 = arith.addi %mul3A_78, %add3A_106 : i32
      "tpu.region"() ({
        %run_scoped3A = tpu.sem_alloc : memref<!tpu.dma_semaphore, #tpu.memory_space<semaphore_mem>>
        %dma_start3A_109 = arith.constant 0 : i32
        %dma_start3A_110 = tpu.memref_slice %arg7[%add3A_107, %dma_start3A_109] : memref<40x125xi32, #tpu.memory_space<vmem>> -> memref<1x125xi32, #tpu.memory_space<vmem>>
        %dma_start3A_111 = tpu.memref_squeeze %dma_start3A_110 : memref<1x125xi32, #tpu.memory_space<vmem>> -> memref<125xi32, #tpu.memory_space<vmem>>
        %dma_start3A_112 = arith.constant 0 : i32
        %dma_start3A_113 = arith.constant 0 : i32
        %dma_start3A_114 = tpu.memref_slice %arg10[%dma_start3A_112, %dma_start3A_113] : memref<10000x128xf32, #tpu.memory_space<vmem_shared>> -> memref<10000x128xf32, #tpu.memory_space<vmem_shared>>
        tpu.enqueue_indirect_dma source(%arg9 : memref<125x128xf32, #tpu.memory_space<vmem>>) target(%dma_start3A_114 : memref<10000x128xf32, #tpu.memory_space<vmem_shared>>) offsets(%dma_start3A_111 : memref<125xi32, #tpu.memory_space<vmem>>) semaphore(%run_scoped3A : memref<!tpu.dma_semaphore, #tpu.memory_space<semaphore_mem>>) {add = true}
        %dma_wait3A_115 = arith.constant 0 : i32
        %dma_wait3A_116 = tpu.memref_slice %arg7[%add3A_107, %dma_wait3A_115] : memref<40x125xi32, #tpu.memory_space<vmem>> -> memref<1x125xi32, #tpu.memory_space<vmem>>
        %dma_wait3A_117 = tpu.memref_squeeze %dma_wait3A_116 : memref<1x125xi32, #tpu.memory_space<vmem>> -> memref<125xi32, #tpu.memory_space<vmem>>
        %dma_wait3A_118 = arith.constant 0 : i32
        %dma_wait3A_119 = arith.constant 0 : i32
        %dma_wait3A_120 = tpu.memref_slice %arg10[%dma_wait3A_118, %dma_wait3A_119] : memref<10000x128xf32, #tpu.memory_space<vmem_shared>> -> memref<10000x128xf32, #tpu.memory_space<vmem_shared>>
        tpu.wait_indirect_dma semaphore(%run_scoped3A : memref<!tpu.dma_semaphore, #tpu.memory_space<semaphore_mem>>) src(%arg9 : memref<125x128xf32, #tpu.memory_space<vmem>>) dst(%dma_wait3A_120 : memref<10000x128xf32, #tpu.memory_space<vmem_shared>>)
        tpu.yield
      }) : () -> ()
      %scan3A_108 = arith.constant 0 : i32
      scf.yield %scan3A_108 : i32
    }
    %scan3A_64 = arith.constant 20 : i32
    %barrier3A_65 = arith.constant 0 : index
    tpu.barrier barrier_id(%barrier3A_65)
    %mul3A_66 = arith.constant 624 : i32
    %mul3A_67 = arith.muli %arg1, %mul3A_66 : i32
    %mul3A_68 = arith.constant 624 : i32
    %mul3A_69 = arith.muli %arg1, %mul3A_68 : i32
    "tpu.region"() ({
      %run_scoped3A = tpu.sem_alloc : memref<!tpu.dma_semaphore, #tpu.memory_space<semaphore_mem>>
      %dma_start3A_75 = arith.constant 0 : i32
      %dma_start3A_76 = tpu.memref_slice %arg5[%arg0, %mul3A_69, %dma_start3A_75] : memref<2x10000x128xf32, #tpu.memory_space<hbm>> -> memref<1x624x128xf32, #tpu.memory_space<hbm>>
      %dma_start3A_77 = tpu.memref_squeeze %dma_start3A_76 : memref<1x624x128xf32, #tpu.memory_space<hbm>> -> memref<624x128xf32, #tpu.memory_space<hbm>>
      %dma_start3A_78 = arith.constant 0 : i32
      %dma_start3A_79 = tpu.memref_slice %arg10[%mul3A_67, %dma_start3A_78] : memref<10000x128xf32, #tpu.memory_space<vmem_shared>> -> memref<624x128xf32, #tpu.memory_space<vmem_shared>>
      tpu.enqueue_dma source(%dma_start3A_79 : memref<624x128xf32, #tpu.memory_space<vmem_shared>>) target(%dma_start3A_77 : memref<624x128xf32, #tpu.memory_space<hbm>>) target_semaphore(%run_scoped3A : memref<!tpu.dma_semaphore, #tpu.memory_space<semaphore_mem>>)
      %dma_wait3A = arith.constant 0 : i32
      %dma_wait3A_80 = tpu.memref_slice %arg5[%arg0, %mul3A_69, %dma_wait3A] : memref<2x10000x128xf32, #tpu.memory_space<hbm>> -> memref<1x624x128xf32, #tpu.memory_space<hbm>>
      %dma_wait3A_81 = tpu.memref_squeeze %dma_wait3A_80 : memref<1x624x128xf32, #tpu.memory_space<hbm>> -> memref<624x128xf32, #tpu.memory_space<hbm>>
      %dma_wait3A_82 = arith.constant 0 : i32
      %dma_wait3A_83 = tpu.memref_slice %arg10[%mul3A_67, %dma_wait3A_82] : memref<10000x128xf32, #tpu.memory_space<vmem_shared>> -> memref<624x128xf32, #tpu.memory_space<vmem_shared>>
      tpu.wait_dma2 semaphore(%run_scoped3A : memref<!tpu.dma_semaphore, #tpu.memory_space<semaphore_mem>>) src(%dma_wait3A_83 : memref<624x128xf32, #tpu.memory_space<vmem_shared>>) dst(%dma_wait3A_81 : memref<624x128xf32, #tpu.memory_space<hbm>>)
      tpu.yield
    }) : () -> ()
    %eq3A_70 = arith.constant 15 : i32
    %eq3A_71 = arith.cmpi eq, %arg1, %eq3A_70 : i32
    %convert_element_type3A_72 = arith.extui %eq3A_71 : i1 to i32
    %cond3A_73 = arith.constant 0 : i32
    %cond3A_74 = arith.cmpi ne, %convert_element_type3A_72, %cond3A_73 : i32
    scf.if %cond3A_74 {
      "tpu.region"() ({
        %run_scoped3A = tpu.sem_alloc : memref<!tpu.dma_semaphore, #tpu.memory_space<semaphore_mem>>
        %dma_start3A_75 = arith.constant 9984 : i32
        %dma_start3A_76 = arith.constant 0 : i32
        %dma_start3A_77 = tpu.memref_slice %arg5[%arg0, %dma_start3A_75, %dma_start3A_76] : memref<2x10000x128xf32, #tpu.memory_space<hbm>> -> memref<1x16x128xf32, #tpu.memory_space<hbm>>
        %dma_start3A_78 = tpu.memref_squeeze %dma_start3A_77 : memref<1x16x128xf32, #tpu.memory_space<hbm>> -> memref<16x128xf32, #tpu.memory_space<hbm>>
        %dma_start3A_79 = arith.constant 9984 : i32
        %dma_start3A_80 = arith.constant 0 : i32
        %dma_start3A_81 = tpu.memref_slice %arg10[%dma_start3A_79, %dma_start3A_80] : memref<10000x128xf32, #tpu.memory_space<vmem_shared>> -> memref<16x128xf32, #tpu.memory_space<vmem_shared>>
        tpu.enqueue_dma source(%dma_start3A_81 : memref<16x128xf32, #tpu.memory_space<vmem_shared>>) target(%dma_start3A_78 : memref<16x128xf32, #tpu.memory_space<hbm>>) target_semaphore(%run_scoped3A : memref<!tpu.dma_semaphore, #tpu.memory_space<semaphore_mem>>)
        %dma_wait3A = arith.constant 9984 : i32
        %dma_wait3A_82 = arith.constant 0 : i32
        %dma_wait3A_83 = tpu.memref_slice %arg5[%arg0, %dma_wait3A, %dma_wait3A_82] : memref<2x10000x128xf32, #tpu.memory_space<hbm>> -> memref<1x16x128xf32, #tpu.memory_space<hbm>>
        %dma_wait3A_84 = tpu.memref_squeeze %dma_wait3A_83 : memref<1x16x128xf32, #tpu.memory_space<hbm>> -> memref<16x128xf32, #tpu.memory_space<hbm>>
        %dma_wait3A_85 = arith.constant 9984 : i32
        %dma_wait3A_86 = arith.constant 0 : i32
        %dma_wait3A_87 = tpu.memref_slice %arg10[%dma_wait3A_85, %dma_wait3A_86] : memref<10000x128xf32, #tpu.memory_space<vmem_shared>> -> memref<16x128xf32, #tpu.memory_space<vmem_shared>>
        tpu.wait_dma2 semaphore(%run_scoped3A : memref<!tpu.dma_semaphore, #tpu.memory_space<semaphore_mem>>) src(%dma_wait3A_87 : memref<16x128xf32, #tpu.memory_space<vmem_shared>>) dst(%dma_wait3A_84 : memref<16x128xf32, #tpu.memory_space<hbm>>)
        tpu.yield
      }) : () -> ()
    } else {
    }
    return
  }
}

#map = affine_map<(d0, d1) -> (0, 0)>
#map1 = affine_map<(d0, d1) -> (0, 0, 0)>
module attributes {stable_mosaic.version = 14 : i64} {
  func.func @agg_kernel(%arg0: i32, %arg1: i32, %arg2: memref<10000x128xf32, #tpu.memory_space<hbm>>, %arg3: memref<32x80x125xi32, #tpu.memory_space<hbm>>, %arg4: memref<32x80x125xi32, #tpu.memory_space<hbm>>, %arg5: memref<2x10000x128xf32, #tpu.memory_space<hbm>>, %arg6: memref<40x125xi32, #tpu.memory_space<vmem>>, %arg7: memref<40x125xi32, #tpu.memory_space<vmem>>, %arg8: memref<125x128xf32, #tpu.memory_space<vmem>>, %arg9: memref<125x128xf32, #tpu.memory_space<vmem>>, %arg10: memref<10000x128xf32, #tpu.memory_space<vmem_shared>>, %arg11: memref<!tpu.dma_semaphore, #tpu.memory_space<semaphore_mem>>, %arg12: memref<!tpu.dma_semaphore, #tpu.memory_space<semaphore_mem>>) attributes {dimension_semantics = [#tpu.dimension_semantics<core_parallel>, #tpu.dimension_semantics<subcore_parallel>], iteration_bounds = array<i64: 2, 16>, scalar_prefetch = 0 : i64, scratch_operands = 7 : i64, tpu.core_type = #tpu.core_type<sc_vector_subcore>, window_params = [{transform_indices = #map}, {transform_indices = #map1}, {transform_indices = #map1}, {transform_indices = #map1}]} {
    %mul3A = arith.constant 16 : i32
    %mul3A_0 = arith.muli %arg0, %mul3A : i32
    %add3A = arith.addi %mul3A_0, %arg1 : i32
    %broadcast_in_dim3A = arith.constant 0.000000e+00 : f32
    %broadcast_in_dim3A_1 = vector.broadcast %broadcast_in_dim3A : f32 to vector<16xf32>
    %scan3A = arith.constant 0 : i32
    %scan3A_2 = arith.constant 0 : i32
    %scan3A_3 = arith.constant 96 : i32
    %scan3A_4 = arith.addi %scan3A_2, %scan3A_3 : i32
    %scan3A_5 = arith.constant 1 : i32
    %scan3A_6 = scf.for %scan3A_75 = %scan3A_2 to %scan3A_4 step %scan3A_5 iter_args(%scan3A_76 = %scan3A) -> (i32)  : i32 {
      %scan3A_77 = arith.constant 0 : i32
      %scan3A_78 = arith.constant 0 : i32
      %scan3A_79 = arith.constant 8 : i32
      %scan3A_80 = arith.addi %scan3A_78, %scan3A_79 : i32
      %scan3A_81 = arith.constant 1 : i32
      %scan3A_82 = scf.for %scan3A_84 = %scan3A_78 to %scan3A_80 step %scan3A_81 iter_args(%scan3A_85 = %scan3A_77) -> (i32)  : i32 {
        %mul3A_86 = arith.constant 16 : i32
        %mul3A_87 = arith.muli %scan3A_84, %mul3A_86 : i32
        %swap3A = arith.index_cast %scan3A_75 : i32 to index
        %swap3A_88 = arith.index_cast %mul3A_87 : i32 to index
        %swap3A_89 = tpu.vector_load %arg8[%swap3A, %swap3A_88] {strides = array<i32>} : memref<125x128xf32, #tpu.memory_space<vmem>>, vector<1x16xf32>,
        %swap3A_90 = vector.shape_cast %swap3A_89 : vector<1x16xf32> to vector<16xf32>
        %swap3A_91 = vector.shape_cast %broadcast_in_dim3A_1 : vector<16xf32> to vector<1x16xf32>
        tpu.vector_store %arg8[%swap3A, %swap3A_88], %swap3A_91 {strides = array<i32>} : memref<125x128xf32, #tpu.memory_space<vmem>>, vector<1x16xf32>,
        %scan3A_92 = arith.constant 0 : i32
        scf.yield %scan3A_92 : i32
      }
      %scan3A_83 = arith.constant 8 : i32
      scf.yield %scan3A_82 : i32
    }
    %scan3A_7 = arith.constant 96 : i32
    %mul3A_8 = arith.constant 624 : i32
    %mul3A_9 = arith.muli %arg1, %mul3A_8 : i32
    %add3A_10 = arith.constant 0 : i32
    %add3A_11 = arith.addi %mul3A_9, %add3A_10 : i32
    "tpu.region"() ({
      %run_scoped3A = tpu.sem_alloc : memref<!tpu.dma_semaphore, #tpu.memory_space<semaphore_mem>>
      %dma_start3A_75 = arith.constant 0 : i32
      %dma_start3A_76 = arith.constant 0 : i32
      %dma_start3A_77 = tpu.memref_slice %arg8[%dma_start3A_75, %dma_start3A_76] : memref<125x128xf32, #tpu.memory_space<vmem>> -> memref<96x128xf32, #tpu.memory_space<vmem>>
      %dma_start3A_78 = arith.constant 0 : i32
      %dma_start3A_79 = tpu.memref_slice %arg10[%add3A_11, %dma_start3A_78] : memref<10000x128xf32, #tpu.memory_space<vmem_shared>> -> memref<96x128xf32, #tpu.memory_space<vmem_shared>>
      %dma_start3A_80 = arith.constant 0 : i32
      %dma_start3A_81 = tpu.memref_slice %arg10[%add3A_11, %dma_start3A_80] : memref<10000x128xf32, #tpu.memory_space<vmem_shared>> -> memref<96x128xf32, #tpu.memory_space<vmem_shared>>
      %dma_start3A_82 = arith.constant 0 : i32
      %dma_start3A_83 = arith.constant 0 : i32
      %dma_start3A_84 = tpu.memref_slice %arg8[%dma_start3A_82, %dma_start3A_83] : memref<125x128xf32, #tpu.memory_space<vmem>> -> memref<96x128xf32, #tpu.memory_space<vmem>>
      tpu.enqueue_dma source(%dma_start3A_84 : memref<96x128xf32, #tpu.memory_space<vmem>>) target(%dma_start3A_81 : memref<96x128xf32, #tpu.memory_space<vmem_shared>>) target_semaphore(%run_scoped3A : memref<!tpu.dma_semaphore, #tpu.memory_space<semaphore_mem>>)
      %dma_wait3A = arith.constant 0 : i32
      %dma_wait3A_85 = arith.constant 0 : i32
      %dma_wait3A_86 = tpu.memref_slice %arg8[%dma_wait3A, %dma_wait3A_85] : memref<125x128xf32, #tpu.memory_space<vmem>> -> memref<96x128xf32, #tpu.memory_space<vmem>>
      %dma_wait3A_87 = arith.constant 0 : i32
      %dma_wait3A_88 = tpu.memref_slice %arg10[%add3A_11, %dma_wait3A_87] : memref<10000x128xf32, #tpu.memory_space<vmem_shared>> -> memref<96x128xf32, #tpu.memory_space<vmem_shared>>
      %dma_wait3A_89 = arith.constant 0 : i32
      %dma_wait3A_90 = tpu.memref_slice %arg10[%add3A_11, %dma_wait3A_89] : memref<10000x128xf32, #tpu.memory_space<vmem_shared>> -> memref<96x128xf32, #tpu.memory_space<vmem_shared>>
      %dma_wait3A_91 = arith.constant 0 : i32
      %dma_wait3A_92 = arith.constant 0 : i32
      %dma_wait3A_93 = tpu.memref_slice %arg8[%dma_wait3A_91, %dma_wait3A_92] : memref<125x128xf32, #tpu.memory_space<vmem>> -> memref<96x128xf32, #tpu.memory_space<vmem>>
      tpu.wait_dma2 semaphore(%run_scoped3A : memref<!tpu.dma_semaphore, #tpu.memory_space<semaphore_mem>>) src(%dma_wait3A_93 : memref<96x128xf32, #tpu.memory_space<vmem>>) dst(%dma_wait3A_90 : memref<96x128xf32, #tpu.memory_space<vmem_shared>>)
      tpu.yield
    }) : () -> ()
    %mul3A_12 = arith.constant 624 : i32
    %mul3A_13 = arith.muli %arg1, %mul3A_12 : i32
    %add3A_14 = arith.constant 96 : i32
    %add3A_15 = arith.addi %mul3A_13, %add3A_14 : i32
    "tpu.region"() ({
      %run_scoped3A = tpu.sem_alloc : memref<!tpu.dma_semaphore, #tpu.memory_space<semaphore_mem>>
      %dma_start3A_75 = arith.constant 0 : i32
      %dma_start3A_76 = arith.constant 0 : i32
      %dma_start3A_77 = tpu.memref_slice %arg8[%dma_start3A_75, %dma_start3A_76] : memref<125x128xf32, #tpu.memory_space<vmem>> -> memref<96x128xf32, #tpu.memory_space<vmem>>
      %dma_start3A_78 = arith.constant 0 : i32
      %dma_start3A_79 = tpu.memref_slice %arg10[%add3A_15, %dma_start3A_78] : memref<10000x128xf32, #tpu.memory_space<vmem_shared>> -> memref<96x128xf32, #tpu.memory_space<vmem_shared>>
      %dma_start3A_80 = arith.constant 0 : i32
      %dma_start3A_81 = tpu.memref_slice %arg10[%add3A_15, %dma_start3A_80] : memref<10000x128xf32, #tpu.memory_space<vmem_shared>> -> memref<96x128xf32, #tpu.memory_space<vmem_shared>>
      %dma_start3A_82 = arith.constant 0 : i32
      %dma_start3A_83 = arith.constant 0 : i32
      %dma_start3A_84 = tpu.memref_slice %arg8[%dma_start3A_82, %dma_start3A_83] : memref<125x128xf32, #tpu.memory_space<vmem>> -> memref<96x128xf32, #tpu.memory_space<vmem>>
      tpu.enqueue_dma source(%dma_start3A_84 : memref<96x128xf32, #tpu.memory_space<vmem>>) target(%dma_start3A_81 : memref<96x128xf32, #tpu.memory_space<vmem_shared>>) target_semaphore(%run_scoped3A : memref<!tpu.dma_semaphore, #tpu.memory_space<semaphore_mem>>)
      %dma_wait3A = arith.constant 0 : i32
      %dma_wait3A_85 = arith.constant 0 : i32
      %dma_wait3A_86 = tpu.memref_slice %arg8[%dma_wait3A, %dma_wait3A_85] : memref<125x128xf32, #tpu.memory_space<vmem>> -> memref<96x128xf32, #tpu.memory_space<vmem>>
      %dma_wait3A_87 = arith.constant 0 : i32
      %dma_wait3A_88 = tpu.memref_slice %arg10[%add3A_15, %dma_wait3A_87] : memref<10000x128xf32, #tpu.memory_space<vmem_shared>> -> memref<96x128xf32, #tpu.memory_space<vmem_shared>>
      %dma_wait3A_89 = arith.constant 0 : i32
      %dma_wait3A_90 = tpu.memref_slice %arg10[%add3A_15, %dma_wait3A_89] : memref<10000x128xf32, #tpu.memory_space<vmem_shared>> -> memref<96x128xf32, #tpu.memory_space<vmem_shared>>
      %dma_wait3A_91 = arith.constant 0 : i32
      %dma_wait3A_92 = arith.constant 0 : i32
      %dma_wait3A_93 = tpu.memref_slice %arg8[%dma_wait3A_91, %dma_wait3A_92] : memref<125x128xf32, #tpu.memory_space<vmem>> -> memref<96x128xf32, #tpu.memory_space<vmem>>
      tpu.wait_dma2 semaphore(%run_scoped3A : memref<!tpu.dma_semaphore, #tpu.memory_space<semaphore_mem>>) src(%dma_wait3A_93 : memref<96x128xf32, #tpu.memory_space<vmem>>) dst(%dma_wait3A_90 : memref<96x128xf32, #tpu.memory_space<vmem_shared>>)
      tpu.yield
    }) : () -> ()
    %mul3A_16 = arith.constant 624 : i32
    %mul3A_17 = arith.muli %arg1, %mul3A_16 : i32
    %add3A_18 = arith.constant 192 : i32
    %add3A_19 = arith.addi %mul3A_17, %add3A_18 : i32
    "tpu.region"() ({
      %run_scoped3A = tpu.sem_alloc : memref<!tpu.dma_semaphore, #tpu.memory_space<semaphore_mem>>
      %dma_start3A_75 = arith.constant 0 : i32
      %dma_start3A_76 = arith.constant 0 : i32
      %dma_start3A_77 = tpu.memref_slice %arg8[%dma_start3A_75, %dma_start3A_76] : memref<125x128xf32, #tpu.memory_space<vmem>> -> memref<96x128xf32, #tpu.memory_space<vmem>>
      %dma_start3A_78 = arith.constant 0 : i32
      %dma_start3A_79 = tpu.memref_slice %arg10[%add3A_19, %dma_start3A_78] : memref<10000x128xf32, #tpu.memory_space<vmem_shared>> -> memref<96x128xf32, #tpu.memory_space<vmem_shared>>
      %dma_start3A_80 = arith.constant 0 : i32
      %dma_start3A_81 = tpu.memref_slice %arg10[%add3A_19, %dma_start3A_80] : memref<10000x128xf32, #tpu.memory_space<vmem_shared>> -> memref<96x128xf32, #tpu.memory_space<vmem_shared>>
      %dma_start3A_82 = arith.constant 0 : i32
      %dma_start3A_83 = arith.constant 0 : i32
      %dma_start3A_84 = tpu.memref_slice %arg8[%dma_start3A_82, %dma_start3A_83] : memref<125x128xf32, #tpu.memory_space<vmem>> -> memref<96x128xf32, #tpu.memory_space<vmem>>
      tpu.enqueue_dma source(%dma_start3A_84 : memref<96x128xf32, #tpu.memory_space<vmem>>) target(%dma_start3A_81 : memref<96x128xf32, #tpu.memory_space<vmem_shared>>) target_semaphore(%run_scoped3A : memref<!tpu.dma_semaphore, #tpu.memory_space<semaphore_mem>>)
      %dma_wait3A = arith.constant 0 : i32
      %dma_wait3A_85 = arith.constant 0 : i32
      %dma_wait3A_86 = tpu.memref_slice %arg8[%dma_wait3A, %dma_wait3A_85] : memref<125x128xf32, #tpu.memory_space<vmem>> -> memref<96x128xf32, #tpu.memory_space<vmem>>
      %dma_wait3A_87 = arith.constant 0 : i32
      %dma_wait3A_88 = tpu.memref_slice %arg10[%add3A_19, %dma_wait3A_87] : memref<10000x128xf32, #tpu.memory_space<vmem_shared>> -> memref<96x128xf32, #tpu.memory_space<vmem_shared>>
      %dma_wait3A_89 = arith.constant 0 : i32
      %dma_wait3A_90 = tpu.memref_slice %arg10[%add3A_19, %dma_wait3A_89] : memref<10000x128xf32, #tpu.memory_space<vmem_shared>> -> memref<96x128xf32, #tpu.memory_space<vmem_shared>>
      %dma_wait3A_91 = arith.constant 0 : i32
      %dma_wait3A_92 = arith.constant 0 : i32
      %dma_wait3A_93 = tpu.memref_slice %arg8[%dma_wait3A_91, %dma_wait3A_92] : memref<125x128xf32, #tpu.memory_space<vmem>> -> memref<96x128xf32, #tpu.memory_space<vmem>>
      tpu.wait_dma2 semaphore(%run_scoped3A : memref<!tpu.dma_semaphore, #tpu.memory_space<semaphore_mem>>) src(%dma_wait3A_93 : memref<96x128xf32, #tpu.memory_space<vmem>>) dst(%dma_wait3A_90 : memref<96x128xf32, #tpu.memory_space<vmem_shared>>)
      tpu.yield
    }) : () -> ()
    %mul3A_20 = arith.constant 624 : i32
    %mul3A_21 = arith.muli %arg1, %mul3A_20 : i32
    %add3A_22 = arith.constant 288 : i32
    %add3A_23 = arith.addi %mul3A_21, %add3A_22 : i32
    "tpu.region"() ({
      %run_scoped3A = tpu.sem_alloc : memref<!tpu.dma_semaphore, #tpu.memory_space<semaphore_mem>>
      %dma_start3A_75 = arith.constant 0 : i32
      %dma_start3A_76 = arith.constant 0 : i32
      %dma_start3A_77 = tpu.memref_slice %arg8[%dma_start3A_75, %dma_start3A_76] : memref<125x128xf32, #tpu.memory_space<vmem>> -> memref<96x128xf32, #tpu.memory_space<vmem>>
      %dma_start3A_78 = arith.constant 0 : i32
      %dma_start3A_79 = tpu.memref_slice %arg10[%add3A_23, %dma_start3A_78] : memref<10000x128xf32, #tpu.memory_space<vmem_shared>> -> memref<96x128xf32, #tpu.memory_space<vmem_shared>>
      %dma_start3A_80 = arith.constant 0 : i32
      %dma_start3A_81 = tpu.memref_slice %arg10[%add3A_23, %dma_start3A_80] : memref<10000x128xf32, #tpu.memory_space<vmem_shared>> -> memref<96x128xf32, #tpu.memory_space<vmem_shared>>
      %dma_start3A_82 = arith.constant 0 : i32
      %dma_start3A_83 = arith.constant 0 : i32
      %dma_start3A_84 = tpu.memref_slice %arg8[%dma_start3A_82, %dma_start3A_83] : memref<125x128xf32, #tpu.memory_space<vmem>> -> memref<96x128xf32, #tpu.memory_space<vmem>>
      tpu.enqueue_dma source(%dma_start3A_84 : memref<96x128xf32, #tpu.memory_space<vmem>>) target(%dma_start3A_81 : memref<96x128xf32, #tpu.memory_space<vmem_shared>>) target_semaphore(%run_scoped3A : memref<!tpu.dma_semaphore, #tpu.memory_space<semaphore_mem>>)
      %dma_wait3A = arith.constant 0 : i32
      %dma_wait3A_85 = arith.constant 0 : i32
      %dma_wait3A_86 = tpu.memref_slice %arg8[%dma_wait3A, %dma_wait3A_85] : memref<125x128xf32, #tpu.memory_space<vmem>> -> memref<96x128xf32, #tpu.memory_space<vmem>>
      %dma_wait3A_87 = arith.constant 0 : i32
      %dma_wait3A_88 = tpu.memref_slice %arg10[%add3A_23, %dma_wait3A_87] : memref<10000x128xf32, #tpu.memory_space<vmem_shared>> -> memref<96x128xf32, #tpu.memory_space<vmem_shared>>
      %dma_wait3A_89 = arith.constant 0 : i32
      %dma_wait3A_90 = tpu.memref_slice %arg10[%add3A_23, %dma_wait3A_89] : memref<10000x128xf32, #tpu.memory_space<vmem_shared>> -> memref<96x128xf32, #tpu.memory_space<vmem_shared>>
      %dma_wait3A_91 = arith.constant 0 : i32
      %dma_wait3A_92 = arith.constant 0 : i32
      %dma_wait3A_93 = tpu.memref_slice %arg8[%dma_wait3A_91, %dma_wait3A_92] : memref<125x128xf32, #tpu.memory_space<vmem>> -> memref<96x128xf32, #tpu.memory_space<vmem>>
      tpu.wait_dma2 semaphore(%run_scoped3A : memref<!tpu.dma_semaphore, #tpu.memory_space<semaphore_mem>>) src(%dma_wait3A_93 : memref<96x128xf32, #tpu.memory_space<vmem>>) dst(%dma_wait3A_90 : memref<96x128xf32, #tpu.memory_space<vmem_shared>>)
      tpu.yield
    }) : () -> ()
    %mul3A_24 = arith.constant 624 : i32
    %mul3A_25 = arith.muli %arg1, %mul3A_24 : i32
    %add3A_26 = arith.constant 384 : i32
    %add3A_27 = arith.addi %mul3A_25, %add3A_26 : i32
    "tpu.region"() ({
      %run_scoped3A = tpu.sem_alloc : memref<!tpu.dma_semaphore, #tpu.memory_space<semaphore_mem>>
      %dma_start3A_75 = arith.constant 0 : i32
      %dma_start3A_76 = arith.constant 0 : i32
      %dma_start3A_77 = tpu.memref_slice %arg8[%dma_start3A_75, %dma_start3A_76] : memref<125x128xf32, #tpu.memory_space<vmem>> -> memref<96x128xf32, #tpu.memory_space<vmem>>
      %dma_start3A_78 = arith.constant 0 : i32
      %dma_start3A_79 = tpu.memref_slice %arg10[%add3A_27, %dma_start3A_78] : memref<10000x128xf32, #tpu.memory_space<vmem_shared>> -> memref<96x128xf32, #tpu.memory_space<vmem_shared>>
      %dma_start3A_80 = arith.constant 0 : i32
      %dma_start3A_81 = tpu.memref_slice %arg10[%add3A_27, %dma_start3A_80] : memref<10000x128xf32, #tpu.memory_space<vmem_shared>> -> memref<96x128xf32, #tpu.memory_space<vmem_shared>>
      %dma_start3A_82 = arith.constant 0 : i32
      %dma_start3A_83 = arith.constant 0 : i32
      %dma_start3A_84 = tpu.memref_slice %arg8[%dma_start3A_82, %dma_start3A_83] : memref<125x128xf32, #tpu.memory_space<vmem>> -> memref<96x128xf32, #tpu.memory_space<vmem>>
      tpu.enqueue_dma source(%dma_start3A_84 : memref<96x128xf32, #tpu.memory_space<vmem>>) target(%dma_start3A_81 : memref<96x128xf32, #tpu.memory_space<vmem_shared>>) target_semaphore(%run_scoped3A : memref<!tpu.dma_semaphore, #tpu.memory_space<semaphore_mem>>)
      %dma_wait3A = arith.constant 0 : i32
      %dma_wait3A_85 = arith.constant 0 : i32
      %dma_wait3A_86 = tpu.memref_slice %arg8[%dma_wait3A, %dma_wait3A_85] : memref<125x128xf32, #tpu.memory_space<vmem>> -> memref<96x128xf32, #tpu.memory_space<vmem>>
      %dma_wait3A_87 = arith.constant 0 : i32
      %dma_wait3A_88 = tpu.memref_slice %arg10[%add3A_27, %dma_wait3A_87] : memref<10000x128xf32, #tpu.memory_space<vmem_shared>> -> memref<96x128xf32, #tpu.memory_space<vmem_shared>>
      %dma_wait3A_89 = arith.constant 0 : i32
      %dma_wait3A_90 = tpu.memref_slice %arg10[%add3A_27, %dma_wait3A_89] : memref<10000x128xf32, #tpu.memory_space<vmem_shared>> -> memref<96x128xf32, #tpu.memory_space<vmem_shared>>
      %dma_wait3A_91 = arith.constant 0 : i32
      %dma_wait3A_92 = arith.constant 0 : i32
      %dma_wait3A_93 = tpu.memref_slice %arg8[%dma_wait3A_91, %dma_wait3A_92] : memref<125x128xf32, #tpu.memory_space<vmem>> -> memref<96x128xf32, #tpu.memory_space<vmem>>
      tpu.wait_dma2 semaphore(%run_scoped3A : memref<!tpu.dma_semaphore, #tpu.memory_space<semaphore_mem>>) src(%dma_wait3A_93 : memref<96x128xf32, #tpu.memory_space<vmem>>) dst(%dma_wait3A_90 : memref<96x128xf32, #tpu.memory_space<vmem_shared>>)
      tpu.yield
    }) : () -> ()
    %mul3A_28 = arith.constant 624 : i32
    %mul3A_29 = arith.muli %arg1, %mul3A_28 : i32
    %add3A_30 = arith.constant 480 : i32
    %add3A_31 = arith.addi %mul3A_29, %add3A_30 : i32
    "tpu.region"() ({
      %run_scoped3A = tpu.sem_alloc : memref<!tpu.dma_semaphore, #tpu.memory_space<semaphore_mem>>
      %dma_start3A_75 = arith.constant 0 : i32
      %dma_start3A_76 = arith.constant 0 : i32
      %dma_start3A_77 = tpu.memref_slice %arg8[%dma_start3A_75, %dma_start3A_76] : memref<125x128xf32, #tpu.memory_space<vmem>> -> memref<96x128xf32, #tpu.memory_space<vmem>>
      %dma_start3A_78 = arith.constant 0 : i32
      %dma_start3A_79 = tpu.memref_slice %arg10[%add3A_31, %dma_start3A_78] : memref<10000x128xf32, #tpu.memory_space<vmem_shared>> -> memref<96x128xf32, #tpu.memory_space<vmem_shared>>
      %dma_start3A_80 = arith.constant 0 : i32
      %dma_start3A_81 = tpu.memref_slice %arg10[%add3A_31, %dma_start3A_80] : memref<10000x128xf32, #tpu.memory_space<vmem_shared>> -> memref<96x128xf32, #tpu.memory_space<vmem_shared>>
      %dma_start3A_82 = arith.constant 0 : i32
      %dma_start3A_83 = arith.constant 0 : i32
      %dma_start3A_84 = tpu.memref_slice %arg8[%dma_start3A_82, %dma_start3A_83] : memref<125x128xf32, #tpu.memory_space<vmem>> -> memref<96x128xf32, #tpu.memory_space<vmem>>
      tpu.enqueue_dma source(%dma_start3A_84 : memref<96x128xf32, #tpu.memory_space<vmem>>) target(%dma_start3A_81 : memref<96x128xf32, #tpu.memory_space<vmem_shared>>) target_semaphore(%run_scoped3A : memref<!tpu.dma_semaphore, #tpu.memory_space<semaphore_mem>>)
      %dma_wait3A = arith.constant 0 : i32
      %dma_wait3A_85 = arith.constant 0 : i32
      %dma_wait3A_86 = tpu.memref_slice %arg8[%dma_wait3A, %dma_wait3A_85] : memref<125x128xf32, #tpu.memory_space<vmem>> -> memref<96x128xf32, #tpu.memory_space<vmem>>
      %dma_wait3A_87 = arith.constant 0 : i32
      %dma_wait3A_88 = tpu.memref_slice %arg10[%add3A_31, %dma_wait3A_87] : memref<10000x128xf32, #tpu.memory_space<vmem_shared>> -> memref<96x128xf32, #tpu.memory_space<vmem_shared>>
      %dma_wait3A_89 = arith.constant 0 : i32
      %dma_wait3A_90 = tpu.memref_slice %arg10[%add3A_31, %dma_wait3A_89] : memref<10000x128xf32, #tpu.memory_space<vmem_shared>> -> memref<96x128xf32, #tpu.memory_space<vmem_shared>>
      %dma_wait3A_91 = arith.constant 0 : i32
      %dma_wait3A_92 = arith.constant 0 : i32
      %dma_wait3A_93 = tpu.memref_slice %arg8[%dma_wait3A_91, %dma_wait3A_92] : memref<125x128xf32, #tpu.memory_space<vmem>> -> memref<96x128xf32, #tpu.memory_space<vmem>>
      tpu.wait_dma2 semaphore(%run_scoped3A : memref<!tpu.dma_semaphore, #tpu.memory_space<semaphore_mem>>) src(%dma_wait3A_93 : memref<96x128xf32, #tpu.memory_space<vmem>>) dst(%dma_wait3A_90 : memref<96x128xf32, #tpu.memory_space<vmem_shared>>)
      tpu.yield
    }) : () -> ()
    %mul3A_32 = arith.constant 624 : i32
    %mul3A_33 = arith.muli %arg1, %mul3A_32 : i32
    %add3A_34 = arith.constant 576 : i32
    %add3A_35 = arith.addi %mul3A_33, %add3A_34 : i32
    "tpu.region"() ({
      %run_scoped3A = tpu.sem_alloc : memref<!tpu.dma_semaphore, #tpu.memory_space<semaphore_mem>>
      %dma_start3A_75 = arith.constant 0 : i32
      %dma_start3A_76 = arith.constant 0 : i32
      %dma_start3A_77 = tpu.memref_slice %arg8[%dma_start3A_75, %dma_start3A_76] : memref<125x128xf32, #tpu.memory_space<vmem>> -> memref<48x128xf32, #tpu.memory_space<vmem>>
      %dma_start3A_78 = arith.constant 0 : i32
      %dma_start3A_79 = tpu.memref_slice %arg10[%add3A_35, %dma_start3A_78] : memref<10000x128xf32, #tpu.memory_space<vmem_shared>> -> memref<48x128xf32, #tpu.memory_space<vmem_shared>>
      %dma_start3A_80 = arith.constant 0 : i32
      %dma_start3A_81 = tpu.memref_slice %arg10[%add3A_35, %dma_start3A_80] : memref<10000x128xf32, #tpu.memory_space<vmem_shared>> -> memref<48x128xf32, #tpu.memory_space<vmem_shared>>
      %dma_start3A_82 = arith.constant 0 : i32
      %dma_start3A_83 = arith.constant 0 : i32
      %dma_start3A_84 = tpu.memref_slice %arg8[%dma_start3A_82, %dma_start3A_83] : memref<125x128xf32, #tpu.memory_space<vmem>> -> memref<48x128xf32, #tpu.memory_space<vmem>>
      tpu.enqueue_dma source(%dma_start3A_84 : memref<48x128xf32, #tpu.memory_space<vmem>>) target(%dma_start3A_81 : memref<48x128xf32, #tpu.memory_space<vmem_shared>>) target_semaphore(%run_scoped3A : memref<!tpu.dma_semaphore, #tpu.memory_space<semaphore_mem>>)
      %dma_wait3A = arith.constant 0 : i32
      %dma_wait3A_85 = arith.constant 0 : i32
      %dma_wait3A_86 = tpu.memref_slice %arg8[%dma_wait3A, %dma_wait3A_85] : memref<125x128xf32, #tpu.memory_space<vmem>> -> memref<48x128xf32, #tpu.memory_space<vmem>>
      %dma_wait3A_87 = arith.constant 0 : i32
      %dma_wait3A_88 = tpu.memref_slice %arg10[%add3A_35, %dma_wait3A_87] : memref<10000x128xf32, #tpu.memory_space<vmem_shared>> -> memref<48x128xf32, #tpu.memory_space<vmem_shared>>
      %dma_wait3A_89 = arith.constant 0 : i32
      %dma_wait3A_90 = tpu.memref_slice %arg10[%add3A_35, %dma_wait3A_89] : memref<10000x128xf32, #tpu.memory_space<vmem_shared>> -> memref<48x128xf32, #tpu.memory_space<vmem_shared>>
      %dma_wait3A_91 = arith.constant 0 : i32
      %dma_wait3A_92 = arith.constant 0 : i32
      %dma_wait3A_93 = tpu.memref_slice %arg8[%dma_wait3A_91, %dma_wait3A_92] : memref<125x128xf32, #tpu.memory_space<vmem>> -> memref<48x128xf32, #tpu.memory_space<vmem>>
      tpu.wait_dma2 semaphore(%run_scoped3A : memref<!tpu.dma_semaphore, #tpu.memory_space<semaphore_mem>>) src(%dma_wait3A_93 : memref<48x128xf32, #tpu.memory_space<vmem>>) dst(%dma_wait3A_90 : memref<48x128xf32, #tpu.memory_space<vmem_shared>>)
      tpu.yield
    }) : () -> ()
    %eq3A = arith.constant 15 : i32
    %eq3A_36 = arith.cmpi eq, %arg1, %eq3A : i32
    %convert_element_type3A = arith.extui %eq3A_36 : i1 to i32
    %cond3A = arith.constant 0 : i32
    %cond3A_37 = arith.cmpi ne, %convert_element_type3A, %cond3A : i32
    scf.if %cond3A_37 {
      "tpu.region"() ({
        %run_scoped3A = tpu.sem_alloc : memref<!tpu.dma_semaphore, #tpu.memory_space<semaphore_mem>>
        %dma_start3A_75 = arith.constant 0 : i32
        %dma_start3A_76 = arith.constant 0 : i32
        %dma_start3A_77 = tpu.memref_slice %arg8[%dma_start3A_75, %dma_start3A_76] : memref<125x128xf32, #tpu.memory_space<vmem>> -> memref<16x128xf32, #tpu.memory_space<vmem>>
        %dma_start3A_78 = arith.constant 9984 : i32
        %dma_start3A_79 = arith.constant 0 : i32
        %dma_start3A_80 = tpu.memref_slice %arg10[%dma_start3A_78, %dma_start3A_79] : memref<10000x128xf32, #tpu.memory_space<vmem_shared>> -> memref<16x128xf32, #tpu.memory_space<vmem_shared>>
        %dma_start3A_81 = arith.constant 9984 : i32
        %dma_start3A_82 = arith.constant 0 : i32
        %dma_start3A_83 = tpu.memref_slice %arg10[%dma_start3A_81, %dma_start3A_82] : memref<10000x128xf32, #tpu.memory_space<vmem_shared>> -> memref<16x128xf32, #tpu.memory_space<vmem_shared>>
        %dma_start3A_84 = arith.constant 0 : i32
        %dma_start3A_85 = arith.constant 0 : i32
        %dma_start3A_86 = tpu.memref_slice %arg8[%dma_start3A_84, %dma_start3A_85] : memref<125x128xf32, #tpu.memory_space<vmem>> -> memref<16x128xf32, #tpu.memory_space<vmem>>
        tpu.enqueue_dma source(%dma_start3A_86 : memref<16x128xf32, #tpu.memory_space<vmem>>) target(%dma_start3A_83 : memref<16x128xf32, #tpu.memory_space<vmem_shared>>) target_semaphore(%run_scoped3A : memref<!tpu.dma_semaphore, #tpu.memory_space<semaphore_mem>>)
        %dma_wait3A = arith.constant 0 : i32
        %dma_wait3A_87 = arith.constant 0 : i32
        %dma_wait3A_88 = tpu.memref_slice %arg8[%dma_wait3A, %dma_wait3A_87] : memref<125x128xf32, #tpu.memory_space<vmem>> -> memref<16x128xf32, #tpu.memory_space<vmem>>
        %dma_wait3A_89 = arith.constant 9984 : i32
        %dma_wait3A_90 = arith.constant 0 : i32
        %dma_wait3A_91 = tpu.memref_slice %arg10[%dma_wait3A_89, %dma_wait3A_90] : memref<10000x128xf32, #tpu.memory_space<vmem_shared>> -> memref<16x128xf32, #tpu.memory_space<vmem_shared>>
        %dma_wait3A_92 = arith.constant 9984 : i32
        %dma_wait3A_93 = arith.constant 0 : i32
        %dma_wait3A_94 = tpu.memref_slice %arg10[%dma_wait3A_92, %dma_wait3A_93] : memref<10000x128xf32, #tpu.memory_space<vmem_shared>> -> memref<16x128xf32, #tpu.memory_space<vmem_shared>>
        %dma_wait3A_95 = arith.constant 0 : i32
        %dma_wait3A_96 = arith.constant 0 : i32
        %dma_wait3A_97 = tpu.memref_slice %arg8[%dma_wait3A_95, %dma_wait3A_96] : memref<125x128xf32, #tpu.memory_space<vmem>> -> memref<16x128xf32, #tpu.memory_space<vmem>>
        tpu.wait_dma2 semaphore(%run_scoped3A : memref<!tpu.dma_semaphore, #tpu.memory_space<semaphore_mem>>) src(%dma_wait3A_97 : memref<16x128xf32, #tpu.memory_space<vmem>>) dst(%dma_wait3A_94 : memref<16x128xf32, #tpu.memory_space<vmem_shared>>)
        tpu.yield
      }) : () -> ()
    } else {
    }
    %barrier3A = arith.constant 0 : index
    tpu.barrier barrier_id(%barrier3A)
    "tpu.region"() ({
      %run_scoped3A = tpu.sem_alloc : memref<!tpu.dma_semaphore, #tpu.memory_space<semaphore_mem>>
      %dma_start3A_75 = arith.constant 0 : i32
      %dma_start3A_76 = arith.constant 0 : i32
      %dma_start3A_77 = tpu.memref_slice %arg3[%add3A, %dma_start3A_75, %dma_start3A_76] : memref<32x80x125xi32, #tpu.memory_space<hbm>> -> memref<1x40x125xi32, #tpu.memory_space<hbm>>
      %dma_start3A_78 = tpu.memref_squeeze %dma_start3A_77 : memref<1x40x125xi32, #tpu.memory_space<hbm>> -> memref<40x125xi32, #tpu.memory_space<hbm>>
      %dma_start3A_79 = arith.constant 0 : i32
      %dma_start3A_80 = arith.constant 0 : i32
      %dma_start3A_81 = tpu.memref_slice %arg3[%add3A, %dma_start3A_79, %dma_start3A_80] : memref<32x80x125xi32, #tpu.memory_space<hbm>> -> memref<1x40x125xi32, #tpu.memory_space<hbm>>
      %dma_start3A_82 = tpu.memref_squeeze %dma_start3A_81 : memref<1x40x125xi32, #tpu.memory_space<hbm>> -> memref<40x125xi32, #tpu.memory_space<hbm>>
      tpu.enqueue_dma source(%dma_start3A_82 : memref<40x125xi32, #tpu.memory_space<hbm>>) target(%arg6 : memref<40x125xi32, #tpu.memory_space<vmem>>) target_semaphore(%run_scoped3A : memref<!tpu.dma_semaphore, #tpu.memory_space<semaphore_mem>>)
      %dma_wait3A = arith.constant 0 : i32
      %dma_wait3A_83 = arith.constant 0 : i32
      %dma_wait3A_84 = tpu.memref_slice %arg3[%add3A, %dma_wait3A, %dma_wait3A_83] : memref<32x80x125xi32, #tpu.memory_space<hbm>> -> memref<1x40x125xi32, #tpu.memory_space<hbm>>
      %dma_wait3A_85 = tpu.memref_squeeze %dma_wait3A_84 : memref<1x40x125xi32, #tpu.memory_space<hbm>> -> memref<40x125xi32, #tpu.memory_space<hbm>>
      %dma_wait3A_86 = arith.constant 0 : i32
      %dma_wait3A_87 = arith.constant 0 : i32
      %dma_wait3A_88 = tpu.memref_slice %arg3[%add3A, %dma_wait3A_86, %dma_wait3A_87] : memref<32x80x125xi32, #tpu.memory_space<hbm>> -> memref<1x40x125xi32, #tpu.memory_space<hbm>>
      %dma_wait3A_89 = tpu.memref_squeeze %dma_wait3A_88 : memref<1x40x125xi32, #tpu.memory_space<hbm>> -> memref<40x125xi32, #tpu.memory_space<hbm>>
      tpu.wait_dma2 semaphore(%run_scoped3A : memref<!tpu.dma_semaphore, #tpu.memory_space<semaphore_mem>>) src(%dma_wait3A_89 : memref<40x125xi32, #tpu.memory_space<hbm>>) dst(%arg6 : memref<40x125xi32, #tpu.memory_space<vmem>>)
      tpu.yield
    }) : () -> ()
    "tpu.region"() ({
      %run_scoped3A = tpu.sem_alloc : memref<!tpu.dma_semaphore, #tpu.memory_space<semaphore_mem>>
      %dma_start3A_75 = arith.constant 0 : i32
      %dma_start3A_76 = arith.constant 0 : i32
      %dma_start3A_77 = tpu.memref_slice %arg4[%add3A, %dma_start3A_75, %dma_start3A_76] : memref<32x80x125xi32, #tpu.memory_space<hbm>> -> memref<1x40x125xi32, #tpu.memory_space<hbm>>
      %dma_start3A_78 = tpu.memref_squeeze %dma_start3A_77 : memref<1x40x125xi32, #tpu.memory_space<hbm>> -> memref<40x125xi32, #tpu.memory_space<hbm>>
      %dma_start3A_79 = arith.constant 0 : i32
      %dma_start3A_80 = arith.constant 0 : i32
      %dma_start3A_81 = tpu.memref_slice %arg4[%add3A, %dma_start3A_79, %dma_start3A_80] : memref<32x80x125xi32, #tpu.memory_space<hbm>> -> memref<1x40x125xi32, #tpu.memory_space<hbm>>
      %dma_start3A_82 = tpu.memref_squeeze %dma_start3A_81 : memref<1x40x125xi32, #tpu.memory_space<hbm>> -> memref<40x125xi32, #tpu.memory_space<hbm>>
      tpu.enqueue_dma source(%dma_start3A_82 : memref<40x125xi32, #tpu.memory_space<hbm>>) target(%arg7 : memref<40x125xi32, #tpu.memory_space<vmem>>) target_semaphore(%run_scoped3A : memref<!tpu.dma_semaphore, #tpu.memory_space<semaphore_mem>>)
      %dma_wait3A = arith.constant 0 : i32
      %dma_wait3A_83 = arith.constant 0 : i32
      %dma_wait3A_84 = tpu.memref_slice %arg4[%add3A, %dma_wait3A, %dma_wait3A_83] : memref<32x80x125xi32, #tpu.memory_space<hbm>> -> memref<1x40x125xi32, #tpu.memory_space<hbm>>
      %dma_wait3A_85 = tpu.memref_squeeze %dma_wait3A_84 : memref<1x40x125xi32, #tpu.memory_space<hbm>> -> memref<40x125xi32, #tpu.memory_space<hbm>>
      %dma_wait3A_86 = arith.constant 0 : i32
      %dma_wait3A_87 = arith.constant 0 : i32
      %dma_wait3A_88 = tpu.memref_slice %arg4[%add3A, %dma_wait3A_86, %dma_wait3A_87] : memref<32x80x125xi32, #tpu.memory_space<hbm>> -> memref<1x40x125xi32, #tpu.memory_space<hbm>>
      %dma_wait3A_89 = tpu.memref_squeeze %dma_wait3A_88 : memref<1x40x125xi32, #tpu.memory_space<hbm>> -> memref<40x125xi32, #tpu.memory_space<hbm>>
      tpu.wait_dma2 semaphore(%run_scoped3A : memref<!tpu.dma_semaphore, #tpu.memory_space<semaphore_mem>>) src(%dma_wait3A_89 : memref<40x125xi32, #tpu.memory_space<hbm>>) dst(%arg7 : memref<40x125xi32, #tpu.memory_space<vmem>>)
      tpu.yield
    }) : () -> ()
    %dma_start3A = arith.constant 0 : i32
    %dma_start3A_38 = arith.constant 0 : i32
    %dma_start3A_39 = tpu.memref_slice %arg6[%dma_start3A, %dma_start3A_38] : memref<40x125xi32, #tpu.memory_space<vmem>> -> memref<1x125xi32, #tpu.memory_space<vmem>>
    %dma_start3A_40 = tpu.memref_squeeze %dma_start3A_39 : memref<1x125xi32, #tpu.memory_space<vmem>> -> memref<125xi32, #tpu.memory_space<vmem>>
    %dma_start3A_41 = arith.constant 0 : i32
    %dma_start3A_42 = arith.constant 0 : i32
    %dma_start3A_43 = tpu.memref_slice %arg2[%dma_start3A_41, %dma_start3A_42] : memref<10000x128xf32, #tpu.memory_space<hbm>> -> memref<10000x128xf32, #tpu.memory_space<hbm>>
    tpu.enqueue_indirect_dma source(%dma_start3A_43 : memref<10000x128xf32, #tpu.memory_space<hbm>>) target(%arg8 : memref<125x128xf32, #tpu.memory_space<vmem>>) offsets(%dma_start3A_40 : memref<125xi32, #tpu.memory_space<vmem>>) semaphore(%arg11 : memref<!tpu.dma_semaphore, #tpu.memory_space<semaphore_mem>>)
    %scan3A_44 = arith.constant 0 : i32
    %scan3A_45 = arith.constant 0 : i32
    %scan3A_46 = arith.constant 20 : i32
    %scan3A_47 = arith.addi %scan3A_45, %scan3A_46 : i32
    %scan3A_48 = arith.constant 1 : i32
    %scan3A_49 = scf.for %scan3A_75 = %scan3A_45 to %scan3A_47 step %scan3A_48 iter_args(%scan3A_76 = %scan3A_44) -> (i32)  : i32 {
      %mul3A_77 = arith.constant 2 : i32
      %mul3A_78 = arith.muli %mul3A_77, %scan3A_75 : i32
      %add3A_79 = arith.constant 1 : i32
      %add3A_80 = arith.addi %mul3A_78, %add3A_79 : i32
      %dma_start3A_81 = arith.constant 0 : i32
      %dma_start3A_82 = tpu.memref_slice %arg6[%add3A_80, %dma_start3A_81] : memref<40x125xi32, #tpu.memory_space<vmem>> -> memref<1x125xi32, #tpu.memory_space<vmem>>
      %dma_start3A_83 = tpu.memref_squeeze %dma_start3A_82 : memref<1x125xi32, #tpu.memory_space<vmem>> -> memref<125xi32, #tpu.memory_space<vmem>>
      %dma_start3A_84 = arith.constant 0 : i32
      %dma_start3A_85 = arith.constant 0 : i32
      %dma_start3A_86 = tpu.memref_slice %arg2[%dma_start3A_84, %dma_start3A_85] : memref<10000x128xf32, #tpu.memory_space<hbm>> -> memref<10000x128xf32, #tpu.memory_space<hbm>>
      tpu.enqueue_indirect_dma source(%dma_start3A_86 : memref<10000x128xf32, #tpu.memory_space<hbm>>) target(%arg9 : memref<125x128xf32, #tpu.memory_space<vmem>>) offsets(%dma_start3A_83 : memref<125xi32, #tpu.memory_space<vmem>>) semaphore(%arg12 : memref<!tpu.dma_semaphore, #tpu.memory_space<semaphore_mem>>)
      %dma_wait3A = arith.constant 0 : i32
      %dma_wait3A_87 = tpu.memref_slice %arg6[%mul3A_78, %dma_wait3A] : memref<40x125xi32, #tpu.memory_space<vmem>> -> memref<1x125xi32, #tpu.memory_space<vmem>>
      %dma_wait3A_88 = tpu.memref_squeeze %dma_wait3A_87 : memref<1x125xi32, #tpu.memory_space<vmem>> -> memref<125xi32, #tpu.memory_space<vmem>>
      %dma_wait3A_89 = arith.constant 0 : i32
      %dma_wait3A_90 = arith.constant 0 : i32
      %dma_wait3A_91 = tpu.memref_slice %arg2[%dma_wait3A_89, %dma_wait3A_90] : memref<10000x128xf32, #tpu.memory_space<hbm>> -> memref<10000x128xf32, #tpu.memory_space<hbm>>
      tpu.wait_indirect_dma semaphore(%arg11 : memref<!tpu.dma_semaphore, #tpu.memory_space<semaphore_mem>>) src(%dma_wait3A_91 : memref<10000x128xf32, #tpu.memory_space<hbm>>) dst(%arg8 : memref<125x128xf32, #tpu.memory_space<vmem>>)
      "tpu.region"() ({
        %run_scoped3A = tpu.sem_alloc : memref<!tpu.dma_semaphore, #tpu.memory_space<semaphore_mem>>
        %dma_start3A_109 = arith.constant 0 : i32
        %dma_start3A_110 = tpu.memref_slice %arg7[%mul3A_78, %dma_start3A_109] : memref<40x125xi32, #tpu.memory_space<vmem>> -> memref<1x125xi32, #tpu.memory_space<vmem>>
        %dma_start3A_111 = tpu.memref_squeeze %dma_start3A_110 : memref<1x125xi32, #tpu.memory_space<vmem>> -> memref<125xi32, #tpu.memory_space<vmem>>
        %dma_start3A_112 = arith.constant 0 : i32
        %dma_start3A_113 = arith.constant 0 : i32
        %dma_start3A_114 = tpu.memref_slice %arg10[%dma_start3A_112, %dma_start3A_113] : memref<10000x128xf32, #tpu.memory_space<vmem_shared>> -> memref<10000x128xf32, #tpu.memory_space<vmem_shared>>
        tpu.enqueue_indirect_dma source(%arg8 : memref<125x128xf32, #tpu.memory_space<vmem>>) target(%dma_start3A_114 : memref<10000x128xf32, #tpu.memory_space<vmem_shared>>) offsets(%dma_start3A_111 : memref<125xi32, #tpu.memory_space<vmem>>) semaphore(%run_scoped3A : memref<!tpu.dma_semaphore, #tpu.memory_space<semaphore_mem>>) {add = true}
        %dma_wait3A_115 = arith.constant 0 : i32
        %dma_wait3A_116 = tpu.memref_slice %arg7[%mul3A_78, %dma_wait3A_115] : memref<40x125xi32, #tpu.memory_space<vmem>> -> memref<1x125xi32, #tpu.memory_space<vmem>>
        %dma_wait3A_117 = tpu.memref_squeeze %dma_wait3A_116 : memref<1x125xi32, #tpu.memory_space<vmem>> -> memref<125xi32, #tpu.memory_space<vmem>>
        %dma_wait3A_118 = arith.constant 0 : i32
        %dma_wait3A_119 = arith.constant 0 : i32
        %dma_wait3A_120 = tpu.memref_slice %arg10[%dma_wait3A_118, %dma_wait3A_119] : memref<10000x128xf32, #tpu.memory_space<vmem_shared>> -> memref<10000x128xf32, #tpu.memory_space<vmem_shared>>
        tpu.wait_indirect_dma semaphore(%run_scoped3A : memref<!tpu.dma_semaphore, #tpu.memory_space<semaphore_mem>>) src(%arg8 : memref<125x128xf32, #tpu.memory_space<vmem>>) dst(%dma_wait3A_120 : memref<10000x128xf32, #tpu.memory_space<vmem_shared>>)
        tpu.yield
      }) : () -> ()
      %add3A_92 = arith.constant 2 : i32
      %add3A_93 = arith.addi %mul3A_78, %add3A_92 : i32
      %lt3A = arith.constant 40 : i32
      %lt3A_94 = arith.cmpi slt, %add3A_93, %lt3A : i32
      %convert_element_type3A_95 = arith.extui %lt3A_94 : i1 to i32
      %cond3A_96 = arith.constant 0 : i32
      %cond3A_97 = arith.cmpi ne, %convert_element_type3A_95, %cond3A_96 : i32
      scf.if %cond3A_97 {
        %add3A_109 = arith.constant 2 : i32
        %add3A_110 = arith.addi %mul3A_78, %add3A_109 : i32
        %dma_start3A_111 = arith.constant 0 : i32
        %dma_start3A_112 = tpu.memref_slice %arg6[%add3A_110, %dma_start3A_111] : memref<40x125xi32, #tpu.memory_space<vmem>> -> memref<1x125xi32, #tpu.memory_space<vmem>>
        %dma_start3A_113 = tpu.memref_squeeze %dma_start3A_112 : memref<1x125xi32, #tpu.memory_space<vmem>> -> memref<125xi32, #tpu.memory_space<vmem>>
        %dma_start3A_114 = arith.constant 0 : i32
        %dma_start3A_115 = arith.constant 0 : i32
        %dma_start3A_116 = tpu.memref_slice %arg2[%dma_start3A_114, %dma_start3A_115] : memref<10000x128xf32, #tpu.memory_space<hbm>> -> memref<10000x128xf32, #tpu.memory_space<hbm>>
        tpu.enqueue_indirect_dma source(%dma_start3A_116 : memref<10000x128xf32, #tpu.memory_space<hbm>>) target(%arg8 : memref<125x128xf32, #tpu.memory_space<vmem>>) offsets(%dma_start3A_113 : memref<125xi32, #tpu.memory_space<vmem>>) semaphore(%arg11 : memref<!tpu.dma_semaphore, #tpu.memory_space<semaphore_mem>>)
      } else {
      }
      %add3A_98 = arith.constant 1 : i32
      %add3A_99 = arith.addi %mul3A_78, %add3A_98 : i32
      %dma_wait3A_100 = arith.constant 0 : i32
      %dma_wait3A_101 = tpu.memref_slice %arg6[%add3A_99, %dma_wait3A_100] : memref<40x125xi32, #tpu.memory_space<vmem>> -> memref<1x125xi32, #tpu.memory_space<vmem>>
      %dma_wait3A_102 = tpu.memref_squeeze %dma_wait3A_101 : memref<1x125xi32, #tpu.memory_space<vmem>> -> memref<125xi32, #tpu.memory_space<vmem>>
      %dma_wait3A_103 = arith.constant 0 : i32
      %dma_wait3A_104 = arith.constant 0 : i32
      %dma_wait3A_105 = tpu.memref_slice %arg2[%dma_wait3A_103, %dma_wait3A_104] : memref<10000x128xf32, #tpu.memory_space<hbm>> -> memref<10000x128xf32, #tpu.memory_space<hbm>>
      tpu.wait_indirect_dma semaphore(%arg12 : memref<!tpu.dma_semaphore, #tpu.memory_space<semaphore_mem>>) src(%dma_wait3A_105 : memref<10000x128xf32, #tpu.memory_space<hbm>>) dst(%arg9 : memref<125x128xf32, #tpu.memory_space<vmem>>)
      %add3A_106 = arith.constant 1 : i32
      %add3A_107 = arith.addi %mul3A_78, %add3A_106 : i32
      "tpu.region"() ({
        %run_scoped3A = tpu.sem_alloc : memref<!tpu.dma_semaphore, #tpu.memory_space<semaphore_mem>>
        %dma_start3A_109 = arith.constant 0 : i32
        %dma_start3A_110 = tpu.memref_slice %arg7[%add3A_107, %dma_start3A_109] : memref<40x125xi32, #tpu.memory_space<vmem>> -> memref<1x125xi32, #tpu.memory_space<vmem>>
        %dma_start3A_111 = tpu.memref_squeeze %dma_start3A_110 : memref<1x125xi32, #tpu.memory_space<vmem>> -> memref<125xi32, #tpu.memory_space<vmem>>
        %dma_start3A_112 = arith.constant 0 : i32
        %dma_start3A_113 = arith.constant 0 : i32
        %dma_start3A_114 = tpu.memref_slice %arg10[%dma_start3A_112, %dma_start3A_113] : memref<10000x128xf32, #tpu.memory_space<vmem_shared>> -> memref<10000x128xf32, #tpu.memory_space<vmem_shared>>
        tpu.enqueue_indirect_dma source(%arg9 : memref<125x128xf32, #tpu.memory_space<vmem>>) target(%dma_start3A_114 : memref<10000x128xf32, #tpu.memory_space<vmem_shared>>) offsets(%dma_start3A_111 : memref<125xi32, #tpu.memory_space<vmem>>) semaphore(%run_scoped3A : memref<!tpu.dma_semaphore, #tpu.memory_space<semaphore_mem>>) {add = true}
        %dma_wait3A_115 = arith.constant 0 : i32
        %dma_wait3A_116 = tpu.memref_slice %arg7[%add3A_107, %dma_wait3A_115] : memref<40x125xi32, #tpu.memory_space<vmem>> -> memref<1x125xi32, #tpu.memory_space<vmem>>
        %dma_wait3A_117 = tpu.memref_squeeze %dma_wait3A_116 : memref<1x125xi32, #tpu.memory_space<vmem>> -> memref<125xi32, #tpu.memory_space<vmem>>
        %dma_wait3A_118 = arith.constant 0 : i32
        %dma_wait3A_119 = arith.constant 0 : i32
        %dma_wait3A_120 = tpu.memref_slice %arg10[%dma_wait3A_118, %dma_wait3A_119] : memref<10000x128xf32, #tpu.memory_space<vmem_shared>> -> memref<10000x128xf32, #tpu.memory_space<vmem_shared>>
        tpu.wait_indirect_dma semaphore(%run_scoped3A : memref<!tpu.dma_semaphore, #tpu.memory_space<semaphore_mem>>) src(%arg9 : memref<125x128xf32, #tpu.memory_space<vmem>>) dst(%dma_wait3A_120 : memref<10000x128xf32, #tpu.memory_space<vmem_shared>>)
        tpu.yield
      }) : () -> ()
      %scan3A_108 = arith.constant 0 : i32
      scf.yield %scan3A_108 : i32
    }
    %scan3A_50 = arith.constant 20 : i32
    "tpu.region"() ({
      %run_scoped3A = tpu.sem_alloc : memref<!tpu.dma_semaphore, #tpu.memory_space<semaphore_mem>>
      %dma_start3A_75 = arith.constant 40 : i32
      %dma_start3A_76 = arith.constant 0 : i32
      %dma_start3A_77 = tpu.memref_slice %arg3[%add3A, %dma_start3A_75, %dma_start3A_76] : memref<32x80x125xi32, #tpu.memory_space<hbm>> -> memref<1x40x125xi32, #tpu.memory_space<hbm>>
      %dma_start3A_78 = tpu.memref_squeeze %dma_start3A_77 : memref<1x40x125xi32, #tpu.memory_space<hbm>> -> memref<40x125xi32, #tpu.memory_space<hbm>>
      %dma_start3A_79 = arith.constant 40 : i32
      %dma_start3A_80 = arith.constant 0 : i32
      %dma_start3A_81 = tpu.memref_slice %arg3[%add3A, %dma_start3A_79, %dma_start3A_80] : memref<32x80x125xi32, #tpu.memory_space<hbm>> -> memref<1x40x125xi32, #tpu.memory_space<hbm>>
      %dma_start3A_82 = tpu.memref_squeeze %dma_start3A_81 : memref<1x40x125xi32, #tpu.memory_space<hbm>> -> memref<40x125xi32, #tpu.memory_space<hbm>>
      tpu.enqueue_dma source(%dma_start3A_82 : memref<40x125xi32, #tpu.memory_space<hbm>>) target(%arg6 : memref<40x125xi32, #tpu.memory_space<vmem>>) target_semaphore(%run_scoped3A : memref<!tpu.dma_semaphore, #tpu.memory_space<semaphore_mem>>)
      %dma_wait3A = arith.constant 40 : i32
      %dma_wait3A_83 = arith.constant 0 : i32
      %dma_wait3A_84 = tpu.memref_slice %arg3[%add3A, %dma_wait3A, %dma_wait3A_83] : memref<32x80x125xi32, #tpu.memory_space<hbm>> -> memref<1x40x125xi32, #tpu.memory_space<hbm>>
      %dma_wait3A_85 = tpu.memref_squeeze %dma_wait3A_84 : memref<1x40x125xi32, #tpu.memory_space<hbm>> -> memref<40x125xi32, #tpu.memory_space<hbm>>
      %dma_wait3A_86 = arith.constant 40 : i32
      %dma_wait3A_87 = arith.constant 0 : i32
      %dma_wait3A_88 = tpu.memref_slice %arg3[%add3A, %dma_wait3A_86, %dma_wait3A_87] : memref<32x80x125xi32, #tpu.memory_space<hbm>> -> memref<1x40x125xi32, #tpu.memory_space<hbm>>
      %dma_wait3A_89 = tpu.memref_squeeze %dma_wait3A_88 : memref<1x40x125xi32, #tpu.memory_space<hbm>> -> memref<40x125xi32, #tpu.memory_space<hbm>>
      tpu.wait_dma2 semaphore(%run_scoped3A : memref<!tpu.dma_semaphore, #tpu.memory_space<semaphore_mem>>) src(%dma_wait3A_89 : memref<40x125xi32, #tpu.memory_space<hbm>>) dst(%arg6 : memref<40x125xi32, #tpu.memory_space<vmem>>)
      tpu.yield
    }) : () -> ()
    "tpu.region"() ({
      %run_scoped3A = tpu.sem_alloc : memref<!tpu.dma_semaphore, #tpu.memory_space<semaphore_mem>>
      %dma_start3A_75 = arith.constant 40 : i32
      %dma_start3A_76 = arith.constant 0 : i32
      %dma_start3A_77 = tpu.memref_slice %arg4[%add3A, %dma_start3A_75, %dma_start3A_76] : memref<32x80x125xi32, #tpu.memory_space<hbm>> -> memref<1x40x125xi32, #tpu.memory_space<hbm>>
      %dma_start3A_78 = tpu.memref_squeeze %dma_start3A_77 : memref<1x40x125xi32, #tpu.memory_space<hbm>> -> memref<40x125xi32, #tpu.memory_space<hbm>>
      %dma_start3A_79 = arith.constant 40 : i32
      %dma_start3A_80 = arith.constant 0 : i32
      %dma_start3A_81 = tpu.memref_slice %arg4[%add3A, %dma_start3A_79, %dma_start3A_80] : memref<32x80x125xi32, #tpu.memory_space<hbm>> -> memref<1x40x125xi32, #tpu.memory_space<hbm>>
      %dma_start3A_82 = tpu.memref_squeeze %dma_start3A_81 : memref<1x40x125xi32, #tpu.memory_space<hbm>> -> memref<40x125xi32, #tpu.memory_space<hbm>>
      tpu.enqueue_dma source(%dma_start3A_82 : memref<40x125xi32, #tpu.memory_space<hbm>>) target(%arg7 : memref<40x125xi32, #tpu.memory_space<vmem>>) target_semaphore(%run_scoped3A : memref<!tpu.dma_semaphore, #tpu.memory_space<semaphore_mem>>)
      %dma_wait3A = arith.constant 40 : i32
      %dma_wait3A_83 = arith.constant 0 : i32
      %dma_wait3A_84 = tpu.memref_slice %arg4[%add3A, %dma_wait3A, %dma_wait3A_83] : memref<32x80x125xi32, #tpu.memory_space<hbm>> -> memref<1x40x125xi32, #tpu.memory_space<hbm>>
      %dma_wait3A_85 = tpu.memref_squeeze %dma_wait3A_84 : memref<1x40x125xi32, #tpu.memory_space<hbm>> -> memref<40x125xi32, #tpu.memory_space<hbm>>
      %dma_wait3A_86 = arith.constant 40 : i32
      %dma_wait3A_87 = arith.constant 0 : i32
      %dma_wait3A_88 = tpu.memref_slice %arg4[%add3A, %dma_wait3A_86, %dma_wait3A_87] : memref<32x80x125xi32, #tpu.memory_space<hbm>> -> memref<1x40x125xi32, #tpu.memory_space<hbm>>
      %dma_wait3A_89 = tpu.memref_squeeze %dma_wait3A_88 : memref<1x40x125xi32, #tpu.memory_space<hbm>> -> memref<40x125xi32, #tpu.memory_space<hbm>>
      tpu.wait_dma2 semaphore(%run_scoped3A : memref<!tpu.dma_semaphore, #tpu.memory_space<semaphore_mem>>) src(%dma_wait3A_89 : memref<40x125xi32, #tpu.memory_space<hbm>>) dst(%arg7 : memref<40x125xi32, #tpu.memory_space<vmem>>)
      tpu.yield
    }) : () -> ()
    %dma_start3A_51 = arith.constant 0 : i32
    %dma_start3A_52 = arith.constant 0 : i32
    %dma_start3A_53 = tpu.memref_slice %arg6[%dma_start3A_51, %dma_start3A_52] : memref<40x125xi32, #tpu.memory_space<vmem>> -> memref<1x125xi32, #tpu.memory_space<vmem>>
    %dma_start3A_54 = tpu.memref_squeeze %dma_start3A_53 : memref<1x125xi32, #tpu.memory_space<vmem>> -> memref<125xi32, #tpu.memory_space<vmem>>
    %dma_start3A_55 = arith.constant 0 : i32
    %dma_start3A_56 = arith.constant 0 : i32
    %dma_start3A_57 = tpu.memref_slice %arg2[%dma_start3A_55, %dma_start3A_56] : memref<10000x128xf32, #tpu.memory_space<hbm>> -> memref<10000x128xf32, #tpu.memory_space<hbm>>
    tpu.enqueue_indirect_dma source(%dma_start3A_57 : memref<10000x128xf32, #tpu.memory_space<hbm>>) target(%arg8 : memref<125x128xf32, #tpu.memory_space<vmem>>) offsets(%dma_start3A_54 : memref<125xi32, #tpu.memory_space<vmem>>) semaphore(%arg11 : memref<!tpu.dma_semaphore, #tpu.memory_space<semaphore_mem>>)
    %scan3A_58 = arith.constant 0 : i32
    %scan3A_59 = arith.constant 0 : i32
    %scan3A_60 = arith.constant 20 : i32
    %scan3A_61 = arith.addi %scan3A_59, %scan3A_60 : i32
    %scan3A_62 = arith.constant 1 : i32
    %scan3A_63 = scf.for %scan3A_75 = %scan3A_59 to %scan3A_61 step %scan3A_62 iter_args(%scan3A_76 = %scan3A_58) -> (i32)  : i32 {
      %mul3A_77 = arith.constant 2 : i32
      %mul3A_78 = arith.muli %mul3A_77, %scan3A_75 : i32
      %add3A_79 = arith.constant 1 : i32
      %add3A_80 = arith.addi %mul3A_78, %add3A_79 : i32
      %dma_start3A_81 = arith.constant 0 : i32
      %dma_start3A_82 = tpu.memref_slice %arg6[%add3A_80, %dma_start3A_81] : memref<40x125xi32, #tpu.memory_space<vmem>> -> memref<1x125xi32, #tpu.memory_space<vmem>>
      %dma_start3A_83 = tpu.memref_squeeze %dma_start3A_82 : memref<1x125xi32, #tpu.memory_space<vmem>> -> memref<125xi32, #tpu.memory_space<vmem>>
      %dma_start3A_84 = arith.constant 0 : i32
      %dma_start3A_85 = arith.constant 0 : i32
      %dma_start3A_86 = tpu.memref_slice %arg2[%dma_start3A_84, %dma_start3A_85] : memref<10000x128xf32, #tpu.memory_space<hbm>> -> memref<10000x128xf32, #tpu.memory_space<hbm>>
      tpu.enqueue_indirect_dma source(%dma_start3A_86 : memref<10000x128xf32, #tpu.memory_space<hbm>>) target(%arg9 : memref<125x128xf32, #tpu.memory_space<vmem>>) offsets(%dma_start3A_83 : memref<125xi32, #tpu.memory_space<vmem>>) semaphore(%arg12 : memref<!tpu.dma_semaphore, #tpu.memory_space<semaphore_mem>>)
      %dma_wait3A = arith.constant 0 : i32
      %dma_wait3A_87 = tpu.memref_slice %arg6[%mul3A_78, %dma_wait3A] : memref<40x125xi32, #tpu.memory_space<vmem>> -> memref<1x125xi32, #tpu.memory_space<vmem>>
      %dma_wait3A_88 = tpu.memref_squeeze %dma_wait3A_87 : memref<1x125xi32, #tpu.memory_space<vmem>> -> memref<125xi32, #tpu.memory_space<vmem>>
      %dma_wait3A_89 = arith.constant 0 : i32
      %dma_wait3A_90 = arith.constant 0 : i32
      %dma_wait3A_91 = tpu.memref_slice %arg2[%dma_wait3A_89, %dma_wait3A_90] : memref<10000x128xf32, #tpu.memory_space<hbm>> -> memref<10000x128xf32, #tpu.memory_space<hbm>>
      tpu.wait_indirect_dma semaphore(%arg11 : memref<!tpu.dma_semaphore, #tpu.memory_space<semaphore_mem>>) src(%dma_wait3A_91 : memref<10000x128xf32, #tpu.memory_space<hbm>>) dst(%arg8 : memref<125x128xf32, #tpu.memory_space<vmem>>)
      "tpu.region"() ({
        %run_scoped3A = tpu.sem_alloc : memref<!tpu.dma_semaphore, #tpu.memory_space<semaphore_mem>>
        %dma_start3A_109 = arith.constant 0 : i32
        %dma_start3A_110 = tpu.memref_slice %arg7[%mul3A_78, %dma_start3A_109] : memref<40x125xi32, #tpu.memory_space<vmem>> -> memref<1x125xi32, #tpu.memory_space<vmem>>
        %dma_start3A_111 = tpu.memref_squeeze %dma_start3A_110 : memref<1x125xi32, #tpu.memory_space<vmem>> -> memref<125xi32, #tpu.memory_space<vmem>>
        %dma_start3A_112 = arith.constant 0 : i32
        %dma_start3A_113 = arith.constant 0 : i32
        %dma_start3A_114 = tpu.memref_slice %arg10[%dma_start3A_112, %dma_start3A_113] : memref<10000x128xf32, #tpu.memory_space<vmem_shared>> -> memref<10000x128xf32, #tpu.memory_space<vmem_shared>>
        tpu.enqueue_indirect_dma source(%arg8 : memref<125x128xf32, #tpu.memory_space<vmem>>) target(%dma_start3A_114 : memref<10000x128xf32, #tpu.memory_space<vmem_shared>>) offsets(%dma_start3A_111 : memref<125xi32, #tpu.memory_space<vmem>>) semaphore(%run_scoped3A : memref<!tpu.dma_semaphore, #tpu.memory_space<semaphore_mem>>) {add = true}
        %dma_wait3A_115 = arith.constant 0 : i32
        %dma_wait3A_116 = tpu.memref_slice %arg7[%mul3A_78, %dma_wait3A_115] : memref<40x125xi32, #tpu.memory_space<vmem>> -> memref<1x125xi32, #tpu.memory_space<vmem>>
        %dma_wait3A_117 = tpu.memref_squeeze %dma_wait3A_116 : memref<1x125xi32, #tpu.memory_space<vmem>> -> memref<125xi32, #tpu.memory_space<vmem>>
        %dma_wait3A_118 = arith.constant 0 : i32
        %dma_wait3A_119 = arith.constant 0 : i32
        %dma_wait3A_120 = tpu.memref_slice %arg10[%dma_wait3A_118, %dma_wait3A_119] : memref<10000x128xf32, #tpu.memory_space<vmem_shared>> -> memref<10000x128xf32, #tpu.memory_space<vmem_shared>>
        tpu.wait_indirect_dma semaphore(%run_scoped3A : memref<!tpu.dma_semaphore, #tpu.memory_space<semaphore_mem>>) src(%arg8 : memref<125x128xf32, #tpu.memory_space<vmem>>) dst(%dma_wait3A_120 : memref<10000x128xf32, #tpu.memory_space<vmem_shared>>)
        tpu.yield
      }) : () -> ()
      %add3A_92 = arith.constant 2 : i32
      %add3A_93 = arith.addi %mul3A_78, %add3A_92 : i32
      %lt3A = arith.constant 40 : i32
      %lt3A_94 = arith.cmpi slt, %add3A_93, %lt3A : i32
      %convert_element_type3A_95 = arith.extui %lt3A_94 : i1 to i32
      %cond3A_96 = arith.constant 0 : i32
      %cond3A_97 = arith.cmpi ne, %convert_element_type3A_95, %cond3A_96 : i32
      scf.if %cond3A_97 {
        %add3A_109 = arith.constant 2 : i32
        %add3A_110 = arith.addi %mul3A_78, %add3A_109 : i32
        %dma_start3A_111 = arith.constant 0 : i32
        %dma_start3A_112 = tpu.memref_slice %arg6[%add3A_110, %dma_start3A_111] : memref<40x125xi32, #tpu.memory_space<vmem>> -> memref<1x125xi32, #tpu.memory_space<vmem>>
        %dma_start3A_113 = tpu.memref_squeeze %dma_start3A_112 : memref<1x125xi32, #tpu.memory_space<vmem>> -> memref<125xi32, #tpu.memory_space<vmem>>
        %dma_start3A_114 = arith.constant 0 : i32
        %dma_start3A_115 = arith.constant 0 : i32
        %dma_start3A_116 = tpu.memref_slice %arg2[%dma_start3A_114, %dma_start3A_115] : memref<10000x128xf32, #tpu.memory_space<hbm>> -> memref<10000x128xf32, #tpu.memory_space<hbm>>
        tpu.enqueue_indirect_dma source(%dma_start3A_116 : memref<10000x128xf32, #tpu.memory_space<hbm>>) target(%arg8 : memref<125x128xf32, #tpu.memory_space<vmem>>) offsets(%dma_start3A_113 : memref<125xi32, #tpu.memory_space<vmem>>) semaphore(%arg11 : memref<!tpu.dma_semaphore, #tpu.memory_space<semaphore_mem>>)
      } else {
      }
      %add3A_98 = arith.constant 1 : i32
      %add3A_99 = arith.addi %mul3A_78, %add3A_98 : i32
      %dma_wait3A_100 = arith.constant 0 : i32
      %dma_wait3A_101 = tpu.memref_slice %arg6[%add3A_99, %dma_wait3A_100] : memref<40x125xi32, #tpu.memory_space<vmem>> -> memref<1x125xi32, #tpu.memory_space<vmem>>
      %dma_wait3A_102 = tpu.memref_squeeze %dma_wait3A_101 : memref<1x125xi32, #tpu.memory_space<vmem>> -> memref<125xi32, #tpu.memory_space<vmem>>
      %dma_wait3A_103 = arith.constant 0 : i32
      %dma_wait3A_104 = arith.constant 0 : i32
      %dma_wait3A_105 = tpu.memref_slice %arg2[%dma_wait3A_103, %dma_wait3A_104] : memref<10000x128xf32, #tpu.memory_space<hbm>> -> memref<10000x128xf32, #tpu.memory_space<hbm>>
      tpu.wait_indirect_dma semaphore(%arg12 : memref<!tpu.dma_semaphore, #tpu.memory_space<semaphore_mem>>) src(%dma_wait3A_105 : memref<10000x128xf32, #tpu.memory_space<hbm>>) dst(%arg9 : memref<125x128xf32, #tpu.memory_space<vmem>>)
      %add3A_106 = arith.constant 1 : i32
      %add3A_107 = arith.addi %mul3A_78, %add3A_106 : i32
      "tpu.region"() ({
        %run_scoped3A = tpu.sem_alloc : memref<!tpu.dma_semaphore, #tpu.memory_space<semaphore_mem>>
        %dma_start3A_109 = arith.constant 0 : i32
        %dma_start3A_110 = tpu.memref_slice %arg7[%add3A_107, %dma_start3A_109] : memref<40x125xi32, #tpu.memory_space<vmem>> -> memref<1x125xi32, #tpu.memory_space<vmem>>
        %dma_start3A_111 = tpu.memref_squeeze %dma_start3A_110 : memref<1x125xi32, #tpu.memory_space<vmem>> -> memref<125xi32, #tpu.memory_space<vmem>>
        %dma_start3A_112 = arith.constant 0 : i32
        %dma_start3A_113 = arith.constant 0 : i32
        %dma_start3A_114 = tpu.memref_slice %arg10[%dma_start3A_112, %dma_start3A_113] : memref<10000x128xf32, #tpu.memory_space<vmem_shared>> -> memref<10000x128xf32, #tpu.memory_space<vmem_shared>>
        tpu.enqueue_indirect_dma source(%arg9 : memref<125x128xf32, #tpu.memory_space<vmem>>) target(%dma_start3A_114 : memref<10000x128xf32, #tpu.memory_space<vmem_shared>>) offsets(%dma_start3A_111 : memref<125xi32, #tpu.memory_space<vmem>>) semaphore(%run_scoped3A : memref<!tpu.dma_semaphore, #tpu.memory_space<semaphore_mem>>) {add = true}
        %dma_wait3A_115 = arith.constant 0 : i32
        %dma_wait3A_116 = tpu.memref_slice %arg7[%add3A_107, %dma_wait3A_115] : memref<40x125xi32, #tpu.memory_space<vmem>> -> memref<1x125xi32, #tpu.memory_space<vmem>>
        %dma_wait3A_117 = tpu.memref_squeeze %dma_wait3A_116 : memref<1x125xi32, #tpu.memory_space<vmem>> -> memref<125xi32, #tpu.memory_space<vmem>>
        %dma_wait3A_118 = arith.constant 0 : i32
        %dma_wait3A_119 = arith.constant 0 : i32
        %dma_wait3A_120 = tpu.memref_slice %arg10[%dma_wait3A_118, %dma_wait3A_119] : memref<10000x128xf32, #tpu.memory_space<vmem_shared>> -> memref<10000x128xf32, #tpu.memory_space<vmem_shared>>
        tpu.wait_indirect_dma semaphore(%run_scoped3A : memref<!tpu.dma_semaphore, #tpu.memory_space<semaphore_mem>>) src(%arg9 : memref<125x128xf32, #tpu.memory_space<vmem>>) dst(%dma_wait3A_120 : memref<10000x128xf32, #tpu.memory_space<vmem_shared>>)
        tpu.yield
      }) : () -> ()
      %scan3A_108 = arith.constant 0 : i32
      scf.yield %scan3A_108 : i32
    }
    %scan3A_64 = arith.constant 20 : i32
    %barrier3A_65 = arith.constant 0 : index
    tpu.barrier barrier_id(%barrier3A_65)
    %mul3A_66 = arith.constant 624 : i32
    %mul3A_67 = arith.muli %arg1, %mul3A_66 : i32
    %mul3A_68 = arith.constant 624 : i32
    %mul3A_69 = arith.muli %arg1, %mul3A_68 : i32
    "tpu.region"() ({
      %run_scoped3A = tpu.sem_alloc : memref<!tpu.dma_semaphore, #tpu.memory_space<semaphore_mem>>
      %dma_start3A_75 = arith.constant 0 : i32
      %dma_start3A_76 = tpu.memref_slice %arg5[%arg0, %mul3A_69, %dma_start3A_75] : memref<2x10000x128xf32, #tpu.memory_space<hbm>> -> memref<1x624x128xf32, #tpu.memory_space<hbm>>
      %dma_start3A_77 = tpu.memref_squeeze %dma_start3A_76 : memref<1x624x128xf32, #tpu.memory_space<hbm>> -> memref<624x128xf32, #tpu.memory_space<hbm>>
      %dma_start3A_78 = arith.constant 0 : i32
      %dma_start3A_79 = tpu.memref_slice %arg10[%mul3A_67, %dma_start3A_78] : memref<10000x128xf32, #tpu.memory_space<vmem_shared>> -> memref<624x128xf32, #tpu.memory_space<vmem_shared>>
      tpu.enqueue_dma source(%dma_start3A_79 : memref<624x128xf32, #tpu.memory_space<vmem_shared>>) target(%dma_start3A_77 : memref<624x128xf32, #tpu.memory_space<hbm>>) target_semaphore(%run_scoped3A : memref<!tpu.dma_semaphore, #tpu.memory_space<semaphore_mem>>)
      %dma_wait3A = arith.constant 0 : i32
      %dma_wait3A_80 = tpu.memref_slice %arg5[%arg0, %mul3A_69, %dma_wait3A] : memref<2x10000x128xf32, #tpu.memory_space<hbm>> -> memref<1x624x128xf32, #tpu.memory_space<hbm>>
      %dma_wait3A_81 = tpu.memref_squeeze %dma_wait3A_80 : memref<1x624x128xf32, #tpu.memory_space<hbm>> -> memref<624x128xf32, #tpu.memory_space<hbm>>
      %dma_wait3A_82 = arith.constant 0 : i32
      %dma_wait3A_83 = tpu.memref_slice %arg10[%mul3A_67, %dma_wait3A_82] : memref<10000x128xf32, #tpu.memory_space<vmem_shared>> -> memref<624x128xf32, #tpu.memory_space<vmem_shared>>
      tpu.wait_dma2 semaphore(%run_scoped3A : memref<!tpu.dma_semaphore, #tpu.memory_space<semaphore_mem>>) src(%dma_wait3A_83 : memref<624x128xf32, #tpu.memory_space<vmem_shared>>) dst(%dma_wait3A_81 : memref<624x128xf32, #tpu.memory_space<hbm>>)
      tpu.yield
    }) : () -> ()
    %eq3A_70 = arith.constant 15 : i32
    %eq3A_71 = arith.cmpi eq, %arg1, %eq3A_70 : i32
    %convert_element_type3A_72 = arith.extui %eq3A_71 : i1 to i32
    %cond3A_73 = arith.constant 0 : i32
    %cond3A_74 = arith.cmpi ne, %convert_element_type3A_72, %cond3A_73 : i32
    scf.if %cond3A_74 {
      "tpu.region"() ({
        %run_scoped3A = tpu.sem_alloc : memref<!tpu.dma_semaphore, #tpu.memory_space<semaphore_mem>>
        %dma_start3A_75 = arith.constant 9984 : i32
        %dma_start3A_76 = arith.constant 0 : i32
        %dma_start3A_77 = tpu.memref_slice %arg5[%arg0, %dma_start3A_75, %dma_start3A_76] : memref<2x10000x128xf32, #tpu.memory_space<hbm>> -> memref<1x16x128xf32, #tpu.memory_space<hbm>>
        %dma_start3A_78 = tpu.memref_squeeze %dma_start3A_77 : memref<1x16x128xf32, #tpu.memory_space<hbm>> -> memref<16x128xf32, #tpu.memory_space<hbm>>
        %dma_start3A_79 = arith.constant 9984 : i32
        %dma_start3A_80 = arith.constant 0 : i32
        %dma_start3A_81 = tpu.memref_slice %arg10[%dma_start3A_79, %dma_start3A_80] : memref<10000x128xf32, #tpu.memory_space<vmem_shared>> -> memref<16x128xf32, #tpu.memory_space<vmem_shared>>
        tpu.enqueue_dma source(%dma_start3A_81 : memref<16x128xf32, #tpu.memory_space<vmem_shared>>) target(%dma_start3A_78 : memref<16x128xf32, #tpu.memory_space<hbm>>) target_semaphore(%run_scoped3A : memref<!tpu.dma_semaphore, #tpu.memory_space<semaphore_mem>>)
        %dma_wait3A = arith.constant 9984 : i32
        %dma_wait3A_82 = arith.constant 0 : i32
        %dma_wait3A_83 = tpu.memref_slice %arg5[%arg0, %dma_wait3A, %dma_wait3A_82] : memref<2x10000x128xf32, #tpu.memory_space<hbm>> -> memref<1x16x128xf32, #tpu.memory_space<hbm>>
        %dma_wait3A_84 = tpu.memref_squeeze %dma_wait3A_83 : memref<1x16x128xf32, #tpu.memory_space<hbm>> -> memref<16x128xf32, #tpu.memory_space<hbm>>
        %dma_wait3A_85 = arith.constant 9984 : i32
        %dma_wait3A_86 = arith.constant 0 : i32
        %dma_wait3A_87 = tpu.memref_slice %arg10[%dma_wait3A_85, %dma_wait3A_86] : memref<10000x128xf32, #tpu.memory_space<vmem_shared>> -> memref<16x128xf32, #tpu.memory_space<vmem_shared>>
        tpu.wait_dma2 semaphore(%run_scoped3A : memref<!tpu.dma_semaphore, #tpu.memory_space<semaphore_mem>>) src(%dma_wait3A_87 : memref<16x128xf32, #tpu.memory_space<vmem_shared>>) dst(%dma_wait3A_84 : memref<16x128xf32, #tpu.memory_space<hbm>>)
        tpu.yield
      }) : () -> ()
    } else {
    }
    return
  }
}

#map = affine_map<(d0, d1) -> (0, 0)>
#map1 = affine_map<(d0, d1) -> (0, 0, 0)>
module attributes {stable_mosaic.version = 14 : i64} {
  func.func @agg_kernel(%arg0: i32, %arg1: i32, %arg2: memref<10000x128xf32, #tpu.memory_space<hbm>>, %arg3: memref<32x80x125xi32, #tpu.memory_space<hbm>>, %arg4: memref<32x80x125xi32, #tpu.memory_space<hbm>>, %arg5: memref<2x10000x128xf32, #tpu.memory_space<hbm>>, %arg6: memref<40x125xi32, #tpu.memory_space<vmem>>, %arg7: memref<40x125xi32, #tpu.memory_space<vmem>>, %arg8: memref<125x128xf32, #tpu.memory_space<vmem>>, %arg9: memref<125x128xf32, #tpu.memory_space<vmem>>, %arg10: memref<10000x128xf32, #tpu.memory_space<vmem_shared>>, %arg11: memref<!tpu.dma_semaphore, #tpu.memory_space<semaphore_mem>>, %arg12: memref<!tpu.dma_semaphore, #tpu.memory_space<semaphore_mem>>) attributes {dimension_semantics = [#tpu.dimension_semantics<core_parallel>, #tpu.dimension_semantics<subcore_parallel>], iteration_bounds = array<i64: 2, 16>, scalar_prefetch = 0 : i64, scratch_operands = 7 : i64, tpu.core_type = #tpu.core_type<sc_vector_subcore>, window_params = [{transform_indices = #map}, {transform_indices = #map1}, {transform_indices = #map1}, {transform_indices = #map1}]} {
    %mul3A = arith.constant 16 : i32
    %mul3A_0 = arith.muli %arg0, %mul3A : i32
    %add3A = arith.addi %mul3A_0, %arg1 : i32
    %broadcast_in_dim3A = arith.constant 0.000000e+00 : f32
    %broadcast_in_dim3A_1 = vector.broadcast %broadcast_in_dim3A : f32 to vector<16xf32>
    %scan3A = arith.constant 0 : i32
    %scan3A_2 = arith.constant 0 : i32
    %scan3A_3 = arith.constant 96 : i32
    %scan3A_4 = arith.addi %scan3A_2, %scan3A_3 : i32
    %scan3A_5 = arith.constant 1 : i32
    %scan3A_6 = scf.for %scan3A_75 = %scan3A_2 to %scan3A_4 step %scan3A_5 iter_args(%scan3A_76 = %scan3A) -> (i32)  : i32 {
      %scan3A_77 = arith.constant 0 : i32
      %scan3A_78 = arith.constant 0 : i32
      %scan3A_79 = arith.constant 8 : i32
      %scan3A_80 = arith.addi %scan3A_78, %scan3A_79 : i32
      %scan3A_81 = arith.constant 1 : i32
      %scan3A_82 = scf.for %scan3A_84 = %scan3A_78 to %scan3A_80 step %scan3A_81 iter_args(%scan3A_85 = %scan3A_77) -> (i32)  : i32 {
        %mul3A_86 = arith.constant 16 : i32
        %mul3A_87 = arith.muli %scan3A_84, %mul3A_86 : i32
        %swap3A = arith.index_cast %scan3A_75 : i32 to index
        %swap3A_88 = arith.index_cast %mul3A_87 : i32 to index
        %swap3A_89 = tpu.vector_load %arg8[%swap3A, %swap3A_88] {strides = array<i32>} : memref<125x128xf32, #tpu.memory_space<vmem>>, vector<1x16xf32>,
        %swap3A_90 = vector.shape_cast %swap3A_89 : vector<1x16xf32> to vector<16xf32>
        %swap3A_91 = vector.shape_cast %broadcast_in_dim3A_1 : vector<16xf32> to vector<1x16xf32>
        tpu.vector_store %arg8[%swap3A, %swap3A_88], %swap3A_91 {strides = array<i32>} : memref<125x128xf32, #tpu.memory_space<vmem>>, vector<1x16xf32>,
        %scan3A_92 = arith.constant 0 : i32
        scf.yield %scan3A_92 : i32
      }
      %scan3A_83 = arith.constant 8 : i32
      scf.yield %scan3A_82 : i32
    }
    %scan3A_7 = arith.constant 96 : i32
    %mul3A_8 = arith.constant 624 : i32
    %mul3A_9 = arith.muli %arg1, %mul3A_8 : i32
    %add3A_10 = arith.constant 0 : i32
    %add3A_11 = arith.addi %mul3A_9, %add3A_10 : i32
    "tpu.region"() ({
      %run_scoped3A = tpu.sem_alloc : memref<!tpu.dma_semaphore, #tpu.memory_space<semaphore_mem>>
      %dma_start3A_75 = arith.constant 0 : i32
      %dma_start3A_76 = arith.constant 0 : i32
      %dma_start3A_77 = tpu.memref_slice %arg8[%dma_start3A_75, %dma_start3A_76] : memref<125x128xf32, #tpu.memory_space<vmem>> -> memref<96x128xf32, #tpu.memory_space<vmem>>
      %dma_start3A_78 = arith.constant 0 : i32
      %dma_start3A_79 = tpu.memref_slice %arg10[%add3A_11, %dma_start3A_78] : memref<10000x128xf32, #tpu.memory_space<vmem_shared>> -> memref<96x128xf32, #tpu.memory_space<vmem_shared>>
      %dma_start3A_80 = arith.constant 0 : i32
      %dma_start3A_81 = tpu.memref_slice %arg10[%add3A_11, %dma_start3A_80] : memref<10000x128xf32, #tpu.memory_space<vmem_shared>> -> memref<96x128xf32, #tpu.memory_space<vmem_shared>>
      %dma_start3A_82 = arith.constant 0 : i32
      %dma_start3A_83 = arith.constant 0 : i32
      %dma_start3A_84 = tpu.memref_slice %arg8[%dma_start3A_82, %dma_start3A_83] : memref<125x128xf32, #tpu.memory_space<vmem>> -> memref<96x128xf32, #tpu.memory_space<vmem>>
      tpu.enqueue_dma source(%dma_start3A_84 : memref<96x128xf32, #tpu.memory_space<vmem>>) target(%dma_start3A_81 : memref<96x128xf32, #tpu.memory_space<vmem_shared>>) target_semaphore(%run_scoped3A : memref<!tpu.dma_semaphore, #tpu.memory_space<semaphore_mem>>)
      %dma_wait3A = arith.constant 0 : i32
      %dma_wait3A_85 = arith.constant 0 : i32
      %dma_wait3A_86 = tpu.memref_slice %arg8[%dma_wait3A, %dma_wait3A_85] : memref<125x128xf32, #tpu.memory_space<vmem>> -> memref<96x128xf32, #tpu.memory_space<vmem>>
      %dma_wait3A_87 = arith.constant 0 : i32
      %dma_wait3A_88 = tpu.memref_slice %arg10[%add3A_11, %dma_wait3A_87] : memref<10000x128xf32, #tpu.memory_space<vmem_shared>> -> memref<96x128xf32, #tpu.memory_space<vmem_shared>>
      %dma_wait3A_89 = arith.constant 0 : i32
      %dma_wait3A_90 = tpu.memref_slice %arg10[%add3A_11, %dma_wait3A_89] : memref<10000x128xf32, #tpu.memory_space<vmem_shared>> -> memref<96x128xf32, #tpu.memory_space<vmem_shared>>
      %dma_wait3A_91 = arith.constant 0 : i32
      %dma_wait3A_92 = arith.constant 0 : i32
      %dma_wait3A_93 = tpu.memref_slice %arg8[%dma_wait3A_91, %dma_wait3A_92] : memref<125x128xf32, #tpu.memory_space<vmem>> -> memref<96x128xf32, #tpu.memory_space<vmem>>
      tpu.wait_dma2 semaphore(%run_scoped3A : memref<!tpu.dma_semaphore, #tpu.memory_space<semaphore_mem>>) src(%dma_wait3A_93 : memref<96x128xf32, #tpu.memory_space<vmem>>) dst(%dma_wait3A_90 : memref<96x128xf32, #tpu.memory_space<vmem_shared>>)
      tpu.yield
    }) : () -> ()
    %mul3A_12 = arith.constant 624 : i32
    %mul3A_13 = arith.muli %arg1, %mul3A_12 : i32
    %add3A_14 = arith.constant 96 : i32
    %add3A_15 = arith.addi %mul3A_13, %add3A_14 : i32
    "tpu.region"() ({
      %run_scoped3A = tpu.sem_alloc : memref<!tpu.dma_semaphore, #tpu.memory_space<semaphore_mem>>
      %dma_start3A_75 = arith.constant 0 : i32
      %dma_start3A_76 = arith.constant 0 : i32
      %dma_start3A_77 = tpu.memref_slice %arg8[%dma_start3A_75, %dma_start3A_76] : memref<125x128xf32, #tpu.memory_space<vmem>> -> memref<96x128xf32, #tpu.memory_space<vmem>>
      %dma_start3A_78 = arith.constant 0 : i32
      %dma_start3A_79 = tpu.memref_slice %arg10[%add3A_15, %dma_start3A_78] : memref<10000x128xf32, #tpu.memory_space<vmem_shared>> -> memref<96x128xf32, #tpu.memory_space<vmem_shared>>
      %dma_start3A_80 = arith.constant 0 : i32
      %dma_start3A_81 = tpu.memref_slice %arg10[%add3A_15, %dma_start3A_80] : memref<10000x128xf32, #tpu.memory_space<vmem_shared>> -> memref<96x128xf32, #tpu.memory_space<vmem_shared>>
      %dma_start3A_82 = arith.constant 0 : i32
      %dma_start3A_83 = arith.constant 0 : i32
      %dma_start3A_84 = tpu.memref_slice %arg8[%dma_start3A_82, %dma_start3A_83] : memref<125x128xf32, #tpu.memory_space<vmem>> -> memref<96x128xf32, #tpu.memory_space<vmem>>
      tpu.enqueue_dma source(%dma_start3A_84 : memref<96x128xf32, #tpu.memory_space<vmem>>) target(%dma_start3A_81 : memref<96x128xf32, #tpu.memory_space<vmem_shared>>) target_semaphore(%run_scoped3A : memref<!tpu.dma_semaphore, #tpu.memory_space<semaphore_mem>>)
      %dma_wait3A = arith.constant 0 : i32
      %dma_wait3A_85 = arith.constant 0 : i32
      %dma_wait3A_86 = tpu.memref_slice %arg8[%dma_wait3A, %dma_wait3A_85] : memref<125x128xf32, #tpu.memory_space<vmem>> -> memref<96x128xf32, #tpu.memory_space<vmem>>
      %dma_wait3A_87 = arith.constant 0 : i32
      %dma_wait3A_88 = tpu.memref_slice %arg10[%add3A_15, %dma_wait3A_87] : memref<10000x128xf32, #tpu.memory_space<vmem_shared>> -> memref<96x128xf32, #tpu.memory_space<vmem_shared>>
      %dma_wait3A_89 = arith.constant 0 : i32
      %dma_wait3A_90 = tpu.memref_slice %arg10[%add3A_15, %dma_wait3A_89] : memref<10000x128xf32, #tpu.memory_space<vmem_shared>> -> memref<96x128xf32, #tpu.memory_space<vmem_shared>>
      %dma_wait3A_91 = arith.constant 0 : i32
      %dma_wait3A_92 = arith.constant 0 : i32
      %dma_wait3A_93 = tpu.memref_slice %arg8[%dma_wait3A_91, %dma_wait3A_92] : memref<125x128xf32, #tpu.memory_space<vmem>> -> memref<96x128xf32, #tpu.memory_space<vmem>>
      tpu.wait_dma2 semaphore(%run_scoped3A : memref<!tpu.dma_semaphore, #tpu.memory_space<semaphore_mem>>) src(%dma_wait3A_93 : memref<96x128xf32, #tpu.memory_space<vmem>>) dst(%dma_wait3A_90 : memref<96x128xf32, #tpu.memory_space<vmem_shared>>)
      tpu.yield
    }) : () -> ()
    %mul3A_16 = arith.constant 624 : i32
    %mul3A_17 = arith.muli %arg1, %mul3A_16 : i32
    %add3A_18 = arith.constant 192 : i32
    %add3A_19 = arith.addi %mul3A_17, %add3A_18 : i32
    "tpu.region"() ({
      %run_scoped3A = tpu.sem_alloc : memref<!tpu.dma_semaphore, #tpu.memory_space<semaphore_mem>>
      %dma_start3A_75 = arith.constant 0 : i32
      %dma_start3A_76 = arith.constant 0 : i32
      %dma_start3A_77 = tpu.memref_slice %arg8[%dma_start3A_75, %dma_start3A_76] : memref<125x128xf32, #tpu.memory_space<vmem>> -> memref<96x128xf32, #tpu.memory_space<vmem>>
      %dma_start3A_78 = arith.constant 0 : i32
      %dma_start3A_79 = tpu.memref_slice %arg10[%add3A_19, %dma_start3A_78] : memref<10000x128xf32, #tpu.memory_space<vmem_shared>> -> memref<96x128xf32, #tpu.memory_space<vmem_shared>>
      %dma_start3A_80 = arith.constant 0 : i32
      %dma_start3A_81 = tpu.memref_slice %arg10[%add3A_19, %dma_start3A_80] : memref<10000x128xf32, #tpu.memory_space<vmem_shared>> -> memref<96x128xf32, #tpu.memory_space<vmem_shared>>
      %dma_start3A_82 = arith.constant 0 : i32
      %dma_start3A_83 = arith.constant 0 : i32
      %dma_start3A_84 = tpu.memref_slice %arg8[%dma_start3A_82, %dma_start3A_83] : memref<125x128xf32, #tpu.memory_space<vmem>> -> memref<96x128xf32, #tpu.memory_space<vmem>>
      tpu.enqueue_dma source(%dma_start3A_84 : memref<96x128xf32, #tpu.memory_space<vmem>>) target(%dma_start3A_81 : memref<96x128xf32, #tpu.memory_space<vmem_shared>>) target_semaphore(%run_scoped3A : memref<!tpu.dma_semaphore, #tpu.memory_space<semaphore_mem>>)
      %dma_wait3A = arith.constant 0 : i32
      %dma_wait3A_85 = arith.constant 0 : i32
      %dma_wait3A_86 = tpu.memref_slice %arg8[%dma_wait3A, %dma_wait3A_85] : memref<125x128xf32, #tpu.memory_space<vmem>> -> memref<96x128xf32, #tpu.memory_space<vmem>>
      %dma_wait3A_87 = arith.constant 0 : i32
      %dma_wait3A_88 = tpu.memref_slice %arg10[%add3A_19, %dma_wait3A_87] : memref<10000x128xf32, #tpu.memory_space<vmem_shared>> -> memref<96x128xf32, #tpu.memory_space<vmem_shared>>
      %dma_wait3A_89 = arith.constant 0 : i32
      %dma_wait3A_90 = tpu.memref_slice %arg10[%add3A_19, %dma_wait3A_89] : memref<10000x128xf32, #tpu.memory_space<vmem_shared>> -> memref<96x128xf32, #tpu.memory_space<vmem_shared>>
      %dma_wait3A_91 = arith.constant 0 : i32
      %dma_wait3A_92 = arith.constant 0 : i32
      %dma_wait3A_93 = tpu.memref_slice %arg8[%dma_wait3A_91, %dma_wait3A_92] : memref<125x128xf32, #tpu.memory_space<vmem>> -> memref<96x128xf32, #tpu.memory_space<vmem>>
      tpu.wait_dma2 semaphore(%run_scoped3A : memref<!tpu.dma_semaphore, #tpu.memory_space<semaphore_mem>>) src(%dma_wait3A_93 : memref<96x128xf32, #tpu.memory_space<vmem>>) dst(%dma_wait3A_90 : memref<96x128xf32, #tpu.memory_space<vmem_shared>>)
      tpu.yield
    }) : () -> ()
    %mul3A_20 = arith.constant 624 : i32
    %mul3A_21 = arith.muli %arg1, %mul3A_20 : i32
    %add3A_22 = arith.constant 288 : i32
    %add3A_23 = arith.addi %mul3A_21, %add3A_22 : i32
    "tpu.region"() ({
      %run_scoped3A = tpu.sem_alloc : memref<!tpu.dma_semaphore, #tpu.memory_space<semaphore_mem>>
      %dma_start3A_75 = arith.constant 0 : i32
      %dma_start3A_76 = arith.constant 0 : i32
      %dma_start3A_77 = tpu.memref_slice %arg8[%dma_start3A_75, %dma_start3A_76] : memref<125x128xf32, #tpu.memory_space<vmem>> -> memref<96x128xf32, #tpu.memory_space<vmem>>
      %dma_start3A_78 = arith.constant 0 : i32
      %dma_start3A_79 = tpu.memref_slice %arg10[%add3A_23, %dma_start3A_78] : memref<10000x128xf32, #tpu.memory_space<vmem_shared>> -> memref<96x128xf32, #tpu.memory_space<vmem_shared>>
      %dma_start3A_80 = arith.constant 0 : i32
      %dma_start3A_81 = tpu.memref_slice %arg10[%add3A_23, %dma_start3A_80] : memref<10000x128xf32, #tpu.memory_space<vmem_shared>> -> memref<96x128xf32, #tpu.memory_space<vmem_shared>>
      %dma_start3A_82 = arith.constant 0 : i32
      %dma_start3A_83 = arith.constant 0 : i32
      %dma_start3A_84 = tpu.memref_slice %arg8[%dma_start3A_82, %dma_start3A_83] : memref<125x128xf32, #tpu.memory_space<vmem>> -> memref<96x128xf32, #tpu.memory_space<vmem>>
      tpu.enqueue_dma source(%dma_start3A_84 : memref<96x128xf32, #tpu.memory_space<vmem>>) target(%dma_start3A_81 : memref<96x128xf32, #tpu.memory_space<vmem_shared>>) target_semaphore(%run_scoped3A : memref<!tpu.dma_semaphore, #tpu.memory_space<semaphore_mem>>)
      %dma_wait3A = arith.constant 0 : i32
      %dma_wait3A_85 = arith.constant 0 : i32
      %dma_wait3A_86 = tpu.memref_slice %arg8[%dma_wait3A, %dma_wait3A_85] : memref<125x128xf32, #tpu.memory_space<vmem>> -> memref<96x128xf32, #tpu.memory_space<vmem>>
      %dma_wait3A_87 = arith.constant 0 : i32
      %dma_wait3A_88 = tpu.memref_slice %arg10[%add3A_23, %dma_wait3A_87] : memref<10000x128xf32, #tpu.memory_space<vmem_shared>> -> memref<96x128xf32, #tpu.memory_space<vmem_shared>>
      %dma_wait3A_89 = arith.constant 0 : i32
      %dma_wait3A_90 = tpu.memref_slice %arg10[%add3A_23, %dma_wait3A_89] : memref<10000x128xf32, #tpu.memory_space<vmem_shared>> -> memref<96x128xf32, #tpu.memory_space<vmem_shared>>
      %dma_wait3A_91 = arith.constant 0 : i32
      %dma_wait3A_92 = arith.constant 0 : i32
      %dma_wait3A_93 = tpu.memref_slice %arg8[%dma_wait3A_91, %dma_wait3A_92] : memref<125x128xf32, #tpu.memory_space<vmem>> -> memref<96x128xf32, #tpu.memory_space<vmem>>
      tpu.wait_dma2 semaphore(%run_scoped3A : memref<!tpu.dma_semaphore, #tpu.memory_space<semaphore_mem>>) src(%dma_wait3A_93 : memref<96x128xf32, #tpu.memory_space<vmem>>) dst(%dma_wait3A_90 : memref<96x128xf32, #tpu.memory_space<vmem_shared>>)
      tpu.yield
    }) : () -> ()
    %mul3A_24 = arith.constant 624 : i32
    %mul3A_25 = arith.muli %arg1, %mul3A_24 : i32
    %add3A_26 = arith.constant 384 : i32
    %add3A_27 = arith.addi %mul3A_25, %add3A_26 : i32
    "tpu.region"() ({
      %run_scoped3A = tpu.sem_alloc : memref<!tpu.dma_semaphore, #tpu.memory_space<semaphore_mem>>
      %dma_start3A_75 = arith.constant 0 : i32
      %dma_start3A_76 = arith.constant 0 : i32
      %dma_start3A_77 = tpu.memref_slice %arg8[%dma_start3A_75, %dma_start3A_76] : memref<125x128xf32, #tpu.memory_space<vmem>> -> memref<96x128xf32, #tpu.memory_space<vmem>>
      %dma_start3A_78 = arith.constant 0 : i32
      %dma_start3A_79 = tpu.memref_slice %arg10[%add3A_27, %dma_start3A_78] : memref<10000x128xf32, #tpu.memory_space<vmem_shared>> -> memref<96x128xf32, #tpu.memory_space<vmem_shared>>
      %dma_start3A_80 = arith.constant 0 : i32
      %dma_start3A_81 = tpu.memref_slice %arg10[%add3A_27, %dma_start3A_80] : memref<10000x128xf32, #tpu.memory_space<vmem_shared>> -> memref<96x128xf32, #tpu.memory_space<vmem_shared>>
      %dma_start3A_82 = arith.constant 0 : i32
      %dma_start3A_83 = arith.constant 0 : i32
      %dma_start3A_84 = tpu.memref_slice %arg8[%dma_start3A_82, %dma_start3A_83] : memref<125x128xf32, #tpu.memory_space<vmem>> -> memref<96x128xf32, #tpu.memory_space<vmem>>
      tpu.enqueue_dma source(%dma_start3A_84 : memref<96x128xf32, #tpu.memory_space<vmem>>) target(%dma_start3A_81 : memref<96x128xf32, #tpu.memory_space<vmem_shared>>) target_semaphore(%run_scoped3A : memref<!tpu.dma_semaphore, #tpu.memory_space<semaphore_mem>>)
      %dma_wait3A = arith.constant 0 : i32
      %dma_wait3A_85 = arith.constant 0 : i32
      %dma_wait3A_86 = tpu.memref_slice %arg8[%dma_wait3A, %dma_wait3A_85] : memref<125x128xf32, #tpu.memory_space<vmem>> -> memref<96x128xf32, #tpu.memory_space<vmem>>
      %dma_wait3A_87 = arith.constant 0 : i32
      %dma_wait3A_88 = tpu.memref_slice %arg10[%add3A_27, %dma_wait3A_87] : memref<10000x128xf32, #tpu.memory_space<vmem_shared>> -> memref<96x128xf32, #tpu.memory_space<vmem_shared>>
      %dma_wait3A_89 = arith.constant 0 : i32
      %dma_wait3A_90 = tpu.memref_slice %arg10[%add3A_27, %dma_wait3A_89] : memref<10000x128xf32, #tpu.memory_space<vmem_shared>> -> memref<96x128xf32, #tpu.memory_space<vmem_shared>>
      %dma_wait3A_91 = arith.constant 0 : i32
      %dma_wait3A_92 = arith.constant 0 : i32
      %dma_wait3A_93 = tpu.memref_slice %arg8[%dma_wait3A_91, %dma_wait3A_92] : memref<125x128xf32, #tpu.memory_space<vmem>> -> memref<96x128xf32, #tpu.memory_space<vmem>>
      tpu.wait_dma2 semaphore(%run_scoped3A : memref<!tpu.dma_semaphore, #tpu.memory_space<semaphore_mem>>) src(%dma_wait3A_93 : memref<96x128xf32, #tpu.memory_space<vmem>>) dst(%dma_wait3A_90 : memref<96x128xf32, #tpu.memory_space<vmem_shared>>)
      tpu.yield
    }) : () -> ()
    %mul3A_28 = arith.constant 624 : i32
    %mul3A_29 = arith.muli %arg1, %mul3A_28 : i32
    %add3A_30 = arith.constant 480 : i32
    %add3A_31 = arith.addi %mul3A_29, %add3A_30 : i32
    "tpu.region"() ({
      %run_scoped3A = tpu.sem_alloc : memref<!tpu.dma_semaphore, #tpu.memory_space<semaphore_mem>>
      %dma_start3A_75 = arith.constant 0 : i32
      %dma_start3A_76 = arith.constant 0 : i32
      %dma_start3A_77 = tpu.memref_slice %arg8[%dma_start3A_75, %dma_start3A_76] : memref<125x128xf32, #tpu.memory_space<vmem>> -> memref<96x128xf32, #tpu.memory_space<vmem>>
      %dma_start3A_78 = arith.constant 0 : i32
      %dma_start3A_79 = tpu.memref_slice %arg10[%add3A_31, %dma_start3A_78] : memref<10000x128xf32, #tpu.memory_space<vmem_shared>> -> memref<96x128xf32, #tpu.memory_space<vmem_shared>>
      %dma_start3A_80 = arith.constant 0 : i32
      %dma_start3A_81 = tpu.memref_slice %arg10[%add3A_31, %dma_start3A_80] : memref<10000x128xf32, #tpu.memory_space<vmem_shared>> -> memref<96x128xf32, #tpu.memory_space<vmem_shared>>
      %dma_start3A_82 = arith.constant 0 : i32
      %dma_start3A_83 = arith.constant 0 : i32
      %dma_start3A_84 = tpu.memref_slice %arg8[%dma_start3A_82, %dma_start3A_83] : memref<125x128xf32, #tpu.memory_space<vmem>> -> memref<96x128xf32, #tpu.memory_space<vmem>>
      tpu.enqueue_dma source(%dma_start3A_84 : memref<96x128xf32, #tpu.memory_space<vmem>>) target(%dma_start3A_81 : memref<96x128xf32, #tpu.memory_space<vmem_shared>>) target_semaphore(%run_scoped3A : memref<!tpu.dma_semaphore, #tpu.memory_space<semaphore_mem>>)
      %dma_wait3A = arith.constant 0 : i32
      %dma_wait3A_85 = arith.constant 0 : i32
      %dma_wait3A_86 = tpu.memref_slice %arg8[%dma_wait3A, %dma_wait3A_85] : memref<125x128xf32, #tpu.memory_space<vmem>> -> memref<96x128xf32, #tpu.memory_space<vmem>>
      %dma_wait3A_87 = arith.constant 0 : i32
      %dma_wait3A_88 = tpu.memref_slice %arg10[%add3A_31, %dma_wait3A_87] : memref<10000x128xf32, #tpu.memory_space<vmem_shared>> -> memref<96x128xf32, #tpu.memory_space<vmem_shared>>
      %dma_wait3A_89 = arith.constant 0 : i32
      %dma_wait3A_90 = tpu.memref_slice %arg10[%add3A_31, %dma_wait3A_89] : memref<10000x128xf32, #tpu.memory_space<vmem_shared>> -> memref<96x128xf32, #tpu.memory_space<vmem_shared>>
      %dma_wait3A_91 = arith.constant 0 : i32
      %dma_wait3A_92 = arith.constant 0 : i32
      %dma_wait3A_93 = tpu.memref_slice %arg8[%dma_wait3A_91, %dma_wait3A_92] : memref<125x128xf32, #tpu.memory_space<vmem>> -> memref<96x128xf32, #tpu.memory_space<vmem>>
      tpu.wait_dma2 semaphore(%run_scoped3A : memref<!tpu.dma_semaphore, #tpu.memory_space<semaphore_mem>>) src(%dma_wait3A_93 : memref<96x128xf32, #tpu.memory_space<vmem>>) dst(%dma_wait3A_90 : memref<96x128xf32, #tpu.memory_space<vmem_shared>>)
      tpu.yield
    }) : () -> ()
    %mul3A_32 = arith.constant 624 : i32
    %mul3A_33 = arith.muli %arg1, %mul3A_32 : i32
    %add3A_34 = arith.constant 576 : i32
    %add3A_35 = arith.addi %mul3A_33, %add3A_34 : i32
    "tpu.region"() ({
      %run_scoped3A = tpu.sem_alloc : memref<!tpu.dma_semaphore, #tpu.memory_space<semaphore_mem>>
      %dma_start3A_75 = arith.constant 0 : i32
      %dma_start3A_76 = arith.constant 0 : i32
      %dma_start3A_77 = tpu.memref_slice %arg8[%dma_start3A_75, %dma_start3A_76] : memref<125x128xf32, #tpu.memory_space<vmem>> -> memref<48x128xf32, #tpu.memory_space<vmem>>
      %dma_start3A_78 = arith.constant 0 : i32
      %dma_start3A_79 = tpu.memref_slice %arg10[%add3A_35, %dma_start3A_78] : memref<10000x128xf32, #tpu.memory_space<vmem_shared>> -> memref<48x128xf32, #tpu.memory_space<vmem_shared>>
      %dma_start3A_80 = arith.constant 0 : i32
      %dma_start3A_81 = tpu.memref_slice %arg10[%add3A_35, %dma_start3A_80] : memref<10000x128xf32, #tpu.memory_space<vmem_shared>> -> memref<48x128xf32, #tpu.memory_space<vmem_shared>>
      %dma_start3A_82 = arith.constant 0 : i32
      %dma_start3A_83 = arith.constant 0 : i32
      %dma_start3A_84 = tpu.memref_slice %arg8[%dma_start3A_82, %dma_start3A_83] : memref<125x128xf32, #tpu.memory_space<vmem>> -> memref<48x128xf32, #tpu.memory_space<vmem>>
      tpu.enqueue_dma source(%dma_start3A_84 : memref<48x128xf32, #tpu.memory_space<vmem>>) target(%dma_start3A_81 : memref<48x128xf32, #tpu.memory_space<vmem_shared>>) target_semaphore(%run_scoped3A : memref<!tpu.dma_semaphore, #tpu.memory_space<semaphore_mem>>)
      %dma_wait3A = arith.constant 0 : i32
      %dma_wait3A_85 = arith.constant 0 : i32
      %dma_wait3A_86 = tpu.memref_slice %arg8[%dma_wait3A, %dma_wait3A_85] : memref<125x128xf32, #tpu.memory_space<vmem>> -> memref<48x128xf32, #tpu.memory_space<vmem>>
      %dma_wait3A_87 = arith.constant 0 : i32
      %dma_wait3A_88 = tpu.memref_slice %arg10[%add3A_35, %dma_wait3A_87] : memref<10000x128xf32, #tpu.memory_space<vmem_shared>> -> memref<48x128xf32, #tpu.memory_space<vmem_shared>>
      %dma_wait3A_89 = arith.constant 0 : i32
      %dma_wait3A_90 = tpu.memref_slice %arg10[%add3A_35, %dma_wait3A_89] : memref<10000x128xf32, #tpu.memory_space<vmem_shared>> -> memref<48x128xf32, #tpu.memory_space<vmem_shared>>
      %dma_wait3A_91 = arith.constant 0 : i32
      %dma_wait3A_92 = arith.constant 0 : i32
      %dma_wait3A_93 = tpu.memref_slice %arg8[%dma_wait3A_91, %dma_wait3A_92] : memref<125x128xf32, #tpu.memory_space<vmem>> -> memref<48x128xf32, #tpu.memory_space<vmem>>
      tpu.wait_dma2 semaphore(%run_scoped3A : memref<!tpu.dma_semaphore, #tpu.memory_space<semaphore_mem>>) src(%dma_wait3A_93 : memref<48x128xf32, #tpu.memory_space<vmem>>) dst(%dma_wait3A_90 : memref<48x128xf32, #tpu.memory_space<vmem_shared>>)
      tpu.yield
    }) : () -> ()
    %eq3A = arith.constant 15 : i32
    %eq3A_36 = arith.cmpi eq, %arg1, %eq3A : i32
    %convert_element_type3A = arith.extui %eq3A_36 : i1 to i32
    %cond3A = arith.constant 0 : i32
    %cond3A_37 = arith.cmpi ne, %convert_element_type3A, %cond3A : i32
    scf.if %cond3A_37 {
      "tpu.region"() ({
        %run_scoped3A = tpu.sem_alloc : memref<!tpu.dma_semaphore, #tpu.memory_space<semaphore_mem>>
        %dma_start3A_75 = arith.constant 0 : i32
        %dma_start3A_76 = arith.constant 0 : i32
        %dma_start3A_77 = tpu.memref_slice %arg8[%dma_start3A_75, %dma_start3A_76] : memref<125x128xf32, #tpu.memory_space<vmem>> -> memref<16x128xf32, #tpu.memory_space<vmem>>
        %dma_start3A_78 = arith.constant 9984 : i32
        %dma_start3A_79 = arith.constant 0 : i32
        %dma_start3A_80 = tpu.memref_slice %arg10[%dma_start3A_78, %dma_start3A_79] : memref<10000x128xf32, #tpu.memory_space<vmem_shared>> -> memref<16x128xf32, #tpu.memory_space<vmem_shared>>
        %dma_start3A_81 = arith.constant 9984 : i32
        %dma_start3A_82 = arith.constant 0 : i32
        %dma_start3A_83 = tpu.memref_slice %arg10[%dma_start3A_81, %dma_start3A_82] : memref<10000x128xf32, #tpu.memory_space<vmem_shared>> -> memref<16x128xf32, #tpu.memory_space<vmem_shared>>
        %dma_start3A_84 = arith.constant 0 : i32
        %dma_start3A_85 = arith.constant 0 : i32
        %dma_start3A_86 = tpu.memref_slice %arg8[%dma_start3A_84, %dma_start3A_85] : memref<125x128xf32, #tpu.memory_space<vmem>> -> memref<16x128xf32, #tpu.memory_space<vmem>>
        tpu.enqueue_dma source(%dma_start3A_86 : memref<16x128xf32, #tpu.memory_space<vmem>>) target(%dma_start3A_83 : memref<16x128xf32, #tpu.memory_space<vmem_shared>>) target_semaphore(%run_scoped3A : memref<!tpu.dma_semaphore, #tpu.memory_space<semaphore_mem>>)
        %dma_wait3A = arith.constant 0 : i32
        %dma_wait3A_87 = arith.constant 0 : i32
        %dma_wait3A_88 = tpu.memref_slice %arg8[%dma_wait3A, %dma_wait3A_87] : memref<125x128xf32, #tpu.memory_space<vmem>> -> memref<16x128xf32, #tpu.memory_space<vmem>>
        %dma_wait3A_89 = arith.constant 9984 : i32
        %dma_wait3A_90 = arith.constant 0 : i32
        %dma_wait3A_91 = tpu.memref_slice %arg10[%dma_wait3A_89, %dma_wait3A_90] : memref<10000x128xf32, #tpu.memory_space<vmem_shared>> -> memref<16x128xf32, #tpu.memory_space<vmem_shared>>
        %dma_wait3A_92 = arith.constant 9984 : i32
        %dma_wait3A_93 = arith.constant 0 : i32
        %dma_wait3A_94 = tpu.memref_slice %arg10[%dma_wait3A_92, %dma_wait3A_93] : memref<10000x128xf32, #tpu.memory_space<vmem_shared>> -> memref<16x128xf32, #tpu.memory_space<vmem_shared>>
        %dma_wait3A_95 = arith.constant 0 : i32
        %dma_wait3A_96 = arith.constant 0 : i32
        %dma_wait3A_97 = tpu.memref_slice %arg8[%dma_wait3A_95, %dma_wait3A_96] : memref<125x128xf32, #tpu.memory_space<vmem>> -> memref<16x128xf32, #tpu.memory_space<vmem>>
        tpu.wait_dma2 semaphore(%run_scoped3A : memref<!tpu.dma_semaphore, #tpu.memory_space<semaphore_mem>>) src(%dma_wait3A_97 : memref<16x128xf32, #tpu.memory_space<vmem>>) dst(%dma_wait3A_94 : memref<16x128xf32, #tpu.memory_space<vmem_shared>>)
        tpu.yield
      }) : () -> ()
    } else {
    }
    %barrier3A = arith.constant 0 : index
    tpu.barrier barrier_id(%barrier3A)
    "tpu.region"() ({
      %run_scoped3A = tpu.sem_alloc : memref<!tpu.dma_semaphore, #tpu.memory_space<semaphore_mem>>
      %dma_start3A_75 = arith.constant 0 : i32
      %dma_start3A_76 = arith.constant 0 : i32
      %dma_start3A_77 = tpu.memref_slice %arg3[%add3A, %dma_start3A_75, %dma_start3A_76] : memref<32x80x125xi32, #tpu.memory_space<hbm>> -> memref<1x40x125xi32, #tpu.memory_space<hbm>>
      %dma_start3A_78 = tpu.memref_squeeze %dma_start3A_77 : memref<1x40x125xi32, #tpu.memory_space<hbm>> -> memref<40x125xi32, #tpu.memory_space<hbm>>
      %dma_start3A_79 = arith.constant 0 : i32
      %dma_start3A_80 = arith.constant 0 : i32
      %dma_start3A_81 = tpu.memref_slice %arg3[%add3A, %dma_start3A_79, %dma_start3A_80] : memref<32x80x125xi32, #tpu.memory_space<hbm>> -> memref<1x40x125xi32, #tpu.memory_space<hbm>>
      %dma_start3A_82 = tpu.memref_squeeze %dma_start3A_81 : memref<1x40x125xi32, #tpu.memory_space<hbm>> -> memref<40x125xi32, #tpu.memory_space<hbm>>
      tpu.enqueue_dma source(%dma_start3A_82 : memref<40x125xi32, #tpu.memory_space<hbm>>) target(%arg6 : memref<40x125xi32, #tpu.memory_space<vmem>>) target_semaphore(%run_scoped3A : memref<!tpu.dma_semaphore, #tpu.memory_space<semaphore_mem>>)
      %dma_wait3A = arith.constant 0 : i32
      %dma_wait3A_83 = arith.constant 0 : i32
      %dma_wait3A_84 = tpu.memref_slice %arg3[%add3A, %dma_wait3A, %dma_wait3A_83] : memref<32x80x125xi32, #tpu.memory_space<hbm>> -> memref<1x40x125xi32, #tpu.memory_space<hbm>>
      %dma_wait3A_85 = tpu.memref_squeeze %dma_wait3A_84 : memref<1x40x125xi32, #tpu.memory_space<hbm>> -> memref<40x125xi32, #tpu.memory_space<hbm>>
      %dma_wait3A_86 = arith.constant 0 : i32
      %dma_wait3A_87 = arith.constant 0 : i32
      %dma_wait3A_88 = tpu.memref_slice %arg3[%add3A, %dma_wait3A_86, %dma_wait3A_87] : memref<32x80x125xi32, #tpu.memory_space<hbm>> -> memref<1x40x125xi32, #tpu.memory_space<hbm>>
      %dma_wait3A_89 = tpu.memref_squeeze %dma_wait3A_88 : memref<1x40x125xi32, #tpu.memory_space<hbm>> -> memref<40x125xi32, #tpu.memory_space<hbm>>
      tpu.wait_dma2 semaphore(%run_scoped3A : memref<!tpu.dma_semaphore, #tpu.memory_space<semaphore_mem>>) src(%dma_wait3A_89 : memref<40x125xi32, #tpu.memory_space<hbm>>) dst(%arg6 : memref<40x125xi32, #tpu.memory_space<vmem>>)
      tpu.yield
    }) : () -> ()
    "tpu.region"() ({
      %run_scoped3A = tpu.sem_alloc : memref<!tpu.dma_semaphore, #tpu.memory_space<semaphore_mem>>
      %dma_start3A_75 = arith.constant 0 : i32
      %dma_start3A_76 = arith.constant 0 : i32
      %dma_start3A_77 = tpu.memref_slice %arg4[%add3A, %dma_start3A_75, %dma_start3A_76] : memref<32x80x125xi32, #tpu.memory_space<hbm>> -> memref<1x40x125xi32, #tpu.memory_space<hbm>>
      %dma_start3A_78 = tpu.memref_squeeze %dma_start3A_77 : memref<1x40x125xi32, #tpu.memory_space<hbm>> -> memref<40x125xi32, #tpu.memory_space<hbm>>
      %dma_start3A_79 = arith.constant 0 : i32
      %dma_start3A_80 = arith.constant 0 : i32
      %dma_start3A_81 = tpu.memref_slice %arg4[%add3A, %dma_start3A_79, %dma_start3A_80] : memref<32x80x125xi32, #tpu.memory_space<hbm>> -> memref<1x40x125xi32, #tpu.memory_space<hbm>>
      %dma_start3A_82 = tpu.memref_squeeze %dma_start3A_81 : memref<1x40x125xi32, #tpu.memory_space<hbm>> -> memref<40x125xi32, #tpu.memory_space<hbm>>
      tpu.enqueue_dma source(%dma_start3A_82 : memref<40x125xi32, #tpu.memory_space<hbm>>) target(%arg7 : memref<40x125xi32, #tpu.memory_space<vmem>>) target_semaphore(%run_scoped3A : memref<!tpu.dma_semaphore, #tpu.memory_space<semaphore_mem>>)
      %dma_wait3A = arith.constant 0 : i32
      %dma_wait3A_83 = arith.constant 0 : i32
      %dma_wait3A_84 = tpu.memref_slice %arg4[%add3A, %dma_wait3A, %dma_wait3A_83] : memref<32x80x125xi32, #tpu.memory_space<hbm>> -> memref<1x40x125xi32, #tpu.memory_space<hbm>>
      %dma_wait3A_85 = tpu.memref_squeeze %dma_wait3A_84 : memref<1x40x125xi32, #tpu.memory_space<hbm>> -> memref<40x125xi32, #tpu.memory_space<hbm>>
      %dma_wait3A_86 = arith.constant 0 : i32
      %dma_wait3A_87 = arith.constant 0 : i32
      %dma_wait3A_88 = tpu.memref_slice %arg4[%add3A, %dma_wait3A_86, %dma_wait3A_87] : memref<32x80x125xi32, #tpu.memory_space<hbm>> -> memref<1x40x125xi32, #tpu.memory_space<hbm>>
      %dma_wait3A_89 = tpu.memref_squeeze %dma_wait3A_88 : memref<1x40x125xi32, #tpu.memory_space<hbm>> -> memref<40x125xi32, #tpu.memory_space<hbm>>
      tpu.wait_dma2 semaphore(%run_scoped3A : memref<!tpu.dma_semaphore, #tpu.memory_space<semaphore_mem>>) src(%dma_wait3A_89 : memref<40x125xi32, #tpu.memory_space<hbm>>) dst(%arg7 : memref<40x125xi32, #tpu.memory_space<vmem>>)
      tpu.yield
    }) : () -> ()
    %dma_start3A = arith.constant 0 : i32
    %dma_start3A_38 = arith.constant 0 : i32
    %dma_start3A_39 = tpu.memref_slice %arg6[%dma_start3A, %dma_start3A_38] : memref<40x125xi32, #tpu.memory_space<vmem>> -> memref<1x125xi32, #tpu.memory_space<vmem>>
    %dma_start3A_40 = tpu.memref_squeeze %dma_start3A_39 : memref<1x125xi32, #tpu.memory_space<vmem>> -> memref<125xi32, #tpu.memory_space<vmem>>
    %dma_start3A_41 = arith.constant 0 : i32
    %dma_start3A_42 = arith.constant 0 : i32
    %dma_start3A_43 = tpu.memref_slice %arg2[%dma_start3A_41, %dma_start3A_42] : memref<10000x128xf32, #tpu.memory_space<hbm>> -> memref<10000x128xf32, #tpu.memory_space<hbm>>
    tpu.enqueue_indirect_dma source(%dma_start3A_43 : memref<10000x128xf32, #tpu.memory_space<hbm>>) target(%arg8 : memref<125x128xf32, #tpu.memory_space<vmem>>) offsets(%dma_start3A_40 : memref<125xi32, #tpu.memory_space<vmem>>) semaphore(%arg11 : memref<!tpu.dma_semaphore, #tpu.memory_space<semaphore_mem>>)
    %scan3A_44 = arith.constant 0 : i32
    %scan3A_45 = arith.constant 0 : i32
    %scan3A_46 = arith.constant 20 : i32
    %scan3A_47 = arith.addi %scan3A_45, %scan3A_46 : i32
    %scan3A_48 = arith.constant 1 : i32
    %scan3A_49 = scf.for %scan3A_75 = %scan3A_45 to %scan3A_47 step %scan3A_48 iter_args(%scan3A_76 = %scan3A_44) -> (i32)  : i32 {
      %mul3A_77 = arith.constant 2 : i32
      %mul3A_78 = arith.muli %mul3A_77, %scan3A_75 : i32
      %add3A_79 = arith.constant 1 : i32
      %add3A_80 = arith.addi %mul3A_78, %add3A_79 : i32
      %dma_start3A_81 = arith.constant 0 : i32
      %dma_start3A_82 = tpu.memref_slice %arg6[%add3A_80, %dma_start3A_81] : memref<40x125xi32, #tpu.memory_space<vmem>> -> memref<1x125xi32, #tpu.memory_space<vmem>>
      %dma_start3A_83 = tpu.memref_squeeze %dma_start3A_82 : memref<1x125xi32, #tpu.memory_space<vmem>> -> memref<125xi32, #tpu.memory_space<vmem>>
      %dma_start3A_84 = arith.constant 0 : i32
      %dma_start3A_85 = arith.constant 0 : i32
      %dma_start3A_86 = tpu.memref_slice %arg2[%dma_start3A_84, %dma_start3A_85] : memref<10000x128xf32, #tpu.memory_space<hbm>> -> memref<10000x128xf32, #tpu.memory_space<hbm>>
      tpu.enqueue_indirect_dma source(%dma_start3A_86 : memref<10000x128xf32, #tpu.memory_space<hbm>>) target(%arg9 : memref<125x128xf32, #tpu.memory_space<vmem>>) offsets(%dma_start3A_83 : memref<125xi32, #tpu.memory_space<vmem>>) semaphore(%arg12 : memref<!tpu.dma_semaphore, #tpu.memory_space<semaphore_mem>>)
      %dma_wait3A = arith.constant 0 : i32
      %dma_wait3A_87 = tpu.memref_slice %arg6[%mul3A_78, %dma_wait3A] : memref<40x125xi32, #tpu.memory_space<vmem>> -> memref<1x125xi32, #tpu.memory_space<vmem>>
      %dma_wait3A_88 = tpu.memref_squeeze %dma_wait3A_87 : memref<1x125xi32, #tpu.memory_space<vmem>> -> memref<125xi32, #tpu.memory_space<vmem>>
      %dma_wait3A_89 = arith.constant 0 : i32
      %dma_wait3A_90 = arith.constant 0 : i32
      %dma_wait3A_91 = tpu.memref_slice %arg2[%dma_wait3A_89, %dma_wait3A_90] : memref<10000x128xf32, #tpu.memory_space<hbm>> -> memref<10000x128xf32, #tpu.memory_space<hbm>>
      tpu.wait_indirect_dma semaphore(%arg11 : memref<!tpu.dma_semaphore, #tpu.memory_space<semaphore_mem>>) src(%dma_wait3A_91 : memref<10000x128xf32, #tpu.memory_space<hbm>>) dst(%arg8 : memref<125x128xf32, #tpu.memory_space<vmem>>)
      "tpu.region"() ({
        %run_scoped3A = tpu.sem_alloc : memref<!tpu.dma_semaphore, #tpu.memory_space<semaphore_mem>>
        %dma_start3A_109 = arith.constant 0 : i32
        %dma_start3A_110 = tpu.memref_slice %arg7[%mul3A_78, %dma_start3A_109] : memref<40x125xi32, #tpu.memory_space<vmem>> -> memref<1x125xi32, #tpu.memory_space<vmem>>
        %dma_start3A_111 = tpu.memref_squeeze %dma_start3A_110 : memref<1x125xi32, #tpu.memory_space<vmem>> -> memref<125xi32, #tpu.memory_space<vmem>>
        %dma_start3A_112 = arith.constant 0 : i32
        %dma_start3A_113 = arith.constant 0 : i32
        %dma_start3A_114 = tpu.memref_slice %arg10[%dma_start3A_112, %dma_start3A_113] : memref<10000x128xf32, #tpu.memory_space<vmem_shared>> -> memref<10000x128xf32, #tpu.memory_space<vmem_shared>>
        tpu.enqueue_indirect_dma source(%arg8 : memref<125x128xf32, #tpu.memory_space<vmem>>) target(%dma_start3A_114 : memref<10000x128xf32, #tpu.memory_space<vmem_shared>>) offsets(%dma_start3A_111 : memref<125xi32, #tpu.memory_space<vmem>>) semaphore(%run_scoped3A : memref<!tpu.dma_semaphore, #tpu.memory_space<semaphore_mem>>) {add = true}
        %dma_wait3A_115 = arith.constant 0 : i32
        %dma_wait3A_116 = tpu.memref_slice %arg7[%mul3A_78, %dma_wait3A_115] : memref<40x125xi32, #tpu.memory_space<vmem>> -> memref<1x125xi32, #tpu.memory_space<vmem>>
        %dma_wait3A_117 = tpu.memref_squeeze %dma_wait3A_116 : memref<1x125xi32, #tpu.memory_space<vmem>> -> memref<125xi32, #tpu.memory_space<vmem>>
        %dma_wait3A_118 = arith.constant 0 : i32
        %dma_wait3A_119 = arith.constant 0 : i32
        %dma_wait3A_120 = tpu.memref_slice %arg10[%dma_wait3A_118, %dma_wait3A_119] : memref<10000x128xf32, #tpu.memory_space<vmem_shared>> -> memref<10000x128xf32, #tpu.memory_space<vmem_shared>>
        tpu.wait_indirect_dma semaphore(%run_scoped3A : memref<!tpu.dma_semaphore, #tpu.memory_space<semaphore_mem>>) src(%arg8 : memref<125x128xf32, #tpu.memory_space<vmem>>) dst(%dma_wait3A_120 : memref<10000x128xf32, #tpu.memory_space<vmem_shared>>)
        tpu.yield
      }) : () -> ()
      %add3A_92 = arith.constant 2 : i32
      %add3A_93 = arith.addi %mul3A_78, %add3A_92 : i32
      %lt3A = arith.constant 40 : i32
      %lt3A_94 = arith.cmpi slt, %add3A_93, %lt3A : i32
      %convert_element_type3A_95 = arith.extui %lt3A_94 : i1 to i32
      %cond3A_96 = arith.constant 0 : i32
      %cond3A_97 = arith.cmpi ne, %convert_element_type3A_95, %cond3A_96 : i32
      scf.if %cond3A_97 {
        %add3A_109 = arith.constant 2 : i32
        %add3A_110 = arith.addi %mul3A_78, %add3A_109 : i32
        %dma_start3A_111 = arith.constant 0 : i32
        %dma_start3A_112 = tpu.memref_slice %arg6[%add3A_110, %dma_start3A_111] : memref<40x125xi32, #tpu.memory_space<vmem>> -> memref<1x125xi32, #tpu.memory_space<vmem>>
        %dma_start3A_113 = tpu.memref_squeeze %dma_start3A_112 : memref<1x125xi32, #tpu.memory_space<vmem>> -> memref<125xi32, #tpu.memory_space<vmem>>
        %dma_start3A_114 = arith.constant 0 : i32
        %dma_start3A_115 = arith.constant 0 : i32
        %dma_start3A_116 = tpu.memref_slice %arg2[%dma_start3A_114, %dma_start3A_115] : memref<10000x128xf32, #tpu.memory_space<hbm>> -> memref<10000x128xf32, #tpu.memory_space<hbm>>
        tpu.enqueue_indirect_dma source(%dma_start3A_116 : memref<10000x128xf32, #tpu.memory_space<hbm>>) target(%arg8 : memref<125x128xf32, #tpu.memory_space<vmem>>) offsets(%dma_start3A_113 : memref<125xi32, #tpu.memory_space<vmem>>) semaphore(%arg11 : memref<!tpu.dma_semaphore, #tpu.memory_space<semaphore_mem>>)
      } else {
      }
      %add3A_98 = arith.constant 1 : i32
      %add3A_99 = arith.addi %mul3A_78, %add3A_98 : i32
      %dma_wait3A_100 = arith.constant 0 : i32
      %dma_wait3A_101 = tpu.memref_slice %arg6[%add3A_99, %dma_wait3A_100] : memref<40x125xi32, #tpu.memory_space<vmem>> -> memref<1x125xi32, #tpu.memory_space<vmem>>
      %dma_wait3A_102 = tpu.memref_squeeze %dma_wait3A_101 : memref<1x125xi32, #tpu.memory_space<vmem>> -> memref<125xi32, #tpu.memory_space<vmem>>
      %dma_wait3A_103 = arith.constant 0 : i32
      %dma_wait3A_104 = arith.constant 0 : i32
      %dma_wait3A_105 = tpu.memref_slice %arg2[%dma_wait3A_103, %dma_wait3A_104] : memref<10000x128xf32, #tpu.memory_space<hbm>> -> memref<10000x128xf32, #tpu.memory_space<hbm>>
      tpu.wait_indirect_dma semaphore(%arg12 : memref<!tpu.dma_semaphore, #tpu.memory_space<semaphore_mem>>) src(%dma_wait3A_105 : memref<10000x128xf32, #tpu.memory_space<hbm>>) dst(%arg9 : memref<125x128xf32, #tpu.memory_space<vmem>>)
      %add3A_106 = arith.constant 1 : i32
      %add3A_107 = arith.addi %mul3A_78, %add3A_106 : i32
      "tpu.region"() ({
        %run_scoped3A = tpu.sem_alloc : memref<!tpu.dma_semaphore, #tpu.memory_space<semaphore_mem>>
        %dma_start3A_109 = arith.constant 0 : i32
        %dma_start3A_110 = tpu.memref_slice %arg7[%add3A_107, %dma_start3A_109] : memref<40x125xi32, #tpu.memory_space<vmem>> -> memref<1x125xi32, #tpu.memory_space<vmem>>
        %dma_start3A_111 = tpu.memref_squeeze %dma_start3A_110 : memref<1x125xi32, #tpu.memory_space<vmem>> -> memref<125xi32, #tpu.memory_space<vmem>>
        %dma_start3A_112 = arith.constant 0 : i32
        %dma_start3A_113 = arith.constant 0 : i32
        %dma_start3A_114 = tpu.memref_slice %arg10[%dma_start3A_112, %dma_start3A_113] : memref<10000x128xf32, #tpu.memory_space<vmem_shared>> -> memref<10000x128xf32, #tpu.memory_space<vmem_shared>>
        tpu.enqueue_indirect_dma source(%arg9 : memref<125x128xf32, #tpu.memory_space<vmem>>) target(%dma_start3A_114 : memref<10000x128xf32, #tpu.memory_space<vmem_shared>>) offsets(%dma_start3A_111 : memref<125xi32, #tpu.memory_space<vmem>>) semaphore(%run_scoped3A : memref<!tpu.dma_semaphore, #tpu.memory_space<semaphore_mem>>) {add = true}
        %dma_wait3A_115 = arith.constant 0 : i32
        %dma_wait3A_116 = tpu.memref_slice %arg7[%add3A_107, %dma_wait3A_115] : memref<40x125xi32, #tpu.memory_space<vmem>> -> memref<1x125xi32, #tpu.memory_space<vmem>>
        %dma_wait3A_117 = tpu.memref_squeeze %dma_wait3A_116 : memref<1x125xi32, #tpu.memory_space<vmem>> -> memref<125xi32, #tpu.memory_space<vmem>>
        %dma_wait3A_118 = arith.constant 0 : i32
        %dma_wait3A_119 = arith.constant 0 : i32
        %dma_wait3A_120 = tpu.memref_slice %arg10[%dma_wait3A_118, %dma_wait3A_119] : memref<10000x128xf32, #tpu.memory_space<vmem_shared>> -> memref<10000x128xf32, #tpu.memory_space<vmem_shared>>
        tpu.wait_indirect_dma semaphore(%run_scoped3A : memref<!tpu.dma_semaphore, #tpu.memory_space<semaphore_mem>>) src(%arg9 : memref<125x128xf32, #tpu.memory_space<vmem>>) dst(%dma_wait3A_120 : memref<10000x128xf32, #tpu.memory_space<vmem_shared>>)
        tpu.yield
      }) : () -> ()
      %scan3A_108 = arith.constant 0 : i32
      scf.yield %scan3A_108 : i32
    }
    %scan3A_50 = arith.constant 20 : i32
    "tpu.region"() ({
      %run_scoped3A = tpu.sem_alloc : memref<!tpu.dma_semaphore, #tpu.memory_space<semaphore_mem>>
      %dma_start3A_75 = arith.constant 40 : i32
      %dma_start3A_76 = arith.constant 0 : i32
      %dma_start3A_77 = tpu.memref_slice %arg3[%add3A, %dma_start3A_75, %dma_start3A_76] : memref<32x80x125xi32, #tpu.memory_space<hbm>> -> memref<1x40x125xi32, #tpu.memory_space<hbm>>
      %dma_start3A_78 = tpu.memref_squeeze %dma_start3A_77 : memref<1x40x125xi32, #tpu.memory_space<hbm>> -> memref<40x125xi32, #tpu.memory_space<hbm>>
      %dma_start3A_79 = arith.constant 40 : i32
      %dma_start3A_80 = arith.constant 0 : i32
      %dma_start3A_81 = tpu.memref_slice %arg3[%add3A, %dma_start3A_79, %dma_start3A_80] : memref<32x80x125xi32, #tpu.memory_space<hbm>> -> memref<1x40x125xi32, #tpu.memory_space<hbm>>
      %dma_start3A_82 = tpu.memref_squeeze %dma_start3A_81 : memref<1x40x125xi32, #tpu.memory_space<hbm>> -> memref<40x125xi32, #tpu.memory_space<hbm>>
      tpu.enqueue_dma source(%dma_start3A_82 : memref<40x125xi32, #tpu.memory_space<hbm>>) target(%arg6 : memref<40x125xi32, #tpu.memory_space<vmem>>) target_semaphore(%run_scoped3A : memref<!tpu.dma_semaphore, #tpu.memory_space<semaphore_mem>>)
      %dma_wait3A = arith.constant 40 : i32
      %dma_wait3A_83 = arith.constant 0 : i32
      %dma_wait3A_84 = tpu.memref_slice %arg3[%add3A, %dma_wait3A, %dma_wait3A_83] : memref<32x80x125xi32, #tpu.memory_space<hbm>> -> memref<1x40x125xi32, #tpu.memory_space<hbm>>
      %dma_wait3A_85 = tpu.memref_squeeze %dma_wait3A_84 : memref<1x40x125xi32, #tpu.memory_space<hbm>> -> memref<40x125xi32, #tpu.memory_space<hbm>>
      %dma_wait3A_86 = arith.constant 40 : i32
      %dma_wait3A_87 = arith.constant 0 : i32
      %dma_wait3A_88 = tpu.memref_slice %arg3[%add3A, %dma_wait3A_86, %dma_wait3A_87] : memref<32x80x125xi32, #tpu.memory_space<hbm>> -> memref<1x40x125xi32, #tpu.memory_space<hbm>>
      %dma_wait3A_89 = tpu.memref_squeeze %dma_wait3A_88 : memref<1x40x125xi32, #tpu.memory_space<hbm>> -> memref<40x125xi32, #tpu.memory_space<hbm>>
      tpu.wait_dma2 semaphore(%run_scoped3A : memref<!tpu.dma_semaphore, #tpu.memory_space<semaphore_mem>>) src(%dma_wait3A_89 : memref<40x125xi32, #tpu.memory_space<hbm>>) dst(%arg6 : memref<40x125xi32, #tpu.memory_space<vmem>>)
      tpu.yield
    }) : () -> ()
    "tpu.region"() ({
      %run_scoped3A = tpu.sem_alloc : memref<!tpu.dma_semaphore, #tpu.memory_space<semaphore_mem>>
      %dma_start3A_75 = arith.constant 40 : i32
      %dma_start3A_76 = arith.constant 0 : i32
      %dma_start3A_77 = tpu.memref_slice %arg4[%add3A, %dma_start3A_75, %dma_start3A_76] : memref<32x80x125xi32, #tpu.memory_space<hbm>> -> memref<1x40x125xi32, #tpu.memory_space<hbm>>
      %dma_start3A_78 = tpu.memref_squeeze %dma_start3A_77 : memref<1x40x125xi32, #tpu.memory_space<hbm>> -> memref<40x125xi32, #tpu.memory_space<hbm>>
      %dma_start3A_79 = arith.constant 40 : i32
      %dma_start3A_80 = arith.constant 0 : i32
      %dma_start3A_81 = tpu.memref_slice %arg4[%add3A, %dma_start3A_79, %dma_start3A_80] : memref<32x80x125xi32, #tpu.memory_space<hbm>> -> memref<1x40x125xi32, #tpu.memory_space<hbm>>
      %dma_start3A_82 = tpu.memref_squeeze %dma_start3A_81 : memref<1x40x125xi32, #tpu.memory_space<hbm>> -> memref<40x125xi32, #tpu.memory_space<hbm>>
      tpu.enqueue_dma source(%dma_start3A_82 : memref<40x125xi32, #tpu.memory_space<hbm>>) target(%arg7 : memref<40x125xi32, #tpu.memory_space<vmem>>) target_semaphore(%run_scoped3A : memref<!tpu.dma_semaphore, #tpu.memory_space<semaphore_mem>>)
      %dma_wait3A = arith.constant 40 : i32
      %dma_wait3A_83 = arith.constant 0 : i32
      %dma_wait3A_84 = tpu.memref_slice %arg4[%add3A, %dma_wait3A, %dma_wait3A_83] : memref<32x80x125xi32, #tpu.memory_space<hbm>> -> memref<1x40x125xi32, #tpu.memory_space<hbm>>
      %dma_wait3A_85 = tpu.memref_squeeze %dma_wait3A_84 : memref<1x40x125xi32, #tpu.memory_space<hbm>> -> memref<40x125xi32, #tpu.memory_space<hbm>>
      %dma_wait3A_86 = arith.constant 40 : i32
      %dma_wait3A_87 = arith.constant 0 : i32
      %dma_wait3A_88 = tpu.memref_slice %arg4[%add3A, %dma_wait3A_86, %dma_wait3A_87] : memref<32x80x125xi32, #tpu.memory_space<hbm>> -> memref<1x40x125xi32, #tpu.memory_space<hbm>>
      %dma_wait3A_89 = tpu.memref_squeeze %dma_wait3A_88 : memref<1x40x125xi32, #tpu.memory_space<hbm>> -> memref<40x125xi32, #tpu.memory_space<hbm>>
      tpu.wait_dma2 semaphore(%run_scoped3A : memref<!tpu.dma_semaphore, #tpu.memory_space<semaphore_mem>>) src(%dma_wait3A_89 : memref<40x125xi32, #tpu.memory_space<hbm>>) dst(%arg7 : memref<40x125xi32, #tpu.memory_space<vmem>>)
      tpu.yield
    }) : () -> ()
    %dma_start3A_51 = arith.constant 0 : i32
    %dma_start3A_52 = arith.constant 0 : i32
    %dma_start3A_53 = tpu.memref_slice %arg6[%dma_start3A_51, %dma_start3A_52] : memref<40x125xi32, #tpu.memory_space<vmem>> -> memref<1x125xi32, #tpu.memory_space<vmem>>
    %dma_start3A_54 = tpu.memref_squeeze %dma_start3A_53 : memref<1x125xi32, #tpu.memory_space<vmem>> -> memref<125xi32, #tpu.memory_space<vmem>>
    %dma_start3A_55 = arith.constant 0 : i32
    %dma_start3A_56 = arith.constant 0 : i32
    %dma_start3A_57 = tpu.memref_slice %arg2[%dma_start3A_55, %dma_start3A_56] : memref<10000x128xf32, #tpu.memory_space<hbm>> -> memref<10000x128xf32, #tpu.memory_space<hbm>>
    tpu.enqueue_indirect_dma source(%dma_start3A_57 : memref<10000x128xf32, #tpu.memory_space<hbm>>) target(%arg8 : memref<125x128xf32, #tpu.memory_space<vmem>>) offsets(%dma_start3A_54 : memref<125xi32, #tpu.memory_space<vmem>>) semaphore(%arg11 : memref<!tpu.dma_semaphore, #tpu.memory_space<semaphore_mem>>)
    %scan3A_58 = arith.constant 0 : i32
    %scan3A_59 = arith.constant 0 : i32
    %scan3A_60 = arith.constant 20 : i32
    %scan3A_61 = arith.addi %scan3A_59, %scan3A_60 : i32
    %scan3A_62 = arith.constant 1 : i32
    %scan3A_63 = scf.for %scan3A_75 = %scan3A_59 to %scan3A_61 step %scan3A_62 iter_args(%scan3A_76 = %scan3A_58) -> (i32)  : i32 {
      %mul3A_77 = arith.constant 2 : i32
      %mul3A_78 = arith.muli %mul3A_77, %scan3A_75 : i32
      %add3A_79 = arith.constant 1 : i32
      %add3A_80 = arith.addi %mul3A_78, %add3A_79 : i32
      %dma_start3A_81 = arith.constant 0 : i32
      %dma_start3A_82 = tpu.memref_slice %arg6[%add3A_80, %dma_start3A_81] : memref<40x125xi32, #tpu.memory_space<vmem>> -> memref<1x125xi32, #tpu.memory_space<vmem>>
      %dma_start3A_83 = tpu.memref_squeeze %dma_start3A_82 : memref<1x125xi32, #tpu.memory_space<vmem>> -> memref<125xi32, #tpu.memory_space<vmem>>
      %dma_start3A_84 = arith.constant 0 : i32
      %dma_start3A_85 = arith.constant 0 : i32
      %dma_start3A_86 = tpu.memref_slice %arg2[%dma_start3A_84, %dma_start3A_85] : memref<10000x128xf32, #tpu.memory_space<hbm>> -> memref<10000x128xf32, #tpu.memory_space<hbm>>
      tpu.enqueue_indirect_dma source(%dma_start3A_86 : memref<10000x128xf32, #tpu.memory_space<hbm>>) target(%arg9 : memref<125x128xf32, #tpu.memory_space<vmem>>) offsets(%dma_start3A_83 : memref<125xi32, #tpu.memory_space<vmem>>) semaphore(%arg12 : memref<!tpu.dma_semaphore, #tpu.memory_space<semaphore_mem>>)
      %dma_wait3A = arith.constant 0 : i32
      %dma_wait3A_87 = tpu.memref_slice %arg6[%mul3A_78, %dma_wait3A] : memref<40x125xi32, #tpu.memory_space<vmem>> -> memref<1x125xi32, #tpu.memory_space<vmem>>
      %dma_wait3A_88 = tpu.memref_squeeze %dma_wait3A_87 : memref<1x125xi32, #tpu.memory_space<vmem>> -> memref<125xi32, #tpu.memory_space<vmem>>
      %dma_wait3A_89 = arith.constant 0 : i32
      %dma_wait3A_90 = arith.constant 0 : i32
      %dma_wait3A_91 = tpu.memref_slice %arg2[%dma_wait3A_89, %dma_wait3A_90] : memref<10000x128xf32, #tpu.memory_space<hbm>> -> memref<10000x128xf32, #tpu.memory_space<hbm>>
      tpu.wait_indirect_dma semaphore(%arg11 : memref<!tpu.dma_semaphore, #tpu.memory_space<semaphore_mem>>) src(%dma_wait3A_91 : memref<10000x128xf32, #tpu.memory_space<hbm>>) dst(%arg8 : memref<125x128xf32, #tpu.memory_space<vmem>>)
      "tpu.region"() ({
        %run_scoped3A = tpu.sem_alloc : memref<!tpu.dma_semaphore, #tpu.memory_space<semaphore_mem>>
        %dma_start3A_109 = arith.constant 0 : i32
        %dma_start3A_110 = tpu.memref_slice %arg7[%mul3A_78, %dma_start3A_109] : memref<40x125xi32, #tpu.memory_space<vmem>> -> memref<1x125xi32, #tpu.memory_space<vmem>>
        %dma_start3A_111 = tpu.memref_squeeze %dma_start3A_110 : memref<1x125xi32, #tpu.memory_space<vmem>> -> memref<125xi32, #tpu.memory_space<vmem>>
        %dma_start3A_112 = arith.constant 0 : i32
        %dma_start3A_113 = arith.constant 0 : i32
        %dma_start3A_114 = tpu.memref_slice %arg10[%dma_start3A_112, %dma_start3A_113] : memref<10000x128xf32, #tpu.memory_space<vmem_shared>> -> memref<10000x128xf32, #tpu.memory_space<vmem_shared>>
        tpu.enqueue_indirect_dma source(%arg8 : memref<125x128xf32, #tpu.memory_space<vmem>>) target(%dma_start3A_114 : memref<10000x128xf32, #tpu.memory_space<vmem_shared>>) offsets(%dma_start3A_111 : memref<125xi32, #tpu.memory_space<vmem>>) semaphore(%run_scoped3A : memref<!tpu.dma_semaphore, #tpu.memory_space<semaphore_mem>>) {add = true}
        %dma_wait3A_115 = arith.constant 0 : i32
        %dma_wait3A_116 = tpu.memref_slice %arg7[%mul3A_78, %dma_wait3A_115] : memref<40x125xi32, #tpu.memory_space<vmem>> -> memref<1x125xi32, #tpu.memory_space<vmem>>
        %dma_wait3A_117 = tpu.memref_squeeze %dma_wait3A_116 : memref<1x125xi32, #tpu.memory_space<vmem>> -> memref<125xi32, #tpu.memory_space<vmem>>
        %dma_wait3A_118 = arith.constant 0 : i32
        %dma_wait3A_119 = arith.constant 0 : i32
        %dma_wait3A_120 = tpu.memref_slice %arg10[%dma_wait3A_118, %dma_wait3A_119] : memref<10000x128xf32, #tpu.memory_space<vmem_shared>> -> memref<10000x128xf32, #tpu.memory_space<vmem_shared>>
        tpu.wait_indirect_dma semaphore(%run_scoped3A : memref<!tpu.dma_semaphore, #tpu.memory_space<semaphore_mem>>) src(%arg8 : memref<125x128xf32, #tpu.memory_space<vmem>>) dst(%dma_wait3A_120 : memref<10000x128xf32, #tpu.memory_space<vmem_shared>>)
        tpu.yield
      }) : () -> ()
      %add3A_92 = arith.constant 2 : i32
      %add3A_93 = arith.addi %mul3A_78, %add3A_92 : i32
      %lt3A = arith.constant 40 : i32
      %lt3A_94 = arith.cmpi slt, %add3A_93, %lt3A : i32
      %convert_element_type3A_95 = arith.extui %lt3A_94 : i1 to i32
      %cond3A_96 = arith.constant 0 : i32
      %cond3A_97 = arith.cmpi ne, %convert_element_type3A_95, %cond3A_96 : i32
      scf.if %cond3A_97 {
        %add3A_109 = arith.constant 2 : i32
        %add3A_110 = arith.addi %mul3A_78, %add3A_109 : i32
        %dma_start3A_111 = arith.constant 0 : i32
        %dma_start3A_112 = tpu.memref_slice %arg6[%add3A_110, %dma_start3A_111] : memref<40x125xi32, #tpu.memory_space<vmem>> -> memref<1x125xi32, #tpu.memory_space<vmem>>
        %dma_start3A_113 = tpu.memref_squeeze %dma_start3A_112 : memref<1x125xi32, #tpu.memory_space<vmem>> -> memref<125xi32, #tpu.memory_space<vmem>>
        %dma_start3A_114 = arith.constant 0 : i32
        %dma_start3A_115 = arith.constant 0 : i32
        %dma_start3A_116 = tpu.memref_slice %arg2[%dma_start3A_114, %dma_start3A_115] : memref<10000x128xf32, #tpu.memory_space<hbm>> -> memref<10000x128xf32, #tpu.memory_space<hbm>>
        tpu.enqueue_indirect_dma source(%dma_start3A_116 : memref<10000x128xf32, #tpu.memory_space<hbm>>) target(%arg8 : memref<125x128xf32, #tpu.memory_space<vmem>>) offsets(%dma_start3A_113 : memref<125xi32, #tpu.memory_space<vmem>>) semaphore(%arg11 : memref<!tpu.dma_semaphore, #tpu.memory_space<semaphore_mem>>)
      } else {
      }
      %add3A_98 = arith.constant 1 : i32
      %add3A_99 = arith.addi %mul3A_78, %add3A_98 : i32
      %dma_wait3A_100 = arith.constant 0 : i32
      %dma_wait3A_101 = tpu.memref_slice %arg6[%add3A_99, %dma_wait3A_100] : memref<40x125xi32, #tpu.memory_space<vmem>> -> memref<1x125xi32, #tpu.memory_space<vmem>>
      %dma_wait3A_102 = tpu.memref_squeeze %dma_wait3A_101 : memref<1x125xi32, #tpu.memory_space<vmem>> -> memref<125xi32, #tpu.memory_space<vmem>>
      %dma_wait3A_103 = arith.constant 0 : i32
      %dma_wait3A_104 = arith.constant 0 : i32
      %dma_wait3A_105 = tpu.memref_slice %arg2[%dma_wait3A_103, %dma_wait3A_104] : memref<10000x128xf32, #tpu.memory_space<hbm>> -> memref<10000x128xf32, #tpu.memory_space<hbm>>
      tpu.wait_indirect_dma semaphore(%arg12 : memref<!tpu.dma_semaphore, #tpu.memory_space<semaphore_mem>>) src(%dma_wait3A_105 : memref<10000x128xf32, #tpu.memory_space<hbm>>) dst(%arg9 : memref<125x128xf32, #tpu.memory_space<vmem>>)
      %add3A_106 = arith.constant 1 : i32
      %add3A_107 = arith.addi %mul3A_78, %add3A_106 : i32
      "tpu.region"() ({
        %run_scoped3A = tpu.sem_alloc : memref<!tpu.dma_semaphore, #tpu.memory_space<semaphore_mem>>
        %dma_start3A_109 = arith.constant 0 : i32
        %dma_start3A_110 = tpu.memref_slice %arg7[%add3A_107, %dma_start3A_109] : memref<40x125xi32, #tpu.memory_space<vmem>> -> memref<1x125xi32, #tpu.memory_space<vmem>>
        %dma_start3A_111 = tpu.memref_squeeze %dma_start3A_110 : memref<1x125xi32, #tpu.memory_space<vmem>> -> memref<125xi32, #tpu.memory_space<vmem>>
        %dma_start3A_112 = arith.constant 0 : i32
        %dma_start3A_113 = arith.constant 0 : i32
        %dma_start3A_114 = tpu.memref_slice %arg10[%dma_start3A_112, %dma_start3A_113] : memref<10000x128xf32, #tpu.memory_space<vmem_shared>> -> memref<10000x128xf32, #tpu.memory_space<vmem_shared>>
        tpu.enqueue_indirect_dma source(%arg9 : memref<125x128xf32, #tpu.memory_space<vmem>>) target(%dma_start3A_114 : memref<10000x128xf32, #tpu.memory_space<vmem_shared>>) offsets(%dma_start3A_111 : memref<125xi32, #tpu.memory_space<vmem>>) semaphore(%run_scoped3A : memref<!tpu.dma_semaphore, #tpu.memory_space<semaphore_mem>>) {add = true}
        %dma_wait3A_115 = arith.constant 0 : i32
        %dma_wait3A_116 = tpu.memref_slice %arg7[%add3A_107, %dma_wait3A_115] : memref<40x125xi32, #tpu.memory_space<vmem>> -> memref<1x125xi32, #tpu.memory_space<vmem>>
        %dma_wait3A_117 = tpu.memref_squeeze %dma_wait3A_116 : memref<1x125xi32, #tpu.memory_space<vmem>> -> memref<125xi32, #tpu.memory_space<vmem>>
        %dma_wait3A_118 = arith.constant 0 : i32
        %dma_wait3A_119 = arith.constant 0 : i32
        %dma_wait3A_120 = tpu.memref_slice %arg10[%dma_wait3A_118, %dma_wait3A_119] : memref<10000x128xf32, #tpu.memory_space<vmem_shared>> -> memref<10000x128xf32, #tpu.memory_space<vmem_shared>>
        tpu.wait_indirect_dma semaphore(%run_scoped3A : memref<!tpu.dma_semaphore, #tpu.memory_space<semaphore_mem>>) src(%arg9 : memref<125x128xf32, #tpu.memory_space<vmem>>) dst(%dma_wait3A_120 : memref<10000x128xf32, #tpu.memory_space<vmem_shared>>)
        tpu.yield
      }) : () -> ()
      %scan3A_108 = arith.constant 0 : i32
      scf.yield %scan3A_108 : i32
    }
    %scan3A_64 = arith.constant 20 : i32
    %barrier3A_65 = arith.constant 0 : index
    tpu.barrier barrier_id(%barrier3A_65)
    %mul3A_66 = arith.constant 624 : i32
    %mul3A_67 = arith.muli %arg1, %mul3A_66 : i32
    %mul3A_68 = arith.constant 624 : i32
    %mul3A_69 = arith.muli %arg1, %mul3A_68 : i32
    "tpu.region"() ({
      %run_scoped3A = tpu.sem_alloc : memref<!tpu.dma_semaphore, #tpu.memory_space<semaphore_mem>>
      %dma_start3A_75 = arith.constant 0 : i32
      %dma_start3A_76 = tpu.memref_slice %arg5[%arg0, %mul3A_69, %dma_start3A_75] : memref<2x10000x128xf32, #tpu.memory_space<hbm>> -> memref<1x624x128xf32, #tpu.memory_space<hbm>>
      %dma_start3A_77 = tpu.memref_squeeze %dma_start3A_76 : memref<1x624x128xf32, #tpu.memory_space<hbm>> -> memref<624x128xf32, #tpu.memory_space<hbm>>
      %dma_start3A_78 = arith.constant 0 : i32
      %dma_start3A_79 = tpu.memref_slice %arg10[%mul3A_67, %dma_start3A_78] : memref<10000x128xf32, #tpu.memory_space<vmem_shared>> -> memref<624x128xf32, #tpu.memory_space<vmem_shared>>
      tpu.enqueue_dma source(%dma_start3A_79 : memref<624x128xf32, #tpu.memory_space<vmem_shared>>) target(%dma_start3A_77 : memref<624x128xf32, #tpu.memory_space<hbm>>) target_semaphore(%run_scoped3A : memref<!tpu.dma_semaphore, #tpu.memory_space<semaphore_mem>>)
      %dma_wait3A = arith.constant 0 : i32
      %dma_wait3A_80 = tpu.memref_slice %arg5[%arg0, %mul3A_69, %dma_wait3A] : memref<2x10000x128xf32, #tpu.memory_space<hbm>> -> memref<1x624x128xf32, #tpu.memory_space<hbm>>
      %dma_wait3A_81 = tpu.memref_squeeze %dma_wait3A_80 : memref<1x624x128xf32, #tpu.memory_space<hbm>> -> memref<624x128xf32, #tpu.memory_space<hbm>>
      %dma_wait3A_82 = arith.constant 0 : i32
      %dma_wait3A_83 = tpu.memref_slice %arg10[%mul3A_67, %dma_wait3A_82] : memref<10000x128xf32, #tpu.memory_space<vmem_shared>> -> memref<624x128xf32, #tpu.memory_space<vmem_shared>>
      tpu.wait_dma2 semaphore(%run_scoped3A : memref<!tpu.dma_semaphore, #tpu.memory_space<semaphore_mem>>) src(%dma_wait3A_83 : memref<624x128xf32, #tpu.memory_space<vmem_shared>>) dst(%dma_wait3A_81 : memref<624x128xf32, #tpu.memory_space<hbm>>)
      tpu.yield
    }) : () -> ()
    %eq3A_70 = arith.constant 15 : i32
    %eq3A_71 = arith.cmpi eq, %arg1, %eq3A_70 : i32
    %convert_element_type3A_72 = arith.extui %eq3A_71 : i1 to i32
    %cond3A_73 = arith.constant 0 : i32
    %cond3A_74 = arith.cmpi ne, %convert_element_type3A_72, %cond3A_73 : i32
    scf.if %cond3A_74 {
      "tpu.region"() ({
        %run_scoped3A = tpu.sem_alloc : memref<!tpu.dma_semaphore, #tpu.memory_space<semaphore_mem>>
        %dma_start3A_75 = arith.constant 9984 : i32
        %dma_start3A_76 = arith.constant 0 : i32
        %dma_start3A_77 = tpu.memref_slice %arg5[%arg0, %dma_start3A_75, %dma_start3A_76] : memref<2x10000x128xf32, #tpu.memory_space<hbm>> -> memref<1x16x128xf32, #tpu.memory_space<hbm>>
        %dma_start3A_78 = tpu.memref_squeeze %dma_start3A_77 : memref<1x16x128xf32, #tpu.memory_space<hbm>> -> memref<16x128xf32, #tpu.memory_space<hbm>>
        %dma_start3A_79 = arith.constant 9984 : i32
        %dma_start3A_80 = arith.constant 0 : i32
        %dma_start3A_81 = tpu.memref_slice %arg10[%dma_start3A_79, %dma_start3A_80] : memref<10000x128xf32, #tpu.memory_space<vmem_shared>> -> memref<16x128xf32, #tpu.memory_space<vmem_shared>>
        tpu.enqueue_dma source(%dma_start3A_81 : memref<16x128xf32, #tpu.memory_space<vmem_shared>>) target(%dma_start3A_78 : memref<16x128xf32, #tpu.memory_space<hbm>>) target_semaphore(%run_scoped3A : memref<!tpu.dma_semaphore, #tpu.memory_space<semaphore_mem>>)
        %dma_wait3A = arith.constant 9984 : i32
        %dma_wait3A_82 = arith.constant 0 : i32
        %dma_wait3A_83 = tpu.memref_slice %arg5[%arg0, %dma_wait3A, %dma_wait3A_82] : memref<2x10000x128xf32, #tpu.memory_space<hbm>> -> memref<1x16x128xf32, #tpu.memory_space<hbm>>
        %dma_wait3A_84 = tpu.memref_squeeze %dma_wait3A_83 : memref<1x16x128xf32, #tpu.memory_space<hbm>> -> memref<16x128xf32, #tpu.memory_space<hbm>>
        %dma_wait3A_85 = arith.constant 9984 : i32
        %dma_wait3A_86 = arith.constant 0 : i32
        %dma_wait3A_87 = tpu.memref_slice %arg10[%dma_wait3A_85, %dma_wait3A_86] : memref<10000x128xf32, #tpu.memory_space<vmem_shared>> -> memref<16x128xf32, #tpu.memory_space<vmem_shared>>
        tpu.wait_dma2 semaphore(%run_scoped3A : memref<!tpu.dma_semaphore, #tpu.memory_space<semaphore_mem>>) src(%dma_wait3A_87 : memref<16x128xf32, #tpu.memory_space<vmem_shared>>) dst(%dma_wait3A_84 : memref<16x128xf32, #tpu.memory_space<hbm>>)
        tpu.yield
      }) : () -> ()
    } else {
    }
    return
  }
}

module attributes {stable_mosaic.version = 14 : i64} {
  func.func @_mlp_body(%arg0: i32, %arg1: memref<2000x128xf32, #tpu.memory_space<vmem>>, %arg2: memref<2000x128xf32, #tpu.memory_space<vmem>>, %arg3: memref<2000x128xf32, #tpu.memory_space<vmem>>, %arg4: memref<1x1xf32, #tpu.memory_space<smem>>, %arg5: memref<128x256xf32, #tpu.memory_space<vmem>>, %arg6: memref<1x256xf32, #tpu.memory_space<vmem>>, %arg7: memref<256x128xf32, #tpu.memory_space<vmem>>, %arg8: memref<1x128xf32, #tpu.memory_space<vmem>>, %arg9: memref<2000x128xf32, #tpu.memory_space<vmem>>) attributes {dimension_semantics = [#tpu.dimension_semantics<arbitrary>], iteration_bounds = array<i64: 5>, scalar_prefetch = 0 : i64, scratch_operands = 0 : i64, tpu.core_type = #tpu.core_type<tc>, window_params = [{transform_indices = @transform_0, window_bounds = array<i64: 2000, 128>}, {transform_indices = @transform_1, window_bounds = array<i64: 2000, 128>}, {transform_indices = @transform_2, window_bounds = array<i64: 2000, 128>}, {transform_indices = @transform_3, window_bounds = array<i64: 1, 1>}, {pipeline_mode = #tpu.pipeline_mode<synchronous>, transform_indices = @transform_4, window_bounds = array<i64: 128, 256>}, {pipeline_mode = #tpu.pipeline_mode<synchronous>, transform_indices = @transform_5, window_bounds = array<i64: 1, 256>}, {pipeline_mode = #tpu.pipeline_mode<synchronous>, transform_indices = @transform_6, window_bounds = array<i64: 256, 128>}, {pipeline_mode = #tpu.pipeline_mode<synchronous>, transform_indices = @transform_7, window_bounds = array<i64: 1, 128>}, {transform_indices = @transform_8, window_bounds = array<i64: 2000, 128>}]} {
    %get3A = arith.constant 0 : index
    %get3A_0 = arith.constant 0 : index
    %get3A_1 = vector.load %arg1[%get3A, %get3A_0] : memref<2000x128xf32, #tpu.memory_space<vmem>>, vector<2000x128xf32>
    %get3A_2 = arith.constant 0 : index
    %get3A_3 = arith.constant 0 : index
    %get3A_4 = memref.load %arg4[%get3A_2, %get3A_3] : memref<1x1xf32, #tpu.memory_space<smem>>
    %add3A = arith.constant 1.000000e+00 : f32
    %add3A_5 = arith.addf %add3A, %get3A_4 : f32
    %mul3A = vector.broadcast %add3A_5 : f32 to vector<2000x128xf32>
    %mul3A_6 = arith.mulf %get3A_1, %mul3A : vector<2000x128xf32>
    %get3A_7 = arith.constant 0 : index
    %get3A_8 = arith.constant 0 : index
    %get3A_9 = vector.load %arg2[%get3A_7, %get3A_8] : memref<2000x128xf32, #tpu.memory_space<vmem>>, vector<2000x128xf32>
    %add3A_10 = arith.addf %mul3A_6, %get3A_9 : vector<2000x128xf32>
    %get3A_11 = arith.constant 0 : index
    %get3A_12 = arith.constant 0 : index
    %get3A_13 = vector.load %arg3[%get3A_11, %get3A_12] : memref<2000x128xf32, #tpu.memory_space<vmem>>, vector<2000x128xf32>
    %add3A_14 = arith.addf %add3A_10, %get3A_13 : vector<2000x128xf32>
    %get3A_15 = arith.constant 0 : index
    %get3A_16 = arith.constant 0 : index
    %get3A_17 = vector.load %arg5[%get3A_15, %get3A_16] : memref<128x256xf32, #tpu.memory_space<vmem>>, vector<128x256xf32>
    %dot_general3A = arith.constant dense<0.000000e+00> : vector<2000x256xf32>
    %dot_general3A_18 = tpu.matmul %add3A_14, %get3A_17, %dot_general3A {dimension_numbers = #tpu.dot_dimension_numbers<[1], [0], [0], [1], [0, 0, 1, 1], [], []>, transpose_lhs_hint = false} : vector<2000x128xf32>, vector<128x256xf32>, vector<2000x256xf32> -> vector<2000x256xf32>
    %get3A_19 = arith.constant 0 : index
    %get3A_20 = arith.constant 0 : index
    %get3A_21 = vector.load %arg6[%get3A_19, %get3A_20] : memref<1x256xf32, #tpu.memory_space<vmem>>, vector<1x256xf32>
    %add3A_22 = vector.broadcast %get3A_21 : vector<1x256xf32> to vector<2000x256xf32>
    %add3A_23 = arith.addf %dot_general3A_18, %add3A_22 : vector<2000x256xf32>
    %max3A = arith.constant 0.000000e+00 : f32
    %max3A_24 = vector.broadcast %max3A : f32 to vector<2000x256xf32>
    %max3A_25 = arith.maximumf %add3A_23, %max3A_24 : vector<2000x256xf32>
    %get3A_26 = arith.constant 0 : index
    %get3A_27 = arith.constant 0 : index
    %get3A_28 = vector.load %arg7[%get3A_26, %get3A_27] : memref<256x128xf32, #tpu.memory_space<vmem>>, vector<256x128xf32>
    %dot_general3A_29 = arith.constant dense<0.000000e+00> : vector<2000x128xf32>
    %dot_general3A_30 = tpu.matmul %max3A_25, %get3A_28, %dot_general3A_29 {dimension_numbers = #tpu.dot_dimension_numbers<[1], [0], [0], [1], [0, 0, 1, 1], [], []>, transpose_lhs_hint = false} : vector<2000x256xf32>, vector<256x128xf32>, vector<2000x128xf32> -> vector<2000x128xf32>
    %get3A_31 = arith.constant 0 : index
    %get3A_32 = arith.constant 0 : index
    %get3A_33 = vector.load %arg8[%get3A_31, %get3A_32] : memref<1x128xf32, #tpu.memory_space<vmem>>, vector<1x128xf32>
    %add3A_34 = vector.broadcast %get3A_33 : vector<1x128xf32> to vector<2000x128xf32>
    %add3A_35 = arith.addf %dot_general3A_30, %add3A_34 : vector<2000x128xf32>
    %max3A_36 = arith.constant 0.000000e+00 : f32
    %max3A_37 = vector.broadcast %max3A_36 : f32 to vector<2000x128xf32>
    %max3A_38 = arith.maximumf %add3A_35, %max3A_37 : vector<2000x128xf32>
    %swap3A = arith.constant 0 : index
    %swap3A_39 = arith.constant 0 : index
    %swap3A_40 = vector.load %arg9[%swap3A, %swap3A_39] : memref<2000x128xf32, #tpu.memory_space<vmem>>, vector<2000x128xf32>
    tpu.vector_store %arg9[%swap3A, %swap3A_39], %max3A_38 {strides = array<i32>} : memref<2000x128xf32, #tpu.memory_space<vmem>>, vector<2000x128xf32>,
    return
  }
  func.func @transform_0(%arg0: i32) -> (i32, i32) {
    %c0_i32 = arith.constant 0 : i32
    %c0_i32_0 = arith.constant 0 : i32
    return %arg0, %c0_i32 : i32, i32
  }
  func.func @transform_1(%arg0: i32) -> (i32, i32) {
    %c0_i32 = arith.constant 0 : i32
    %c0_i32_0 = arith.constant 0 : i32
    return %arg0, %c0_i32 : i32, i32
  }
  func.func @transform_2(%arg0: i32) -> (i32, i32) {
    %c0_i32 = arith.constant 0 : i32
    %c0_i32_0 = arith.constant 0 : i32
    return %arg0, %c0_i32 : i32, i32
  }
  func.func @transform_3(%arg0: i32) -> (i32, i32) {
    %c0_i32 = arith.constant 0 : i32
    %c0_i32_0 = arith.constant 0 : i32
    %c0_i32_1 = arith.constant 0 : i32
    return %c0_i32, %c0_i32_0 : i32, i32
  }
  func.func @transform_4(%arg0: i32) -> (i32, i32) {
    %c0_i32 = arith.constant 0 : i32
    %c0_i32_0 = arith.constant 0 : i32
    %c0_i32_1 = arith.constant 0 : i32
    return %c0_i32, %c0_i32_0 : i32, i32
  }
  func.func @transform_5(%arg0: i32) -> (i32, i32) {
    %c0_i32 = arith.constant 0 : i32
    %c0_i32_0 = arith.constant 0 : i32
    %c0_i32_1 = arith.constant 0 : i32
    return %c0_i32, %c0_i32_0 : i32, i32
  }
  func.func @transform_6(%arg0: i32) -> (i32, i32) {
    %c0_i32 = arith.constant 0 : i32
    %c0_i32_0 = arith.constant 0 : i32
    %c0_i32_1 = arith.constant 0 : i32
    return %c0_i32, %c0_i32_0 : i32, i32
  }
  func.func @transform_7(%arg0: i32) -> (i32, i32) {
    %c0_i32 = arith.constant 0 : i32
    %c0_i32_0 = arith.constant 0 : i32
    %c0_i32_1 = arith.constant 0 : i32
    return %c0_i32, %c0_i32_0 : i32, i32
  }
  func.func @transform_8(%arg0: i32) -> (i32, i32) {
    %c0_i32 = arith.constant 0 : i32
    %c0_i32_0 = arith.constant 0 : i32
    return %arg0, %c0_i32 : i32, i32
  }
}

module attributes {stable_mosaic.version = 14 : i64} {
  func.func @_l3_body(%arg0: i32, %arg1: memref<2000x128xf32, #tpu.memory_space<vmem>>, %arg2: memref<2000x128xf32, #tpu.memory_space<vmem>>, %arg3: memref<2000x128xf32, #tpu.memory_space<vmem>>, %arg4: memref<1x1xf32, #tpu.memory_space<smem>>, %arg5: memref<128x256xf32, #tpu.memory_space<vmem>>, %arg6: memref<1x256xf32, #tpu.memory_space<vmem>>, %arg7: memref<256x128xf32, #tpu.memory_space<vmem>>, %arg8: memref<1x128xf32, #tpu.memory_space<vmem>>, %arg9: memref<1x1x2000xi32, #tpu.memory_space<vmem>>, %arg10: memref<128x128xf32, #tpu.memory_space<vmem>>, %arg11: memref<1x128xf32, #tpu.memory_space<vmem>>, %arg12: memref<1x128xf32, #tpu.memory_space<vmem>>, %arg13: memref<1x1xf32, #tpu.memory_space<smem>>, %arg14: memref<128x1xf32, #tpu.memory_space<vmem>>, %arg15: memref<128x128xf32, #tpu.memory_space<vmem>>) attributes {dimension_semantics = [#tpu.dimension_semantics<arbitrary>], iteration_bounds = array<i64: 5>, scalar_prefetch = 0 : i64, scratch_operands = 1 : i64, tpu.core_type = #tpu.core_type<tc>, window_params = [{transform_indices = @transform_0, window_bounds = array<i64: 2000, 128>}, {transform_indices = @transform_1, window_bounds = array<i64: 2000, 128>}, {transform_indices = @transform_2, window_bounds = array<i64: 2000, 128>}, {transform_indices = @transform_3, window_bounds = array<i64: 1, 1>}, {pipeline_mode = #tpu.pipeline_mode<synchronous>, transform_indices = @transform_4, window_bounds = array<i64: 128, 256>}, {pipeline_mode = #tpu.pipeline_mode<synchronous>, transform_indices = @transform_5, window_bounds = array<i64: 1, 256>}, {pipeline_mode = #tpu.pipeline_mode<synchronous>, transform_indices = @transform_6, window_bounds = array<i64: 256, 128>}, {pipeline_mode = #tpu.pipeline_mode<synchronous>, transform_indices = @transform_7, window_bounds = array<i64: 1, 128>}, {transform_indices = @transform_8, window_bounds = array<i64: 1, 1, 2000>}, {pipeline_mode = #tpu.pipeline_mode<synchronous>, transform_indices = @transform_9, window_bounds = array<i64: 128, 128>}, {pipeline_mode = #tpu.pipeline_mode<synchronous>, transform_indices = @transform_10, window_bounds = array<i64: 1, 128>}, {pipeline_mode = #tpu.pipeline_mode<synchronous>, transform_indices = @transform_11, window_bounds = array<i64: 1, 128>}, {transform_indices = @transform_12, window_bounds = array<i64: 1, 1>}, {pipeline_mode = #tpu.pipeline_mode<synchronous>, transform_indices = @transform_13, window_bounds = array<i64: 128, 1>}]} {
    %get3A = arith.constant 0 : index
    %get3A_0 = arith.constant 0 : index
    %get3A_1 = vector.load %arg1[%get3A, %get3A_0] : memref<2000x128xf32, #tpu.memory_space<vmem>>, vector<2000x128xf32>
    %get3A_2 = arith.constant 0 : index
    %get3A_3 = arith.constant 0 : index
    %get3A_4 = memref.load %arg4[%get3A_2, %get3A_3] : memref<1x1xf32, #tpu.memory_space<smem>>
    %add3A = arith.constant 1.000000e+00 : f32
    %add3A_5 = arith.addf %add3A, %get3A_4 : f32
    %mul3A = vector.broadcast %add3A_5 : f32 to vector<2000x128xf32>
    %mul3A_6 = arith.mulf %get3A_1, %mul3A : vector<2000x128xf32>
    %get3A_7 = arith.constant 0 : index
    %get3A_8 = arith.constant 0 : index
    %get3A_9 = vector.load %arg2[%get3A_7, %get3A_8] : memref<2000x128xf32, #tpu.memory_space<vmem>>, vector<2000x128xf32>
    %add3A_10 = arith.addf %mul3A_6, %get3A_9 : vector<2000x128xf32>
    %get3A_11 = arith.constant 0 : index
    %get3A_12 = arith.constant 0 : index
    %get3A_13 = vector.load %arg3[%get3A_11, %get3A_12] : memref<2000x128xf32, #tpu.memory_space<vmem>>, vector<2000x128xf32>
    %add3A_14 = arith.addf %add3A_10, %get3A_13 : vector<2000x128xf32>
    %get3A_15 = arith.constant 0 : index
    %get3A_16 = arith.constant 0 : index
    %get3A_17 = vector.load %arg5[%get3A_15, %get3A_16] : memref<128x256xf32, #tpu.memory_space<vmem>>, vector<128x256xf32>
    %dot_general3A = arith.constant dense<0.000000e+00> : vector<2000x256xf32>
    %dot_general3A_18 = tpu.matmul %add3A_14, %get3A_17, %dot_general3A {dimension_numbers = #tpu.dot_dimension_numbers<[1], [0], [0], [1], [0, 0, 1, 1], [], []>, transpose_lhs_hint = false} : vector<2000x128xf32>, vector<128x256xf32>, vector<2000x256xf32> -> vector<2000x256xf32>
    %get3A_19 = arith.constant 0 : index
    %get3A_20 = arith.constant 0 : index
    %get3A_21 = vector.load %arg6[%get3A_19, %get3A_20] : memref<1x256xf32, #tpu.memory_space<vmem>>, vector<1x256xf32>
    %add3A_22 = vector.broadcast %get3A_21 : vector<1x256xf32> to vector<2000x256xf32>
    %add3A_23 = arith.addf %dot_general3A_18, %add3A_22 : vector<2000x256xf32>
    %max3A = arith.constant 0.000000e+00 : f32
    %max3A_24 = vector.broadcast %max3A : f32 to vector<2000x256xf32>
    %max3A_25 = arith.maximumf %add3A_23, %max3A_24 : vector<2000x256xf32>
    %get3A_26 = arith.constant 0 : index
    %get3A_27 = arith.constant 0 : index
    %get3A_28 = vector.load %arg7[%get3A_26, %get3A_27] : memref<256x128xf32, #tpu.memory_space<vmem>>, vector<256x128xf32>
    %dot_general3A_29 = arith.constant dense<0.000000e+00> : vector<2000x128xf32>
    %dot_general3A_30 = tpu.matmul %max3A_25, %get3A_28, %dot_general3A_29 {dimension_numbers = #tpu.dot_dimension_numbers<[1], [0], [0], [1], [0, 0, 1, 1], [], []>, transpose_lhs_hint = false} : vector<2000x256xf32>, vector<256x128xf32>, vector<2000x128xf32> -> vector<2000x128xf32>
    %get3A_31 = arith.constant 0 : index
    %get3A_32 = arith.constant 0 : index
    %get3A_33 = vector.load %arg8[%get3A_31, %get3A_32] : memref<1x128xf32, #tpu.memory_space<vmem>>, vector<1x128xf32>
    %add3A_34 = vector.broadcast %get3A_33 : vector<1x128xf32> to vector<2000x128xf32>
    %add3A_35 = arith.addf %dot_general3A_30, %add3A_34 : vector<2000x128xf32>
    %max3A_36 = arith.constant 0.000000e+00 : f32
    %max3A_37 = vector.broadcast %max3A_36 : f32 to vector<2000x128xf32>
    %max3A_38 = arith.maximumf %add3A_35, %max3A_37 : vector<2000x128xf32>
    %get3A_39 = arith.constant 0 : index
    %get3A_40 = arith.constant 0 : index
    %get3A_41 = arith.constant 0 : index
    %get3A_42 = vector.load %arg9[%get3A_39, %get3A_40, %get3A_41] : memref<1x1x2000xi32, #tpu.memory_space<vmem>>, vector<1x1x2000xi32>
    %get3A_43 = vector.shape_cast %get3A_42 : vector<1x1x2000xi32> to vector<1x2000xi32>
    %broadcast_in_dim3A = vector.shape_cast %get3A_43 : vector<1x2000xi32> to vector<1x2000xi32>
    %broadcast_in_dim3A_44 = vector.broadcast %broadcast_in_dim3A : vector<1x2000xi32> to vector<128x2000xi32>
    %iota3A = tpu.iota {dimensions = array<i32: 0>} : vector<128x2000xi32>
    %eq3A = arith.cmpi eq, %broadcast_in_dim3A_44, %iota3A : vector<128x2000xi32>
    %convert_element_type3A = arith.extui %eq3A : vector<128x2000xi1> to vector<128x2000xi32>
    %convert_element_type3A_45 = arith.sitofp %convert_element_type3A : vector<128x2000xi32> to vector<128x2000xf32>
    %dot_general3A_46 = arith.constant dense<0.000000e+00> : vector<128x128xf32>
    %dot_general3A_47 = tpu.matmul %convert_element_type3A_45, %max3A_38, %dot_general3A_46 {dimension_numbers = #tpu.dot_dimension_numbers<[1], [0], [0], [1], [0, 0, 1, 1], [], []>, transpose_lhs_hint = false} : vector<128x2000xf32>, vector<2000x128xf32>, vector<128x128xf32> -> vector<128x128xf32>
    %eq3A_48 = arith.constant 0 : i32
    %eq3A_49 = arith.cmpi eq, %arg0, %eq3A_48 : i32
    %convert_element_type3A_50 = arith.extui %eq3A_49 : i1 to i32
    %cond3A = arith.constant 0 : i32
    %cond3A_51 = arith.cmpi ne, %convert_element_type3A_50, %cond3A : i32
    scf.if %cond3A_51 {
      %swap3A = arith.constant 0 : index
      %swap3A_61 = arith.constant 0 : index
      %swap3A_62 = vector.load %arg15[%swap3A, %swap3A_61] : memref<128x128xf32, #tpu.memory_space<vmem>>, vector<128x128xf32>
      tpu.vector_store %arg15[%swap3A, %swap3A_61], %dot_general3A_47 {strides = array<i32>} : memref<128x128xf32, #tpu.memory_space<vmem>>, vector<128x128xf32>,
    } else {
    }
    %gt3A = arith.constant 0 : i32
    %gt3A_52 = arith.cmpi sgt, %arg0, %gt3A : i32
    %convert_element_type3A_53 = arith.extui %gt3A_52 : i1 to i32
    %cond3A_54 = arith.constant 0 : i32
    %cond3A_55 = arith.cmpi ne, %convert_element_type3A_53, %cond3A_54 : i32
    scf.if %cond3A_55 {
      %get3A_61 = arith.constant 0 : index
      %get3A_62 = arith.constant 0 : index
      %get3A_63 = vector.load %arg15[%get3A_61, %get3A_62] : memref<128x128xf32, #tpu.memory_space<vmem>>, vector<128x128xf32>
      %add3A_64 = arith.addf %get3A_63, %dot_general3A_47 : vector<128x128xf32>
      %swap3A = arith.constant 0 : index
      %swap3A_65 = arith.constant 0 : index
      %swap3A_66 = vector.load %arg15[%swap3A, %swap3A_65] : memref<128x128xf32, #tpu.memory_space<vmem>>, vector<128x128xf32>
      tpu.vector_store %arg15[%swap3A, %swap3A_65], %add3A_64 {strides = array<i32>} : memref<128x128xf32, #tpu.memory_space<vmem>>, vector<128x128xf32>,
    } else {
    }
    %eq3A_56 = arith.constant 4 : i32
    %eq3A_57 = arith.cmpi eq, %arg0, %eq3A_56 : i32
    %convert_element_type3A_58 = arith.extui %eq3A_57 : i1 to i32
    %cond3A_59 = arith.constant 0 : i32
    %cond3A_60 = arith.cmpi ne, %convert_element_type3A_58, %cond3A_59 : i32
    scf.if %cond3A_60 {
      %get3A_61 = arith.constant 0 : index
      %get3A_62 = arith.constant 0 : index
      %get3A_63 = vector.load %arg15[%get3A_61, %get3A_62] : memref<128x128xf32, #tpu.memory_space<vmem>>, vector<128x128xf32>
      %get3A_64 = arith.constant 0 : index
      %get3A_65 = arith.constant 0 : index
      %get3A_66 = vector.load %arg10[%get3A_64, %get3A_65] : memref<128x128xf32, #tpu.memory_space<vmem>>, vector<128x128xf32>
      %dot_general3A_67 = arith.constant dense<0.000000e+00> : vector<128x128xf32>
      %dot_general3A_68 = tpu.matmul %get3A_63, %get3A_66, %dot_general3A_67 {dimension_numbers = #tpu.dot_dimension_numbers<[1], [0], [0], [1], [0, 0, 1, 1], [], []>, transpose_lhs_hint = false} : vector<128x128xf32>, vector<128x128xf32>, vector<128x128xf32> -> vector<128x128xf32>
      %get3A_69 = arith.constant 0 : index
      %get3A_70 = arith.constant 0 : index
      %get3A_71 = vector.load %arg11[%get3A_69, %get3A_70] : memref<1x128xf32, #tpu.memory_space<vmem>>, vector<1x128xf32>
      %add3A_72 = vector.broadcast %get3A_71 : vector<1x128xf32> to vector<128x128xf32>
      %add3A_73 = arith.addf %dot_general3A_68, %add3A_72 : vector<128x128xf32>
      %max3A_74 = arith.constant 0.000000e+00 : f32
      %max3A_75 = vector.broadcast %max3A_74 : f32 to vector<128x128xf32>
      %max3A_76 = arith.maximumf %add3A_73, %max3A_75 : vector<128x128xf32>
      %get3A_77 = arith.constant 0 : index
      %get3A_78 = arith.constant 0 : index
      %get3A_79 = vector.load %arg12[%get3A_77, %get3A_78] : memref<1x128xf32, #tpu.memory_space<vmem>>, vector<1x128xf32>
      %mul3A_80 = vector.broadcast %get3A_79 : vector<1x128xf32> to vector<128x128xf32>
      %mul3A_81 = arith.mulf %max3A_76, %mul3A_80 : vector<128x128xf32>
      %reduce_sum3A = arith.constant dense<0.000000e+00> : vector<128xf32>
      %reduce_sum3A_82 = vector.multi_reduction <add>, %mul3A_81, %reduce_sum3A [1] : vector<128x128xf32> to vector<128xf32>
      %broadcast_in_dim3A_83 = vector.shape_cast %reduce_sum3A_82 : vector<128xf32> to vector<128x1xf32>
      %get3A_84 = arith.constant 0 : index
      %get3A_85 = arith.constant 0 : index
      %get3A_86 = memref.load %arg13[%get3A_84, %get3A_85] : memref<1x1xf32, #tpu.memory_space<smem>>
      %add3A_87 = vector.broadcast %get3A_86 : f32 to vector<128x1xf32>
      %add3A_88 = arith.addf %broadcast_in_dim3A_83, %add3A_87 : vector<128x1xf32>
      %swap3A = arith.constant 0 : index
      %swap3A_89 = arith.constant 0 : index
      %swap3A_90 = vector.load %arg14[%swap3A, %swap3A_89] : memref<128x1xf32, #tpu.memory_space<vmem>>, vector<128x1xf32>
      tpu.vector_store %arg14[%swap3A, %swap3A_89], %add3A_88 {strides = array<i32>} : memref<128x1xf32, #tpu.memory_space<vmem>>, vector<128x1xf32>,
    } else {
    }
    return
  }
  func.func @transform_0(%arg0: i32) -> (i32, i32) {
    %c0_i32 = arith.constant 0 : i32
    %c0_i32_0 = arith.constant 0 : i32
    return %arg0, %c0_i32 : i32, i32
  }
  func.func @transform_1(%arg0: i32) -> (i32, i32) {
    %c0_i32 = arith.constant 0 : i32
    %c0_i32_0 = arith.constant 0 : i32
    return %arg0, %c0_i32 : i32, i32
  }
  func.func @transform_2(%arg0: i32) -> (i32, i32) {
    %c0_i32 = arith.constant 0 : i32
    %c0_i32_0 = arith.constant 0 : i32
    return %arg0, %c0_i32 : i32, i32
  }
  func.func @transform_3(%arg0: i32) -> (i32, i32) {
    %c0_i32 = arith.constant 0 : i32
    %c0_i32_0 = arith.constant 0 : i32
    %c0_i32_1 = arith.constant 0 : i32
    return %c0_i32, %c0_i32_0 : i32, i32
  }
  func.func @transform_4(%arg0: i32) -> (i32, i32) {
    %c0_i32 = arith.constant 0 : i32
    %c0_i32_0 = arith.constant 0 : i32
    %c0_i32_1 = arith.constant 0 : i32
    return %c0_i32, %c0_i32_0 : i32, i32
  }
  func.func @transform_5(%arg0: i32) -> (i32, i32) {
    %c0_i32 = arith.constant 0 : i32
    %c0_i32_0 = arith.constant 0 : i32
    %c0_i32_1 = arith.constant 0 : i32
    return %c0_i32, %c0_i32_0 : i32, i32
  }
  func.func @transform_6(%arg0: i32) -> (i32, i32) {
    %c0_i32 = arith.constant 0 : i32
    %c0_i32_0 = arith.constant 0 : i32
    %c0_i32_1 = arith.constant 0 : i32
    return %c0_i32, %c0_i32_0 : i32, i32
  }
  func.func @transform_7(%arg0: i32) -> (i32, i32) {
    %c0_i32 = arith.constant 0 : i32
    %c0_i32_0 = arith.constant 0 : i32
    %c0_i32_1 = arith.constant 0 : i32
    return %c0_i32, %c0_i32_0 : i32, i32
  }
  func.func @transform_8(%arg0: i32) -> (i32, i32, i32) {
    %c0_i32 = arith.constant 0 : i32
    %c0_i32_0 = arith.constant 0 : i32
    %c0_i32_1 = arith.constant 0 : i32
    return %arg0, %c0_i32, %c0_i32_0 : i32, i32, i32
  }
  func.func @transform_9(%arg0: i32) -> (i32, i32) {
    %c0_i32 = arith.constant 0 : i32
    %c0_i32_0 = arith.constant 0 : i32
    %c0_i32_1 = arith.constant 0 : i32
    return %c0_i32, %c0_i32_0 : i32, i32
  }
  func.func @transform_10(%arg0: i32) -> (i32, i32) {
    %c0_i32 = arith.constant 0 : i32
    %c0_i32_0 = arith.constant 0 : i32
    %c0_i32_1 = arith.constant 0 : i32
    return %c0_i32, %c0_i32_0 : i32, i32
  }
  func.func @transform_11(%arg0: i32) -> (i32, i32) {
    %c0_i32 = arith.constant 0 : i32
    %c0_i32_0 = arith.constant 0 : i32
    %c0_i32_1 = arith.constant 0 : i32
    return %c0_i32, %c0_i32_0 : i32, i32
  }
  func.func @transform_12(%arg0: i32) -> (i32, i32) {
    %c0_i32 = arith.constant 0 : i32
    %c0_i32_0 = arith.constant 0 : i32
    %c0_i32_1 = arith.constant 0 : i32
    return %c0_i32, %c0_i32_0 : i32, i32
  }
  func.func @transform_13(%arg0: i32) -> (i32, i32) {
    %c0_i32 = arith.constant 0 : i32
    %c0_i32_0 = arith.constant 0 : i32
    %c0_i32_1 = arith.constant 0 : i32
    return %c0_i32, %c0_i32_0 : i32, i32
  }
}

</mosaic_0001>

<sc_bundles>
// kernel: kernel.11.cloned.1.call-start
scs
__scs_entry_jumppad:
0x0: {  	(pc) =	sbr.rel $0x88, $3  }
0x1: {  	(tag) =	ssettag $0x0;
	lr =	simm.s32 $0x1  }
0x2: {  	[smem:$0x3F8B] =	sst lr;
	_ =	strace $0xD0000000  }
0x3: {  	_ = 	snop  }
0x4: {  	_ = 	snop  }
0x5: {  	_ = 	snop  }
0x6: {  	_ = 	snop  }
0x7: {  	_ = 	snop  }
__scs_overlays_trampoline_lowered:
0x8: {  	[smem:$0x3F9A] =	sst s0  }
0x9: {  	[smem:$0x3F9B] =	sst s1  }
0xa: {  	[smem:$0x3F9C] =	sst s2  }
0xb: {  	[smem:$0x3F9D] =	sst s3  }
0xc: {  	[smem:$0x3F9E] =	sst s4  }
0xd: {  	[smem:$0x3F9F] =	sst s5  }
0xe: {  	[smem:$0x3FA0] =	sst s6  }
0xf: {  	[smem:$0x3FA1] =	sst s7  }
0x10: {  	[smem:$0x3FA2] =	sst s8  }
0x11: {  	[smem:$0x3FA3] =	sst s9;
	s0 =	simm.s32 @!p0 $0x0  }
0x12: {  	s1 =	sld [smem:$0x3F89];
	s0 =	simm.s32 @p0 $0x1  }
0x13: {  	[smem:$0x3FA4] =	sst s0;
	s0 =	simm.s32 @!p1 $0x0  }
0x14: {  	s2 =	sld [smem:$0x3F88];
	s0 =	simm.s32 @p1 $0x1  }
0x15: {  	[smem:$0x3FA5] =	sst s0;
	s0 =	simm.s32 @!p2 $0x0  }
0x16: {  	s3 =	sld [smem:$0x3FDB];
	s0 =	simm.s32 @p2 $0x1  }
0x17: {  	s4 =	simm.s32 $0x1BF5;
	[smem:$0x3FA7] =	sst s0  }
0x18: {  	s0 =	sld [smem:$0x3F8A];
	_ =	swait.ge [sflag:s4], $0x0  }
0x19: {  	s7 =	sld [smem:$0x3F8B]  }
0x1a: {  	s8 =	sadd.s32 $0xFFFFE003, lr  }
0x1b: {  	s9 =	sadd.s32 $0xFFFFFEF7, lr;
	s5 =	simm.s32 $0xFFFFFFFF;
	p2 =	slt.u32 s8, $0xFFFFF086  }
0x1c: {  	p1 =	slt.u32 s9, $0xF7A;
	s5 =	simm.s32 @!p2 $0x0  }
0x1d: {  	s5 =	simm.s32 @p1 $0x1;
	p0 =	seq.s32 s7, s2  }
0x1e: {  	s7 =	smul.u32 @!p0 $0xF7A, s2;
	p2 =	seq.s32 @!p0 s5, $0x0  }
0x1f: {  	s9 =	smul.u32 $0xF7A, s1;
	s8 =	simm.s32 @!p0 $0x1BF5;
	p2 =	por !p2, p0  }
0x20: {  	[sflag:s8] =	ssyncset.s32 @!p0 $0xFFFFF086;
	s6 =	sadd.s32 @!p0 s3, s7;
	s7 =	simm.s32 @!p0 $0x108  }
0x21: {  	s3 =	sadd.s32 s3, s9;
	s6 =	sadd.s32 @!p0 $0x88, s6;
	s7 =	simm.s32 @p2 $0x1082  }
0x22: {  	[simem:s7], [sflag:s8] =	dma.local @!p0 [hbm:s6], $0xF7A  }
0x23: {  	s9 =	sor.u32 $0xD0000000, s2;
	s6 =	simm.s32 $0x108;
	_ =	swait.ge @!p0 [sflag:s8], $0x0  }
0x24: {  	s3 =	sadd.s32 $0x88, s3;
	s6 =	simm.s32 @!p1 $0x1082;
	[sflag:s4] =	ssyncset.s32 $0xFFFFF086  }
0x25: {  	[simem:s6], [sflag:s4] =	dma.local [hbm:s3], $0xF7A  }
0x26: {  	[smem:$0x3F8B] =	sst s1;
	(tag) =	ssettag s2;
	_ =	strace s9  }
0x27: {  	s1 =	sld [smem:$0x3F9B]  }
0x28: {  	s2 =	sld [smem:$0x3F9C]  }
0x29: {  	s4 =	sld [smem:$0x3F9E]  }
0x2a: {  	p0 =	seq.s32 s5, $0x0;
	s5 =	sld [smem:$0x3F9F]  }
0x2b: {  	s6 =	sld [smem:$0x3FA0]  }
0x2c: {  	s7 =	sld [smem:$0x3FA1]  }
0x2d: {  	s3 =	simm.s32 $0x108;
	s8 =	sld [smem:$0x3FA2]  }
0x2e: {  	s3 =	simm.s32 @!p0 $0x1082;
	s9 =	sld [smem:$0x3FA3]  }
0x2f: {  	lr =	sadd.s32 s0, s3;
	s0 =	sld [smem:$0x3F9A]  }
0x30: {  	s3 =	sld [smem:$0x3F9D]  }
0x31: {  	[smem:$0x3FA6] =	sst s10  }
0x32: {  	s10 =	sld [smem:$0x3FA4];
	_ =	sdelay $0x3  }
0x33: {  	p0 =	seq.s32 s10, $0x1;
	s10 =	sld [smem:$0x3FA6];
	_ =	sdelay $0x3  }
0x34: {  	[smem:$0x3FA6] =	sst s10  }
0x35: {  	s10 =	sld [smem:$0x3FA5];
	_ =	sdelay $0x3  }
0x36: {  	p1 =	seq.s32 s10, $0x1;
	s10 =	sld [smem:$0x3FA6];
	_ =	sdelay $0x3  }
0x37: {  	[smem:$0x3FA6] =	sst s10  }
0x38: {  	s10 =	sld [smem:$0x3FA7]  }
0x39: {  	_ = 	snop;
	(pc) =	sbr.ind lr, $3  }
0x3a: {  	_ = 	snop  }
0x3b: {  	_ = 	snop  }
0x3c: {  	p2 =	seq.s32 s10, $0x1;
	s10 =	sld [smem:$0x3FA6]  }
0x3d: {  	_ =	shalt  }
0x3e: {  	_ =	shalt  }
0x3f: {  	_ =	shalt  }
0x40: {  	_ =	shalt  }
0x41: {  	_ =	shalt  }
0x42: {  	_ =	shalt  }
0x43: {  	_ =	shalt  }
0x44: {  	_ =	shalt  }
0x45: {  	_ =	shalt  }
0x46: {  	_ =	shalt  }
0x47: {  	_ =	shalt  }
0x48: {  	_ =	shalt  }
0x49: {  	_ =	shalt  }
0x4a: {  	_ =	shalt  }
0x4b: {  	_ =	shalt  }
0x4c: {  	_ =	shalt  }
0x4d: {  	_ =	shalt  }
0x4e: {  	_ =	shalt  }
0x4f: {  	_ =	shalt  }
0x50: {  	_ =	shalt  }
0x51: {  	_ =	shalt  }
0x52: {  	_ =	shalt  }
0x53: {  	_ =	shalt  }
0x54: {  	_ =	shalt  }
0x55: {  	_ =	shalt  }
0x56: {  	_ =	shalt  }
0x57: {  	_ =	shalt  }
0x58: {  	_ =	shalt  }
0x59: {  	_ =	shalt  }
0x5a: {  	_ =	shalt  }
0x5b: {  	_ =	shalt  }
0x5c: {  	_ =	shalt  }
0x5d: {  	_ =	shalt  }
0x5e: {  	_ =	shalt  }
0x5f: {  	_ =	shalt  }
0x60: {  	_ =	shalt  }
0x61: {  	_ =	shalt  }
0x62: {  	_ =	shalt  }
0x63: {  	_ =	shalt  }
0x64: {  	_ =	shalt  }
0x65: {  	_ =	shalt  }
0x66: {  	_ =	shalt  }
0x67: {  	_ =	shalt  }
0x68: {  	_ =	shalt  }
0x69: {  	_ =	shalt  }
0x6a: {  	_ =	shalt  }
0x6b: {  	_ =	shalt  }
0x6c: {  	_ =	shalt  }
0x6d: {  	_ =	shalt  }
0x6e: {  	_ =	shalt  }
0x6f: {  	_ =	shalt  }
0x70: {  	_ =	shalt  }
0x71: {  	_ =	shalt  }
0x72: {  	_ =	shalt  }
0x73: {  	_ =	shalt  }
0x74: {  	_ =	shalt  }
0x75: {  	_ =	shalt  }
0x76: {  	_ =	shalt  }
0x77: {  	_ =	shalt  }
0x78: {  	_ =	shalt  }
0x79: {  	_ =	shalt  }
0x7a: {  	_ =	shalt  }
0x7b: {  	_ =	shalt  }
0x7c: {  	_ =	shalt  }
0x7d: {  	_ =	shalt  }
0x7e: {  	_ =	shalt  }
0x7f: {  	_ =	shalt  }
0x80: {  	_ =	shalt  }
0x81: {  	_ =	shalt  }
0x82: {  	_ =	shalt  }
0x83: {  	_ =	shalt  }
0x84: {  	_ =	shalt  }
0x85: {  	_ =	shalt  }
0x86: {  	_ =	shalt  }
0x87: {  	_ =	shalt  }
.Lfunc_end0:
.L_simem_size_0:
called_computation.1_lowered:
.L_overlay_start_0:
0x88: {  	s2 =	sld [smem:$0x3FD9]  }
0x89: {  	s3 =	sld [smem:$0x3FFE];
	_ =	sdelay $0x1  }
0x8a: {  	s1 =	srdreg.scid  }
0x8b: {  	s0 =	sand.u32 $0x1, s1  }
0x8c: {  	s16 =	sshll.u32 s0, $0xA;
	s2 =	sadd.s32 s3, s2  }
0x8d: {  	s2 =	sadd.s32 s2, s16  }
0x8e: {  	[smem:$0x3FB2] =	sst s2  }
0x8f: {  	_ = 	snop  }
0x90: {  	(tm) =	ssettm $0x1  }
0x91: {  	s17 =	sld [smem:$0x3FFB];
	_ =	sdelay $0x3  }
0x92: {  	_ =	strace s17  }
0x93: {  	s2 =	sld [smem:$0x3FFC];
	_ =	sdelay $0x3  }
0x94: {  	_ =	strace s2  }
0x95: {  	s2 =	sld [smem:$0x3FFD];
	_ =	sdelay $0x3  }
0x96: {  	_ =	strace s2  }
0x97: {  	_ =	strace $0x8FFFFFFF  }
0x98: {  	s18 =	sld [smem:$0x3FDB];
	_ =	sdelay $0x1  }
0x99: {  	s19 =	simm.s32 $_scs_section_size  }
0x9a: {  	s4 =	simm.s32 $_size__tile_overlayer_lowered;
	s5 =	simm.s32 $_tile_overlayer_lowered  }
0x9b: {  	s22 =	simm.s32 $0x1BFF;
	s21 =	sshll.u32 s5, $0x1;
	s2 =	sadd.s32 s19, s18  }
0x9c: {  	s6 =	simm.s32 $0x0;
	s20 =	sshll.u32 s4, $0x1;
	s4 =	sadd.s32 s21, s2  }
0x9d: {  	[timem:s6], [sflag:s22] =	dma.local [hbm:s4], s20  }
0x9e: {  	_ =	swait.ge [sflag:s22], s20  }
0x9f: {  	s3 =	ssub.s32 $0x0, s20;
	[sflag:s22] =	ssyncset.done $0x0  }
0xa0: {  	[sflag:s22] =	ssyncadd.s32 s3;
	_ =	sdelay $0x1  }
0xa1: {  	s23 =	simm.s32 $0x1B8B  }
0xa2: {  	_ =	swait.ge [sflag:s23], $0x1  }
0xa3: {  	[sflag:s23] =	ssyncset.done $0x0  }
0xa4: {  	s25 =	simm.s32 $0x1B8E;
	s24 =	sld [smem:$0x3FFE];
	[sflag:s23] =	ssyncadd.s32 $0xFFFFFFFF  }
0xa5: {  	s26 =	simm.s32 $execute0_lowered;
	[smem:$0x3FD2] =	sst s25  }
0xa6: {  	s4 =	sshll.u32 s26, $0x1;
	_ =	strace $0x80000049;
	[dreg:$0x1] =	wrdreg $0xFFFFFFFF  }
0xa7: {  	s28 =	simm.s32 $_size_execute0_lowered;
	s2 =	sadd.s32 s2, s4;
	[dreg:$0x0] =	wrdreg $0x0  }
0xa8: {  	s4 =	sshll.u32 s28, $0x1;
	[dreg:$0x2] =	wrdreg s2  }
0xa9: {  	[dreg:$0x3] =	wrdreg s4  }
0xaa: {  	[dreg:$0x4] =	wrdreg $0xC0  }
0xab: {  	_ =	task [dreg:s6], $0x5FFFF  }
0xac: {  	[dreg:$0x1] =	wrdreg $0xFFFFFFFF  }
0xad: {  	[dreg:$0x0] =	wrdreg $0x60  }
0xae: {  	[dreg:$0x2] =	wrdreg s24  }
0xaf: {  	[dreg:$0x3] =	wrdreg $0xA8000  }
0xb0: {  	[dreg:$0x4] =	wrdreg $0x9  }
0xb1: {  	_ =	task.clear_ibuf [dreg:s6], $0x5FFFF;
	_ =	strace $0x90000049  }
0xb2: {  	s29 =	simm.s32 $0x9;
	_ =	strace $0x8000004B  }
0xb3: {  	_ =	swait.ge [sflag:s29], $0x1  }
0xb4: {  	[sflag:s29] =	ssyncadd.s32 $0xFFFFFFFF  }
0xb5: {  	_ =	strace $0x9000004B  }
0xb6: {  	_ =	sfence  }
0xb7: {  	s30 =	sld [smem:$0x0];
	_ =	sdelay $0x2  }
0xb8: {  	s31 =	sshll.u32 s1, $0xD;
	s1 =	sshrl.u32 s1, $0x2  }
0xb9: {  	s3 =	sand.u32 $0x4000, s31;
	s1 =	sadd.s32 s1, s30  }
0xba: {  	s0 =	sor.u32 s3, s0;
	s1 =	sshll.u32 s1, $0x11  }
0xbb: {  	s0 =	sor.u32 s1, s0  }
0xbc: {  	s0 =	sadd.s32 $0x8F2B, s0  }
0xbd: {  	[sflag:s0] =	ssyncadd.remote.s32 $0x1  }
0xbe: {  	_ =	sfence.sel $0xFFFF  }
0xbf: {  	[dreg:$0x0] =	wrdreg $0xFFFFFFFF;
	(pc) =	sbr.abs _section_cstart, $3  }
0xc0: {  	[dreg:$0x1] =	wrdreg $0xFFFFFFFF  }
0xc1: {  	_ =	task.clear_ibuf [dreg:s6], $0x2FFFF;
	_ =	strace $0x9FFFFFFF  }
0xc2: {  	(tm) =	ssettm $0x7FFFFFFF  }
0xc3: {  	_ =	shalt  }
tec
execute0_lowered:
.L_overlay_start_1:
0x0: {  	(tag) =	ssettag $0x1  }
0x1: {  	s0 =	rddreg [dreg:$0x0]  }
0x2: {  	s1 =	rddreg [dreg:$0x1]  }
0x3: {  	s3 =	simm.s32 $0x0;
	s2 =	stileid.u32;
	s5 =	srdreg.scid  }
0x4: {  	s22 =	simm.s32 $0x1400;
	s23 =	simm.s32 $0x7D;
	s28 =	simm.s32 $0x1380  }
0x5: {  	s29 =	simm.s32 $0x2700;
	s30 =	simm.s32 $0x2780;
	[smem:$0x7FF] =	sst s3  }
0x6: {  	s4 =	sadd.s32 $0x18600, s0;
	s6 =	smul.u32 $0x4E000, s2;
	s15 =	sadd.s32 $0x4600, s0  }
0x7: {  	s16 =	sadd.s32 $0xE600, s0;
	s11 =	sand.u32 $0x1, s5;
	s0 =	sadd.s32 $0x3F800, s0  }
0x8: {  	s20 =	smul.u32 $0x13800, s2;
	p0 =	sne.s32 s2, $0xF;
	_ =	strace $0x8000004A  }
0x9: {  	s7 =	ssub.s32 $0x2, s11;
	s8 =	sshll.u32 s11, $0x4;
	s17 =	smul.u32 $0x138800, s11  }
0xa: {  	s24 =	sshrl.u32 s6, $0x2;
	s25 =	sshrl.u32 s7, $0x1;
	s9 =	sor.u32 s2, s8  }
0xb: {  	s5 =	sadd.s32 s24, s1;
	s19 =	ssub.s32 s7, s25;
	s12 =	smul.u32 $0x2800, s9  }
0xc: {  	s20 =	sadd.s32 s20, s17;
	s17 =	sshrl.u32 s17, $0x3;
	s24 =	simm.s32 $0x6800  }
0xd: {  	s25 =	simm.s32 $0x1;
	s26 =	sadd.s32 $0x3000, s5;
	s31 =	sadd.s32 $0x6000, s5  }
0xe: {  	s8 =	sadd.s32 $0x9000, s5;
	s9 =	sadd.s32 $0xC000, s5;
	s10 =	sadd.s32 $0xF000, s5  }
0xf: {  	s11 =	sadd.s32 $0x12000, s5;
	s20 =	sshrl.u32 s20, $0x3;
	[dreg:$0x3] =	wrdreg s26  }
0x10: {  	s21 =	sadd.s32 s0, s17;
	s19 =	smax.u32 s19, $0x1;
	[dreg:$0x4] =	wrdreg s31  }
0x11: {  	s18 =	sshrl.u32 s12, $0x3;
	s12 =	sadd.s32 $0x138000, s1;
	s17 =	sadd.s32 s0, s20  }
0x12: {  	s13 =	sadd.s32 s15, s18;
	s14 =	sadd.s32 s16, s18;
	s18 =	sadd.s32 $0x280, s18  }
0x13: {  	s20 =	simm.s32 $0x2800;
	s26 =	simm.s32 $0x2;
	s15 =	sadd.s32 s15, s18  }
0x14: {  	v0 =	vimm.f32 $0.0e+00;
	s16 =	sadd.s32 s16, s18;
	s18 =	sadd.s32 $0x27000, s21;
	s21 =	simm.s32 $0x3  }
.LBB2_1:
0x15: {  	s31 =	simm.s32 $0x70;
	s0 =	simm.s32 $0x3C0  }
.LBB2_2:
0x16: {  	p1 =	sne.s32 s0, $0xBFC0;
	[tilespmem:s31+$0x2800] =	vst v0  }
0x17: {  	[tilespmem:s31+$0x2790] =	vst v0  }
0x18: {  	[tilespmem:s31+$0x27A0] =	vst v0  }
.Ltmp0:
0x19: {  	[tilespmem:s31+$0x27B0] =	vst v0;
	(pc) =	sbr.rel @p1 .LBB2_2-.Ltmp0, $4  }
0x1a: {  	[tilespmem:s31+$0x27C0] =	vst v0  }
0x1b: {  	[tilespmem:s31+$0x27D0] =	vst v0  }
0x1c: {  	[tilespmem:s31+$0x27E0] =	vst v0  }
0x1d: {  	[tilespmem:s31+$0x27F0] =	vst v0;
	s31 =	sshra.s32 s0, $0x2;
	s0 =	sadd.s32 $0x200, s0  }
0x1e: {  	[tilespmem:s31+$0x2800] =	vst v0  }
0x1f: {  	[tilespmem:s31+$0x2790] =	vst v0  }
0x20: {  	[tilespmem:s31+$0x27A0] =	vst v0  }
0x21: {  	[tilespmem:s31+$0x27B0] =	vst v0  }
0x22: {  	[tilespmem:s31+$0x27C0] =	vst v0  }
0x23: {  	[tilespmem:s31+$0x27D0] =	vst v0  }
0x24: {  	[tilespmem:s31+$0x27E0] =	vst v0  }
0x25: {  	[tilespmem:s31+$0x27F0] =	vst v0  }
0x26: {  	[spmem:s5] =	stream.linear.scatter [tilespmem:s20], [sflag:$0x3], $0x3000, $0x38;
	[tilespmem:$0x1E080] =	vst v63  }
0x27: {  	_ =	swait.ge [sflag:s21], $0x3000  }
0x28: {  	[sflag:s21] =	ssyncset.done $0x0  }
0x29: {  	s0 =	rddreg [dreg:$0x3];
	[sflag:s21] =	ssyncadd.s32 $0xFFFFD000  }
0x2a: {  	[spmem:s0] =	stream.linear.scatter [tilespmem:s20], [sflag:$0x3], $0x3000, $0x38;
	[tilespmem:$0x1E080] =	vst v63  }
0x2b: {  	_ =	swait.ge [sflag:s21], $0x3000  }
0x2c: {  	[sflag:s21] =	ssyncset.done $0x0  }
0x2d: {  	s2 =	rddreg [dreg:$0x4];
	[sflag:s21] =	ssyncadd.s32 $0xFFFFD000  }
0x2e: {  	[spmem:s2] =	stream.linear.scatter [tilespmem:s20], [sflag:$0x3], $0x3000, $0x38;
	[tilespmem:$0x1E080] =	vst v63  }
0x2f: {  	_ =	swait.ge [sflag:s21], $0x3000  }
0x30: {  	[sflag:s21] =	ssyncset.done $0x0  }
0x31: {  	[sflag:s21] =	ssyncadd.s32 $0xFFFFD000  }
0x32: {  	[spmem:s8] =	stream.linear.scatter [tilespmem:s20], [sflag:$0x3], $0x3000, $0x38;
	[tilespmem:$0x1E080] =	vst v63  }
0x33: {  	_ =	swait.ge [sflag:s21], $0x3000  }
0x34: {  	[sflag:s21] =	ssyncset.done $0x0  }
0x35: {  	[sflag:s21] =	ssyncadd.s32 $0xFFFFD000  }
0x36: {  	[spmem:s9] =	stream.linear.scatter [tilespmem:s20], [sflag:$0x3], $0x3000, $0x38;
	[tilespmem:$0x1E080] =	vst v63  }
0x37: {  	_ =	swait.ge [sflag:s21], $0x3000  }
0x38: {  	[sflag:s21] =	ssyncset.done $0x0  }
0x39: {  	[sflag:s21] =	ssyncadd.s32 $0xFFFFD000  }
0x3a: {  	[spmem:s10] =	stream.linear.scatter [tilespmem:s20], [sflag:$0x3], $0x3000, $0x38;
	[tilespmem:$0x1E080] =	vst v63  }
0x3b: {  	_ =	swait.ge [sflag:s21], $0x3000  }
0x3c: {  	[sflag:s21] =	ssyncset.done $0x0  }
0x3d: {  	[sflag:s21] =	ssyncadd.s32 $0xFFFFD000  }
0x3e: {  	[spmem:s11] =	stream.linear.scatter [tilespmem:s20], [sflag:$0x3], $0x1800, $0x38;
	[tilespmem:$0x1E080] =	vst v63  }
0x3f: {  	_ =	swait.ge [sflag:s21], $0x1800  }
0x40: {  	[sflag:s21] =	ssyncset.done $0x0  }
0x41: {  	s0 =	simm.s32 @!p0 $0x2800;
	[sflag:s21] =	ssyncadd.s32 $0xFFFFE800  }
0x42: {  	[spmem:s12] =	stream.linear.scatter @!p0 [tilespmem:s0], [sflag:$0x3], $0x800, $0x38;
	[tilespmem:$0x1E080] =	vst v63  }
0x43: {  	s0 =	simm.s32 @!p0 $0x3  }
0x44: {  	_ =	swait.ge @!p0 [sflag:s0], $0x800  }
0x45: {  	[sflag:s0] =	ssyncset.done @!p0 $0x0  }
0x46: {  	[sflag:s0] =	ssyncadd.s32 @!p0 $0xFFFFF800  }
0x47: {  	s6 =	simm.s32 $0x0;
	[bflag:$0x0] =	sbarrier.arrive $0xFFFF  }
0x48: {  	[tilespmem:s6], [sflag:$0x3] =	stream.linear.gather [hbm4b:s13+s6], $0x1400, $0x38;
	[tilespmem:$0x1E080] =	vst v63  }
0x49: {  	_ =	swait.ge [sflag:s21], $0x1400  }
0x4a: {  	[sflag:s21] =	ssyncset.done $0x0  }
0x4b: {  	[sflag:s21] =	ssyncadd.s32 $0xFFFFEC00  }
0x4c: {  	[tilespmem:s22], [sflag:$0x3] =	stream.linear.gather [hbm4b:s14+s6], $0x1400, $0x38;
	[tilespmem:$0x1E080] =	vst v63  }
0x4d: {  	_ =	swait.ge [sflag:s21], $0x1400  }
0x4e: {  	[sflag:s21] =	ssyncset.done $0x0  }
0x4f: {  	[sflag:s21] =	ssyncadd.s32 $0xFFFFEC00  }
0x50: {  	[tilespmem:s20], [sflag:$0x1] =	stream.indirect.gather [hbm4b:s4+s23], $0x80, s6, s23, $0xb8;
	[tilespmem:$0x1E080] =	vst v63  }
0x51: {  	s7 =	simm.s32 $0x80  }
0x52: {  	[tilespmem:s24], [sflag:$0x2] =	stream.indirect.gather [hbm4b:s4+s23], $0x80, s7, s23, $0xb8;
	[tilespmem:$0x1E080] =	vst v63  }
0x53: {  	_ =	swait.ge [sflag:s25], $0x3E80  }
0x54: {  	[sflag:s25] =	ssyncset.done $0x0  }
0x55: {  	s2 =	simm.s32 $0x1400;
	[sflag:s25] =	ssyncadd.s32 $0xFFFFC180  }
0x56: {  	[spmem:s1] =	stream.indirect.scatter.add.f32 [tilespmem:s20], [sflag:$0x3], $0x80, s2, s23, $0xb8;
	[tilespmem:$0x1E080] =	vst v63  }
0x57: {  	_ =	swait.ge [sflag:s21], $0x3E80  }
0x58: {  	[sflag:s21] =	ssyncset.done $0x0  }
0x59: {  	s6 =	simm.s32 $0x100;
	[sflag:s21] =	ssyncadd.s32 $0xFFFFC180  }
0x5a: {  	[tilespmem:s20], [sflag:$0x1] =	stream.indirect.gather [hbm4b:s4+s23], $0x80, s6, s23, $0xb8;
	[tilespmem:$0x1E080] =	vst v63  }
0x5b: {  	_ =	swait.ge [sflag:s26], $0x3E80  }
0x5c: {  	[sflag:s26] =	ssyncset.done $0x0  }
0x5d: {  	s7 =	simm.s32 $0x1480;
	[sflag:s26] =	ssyncadd.s32 $0xFFFFC180  }
0x5e: {  	[spmem:s1] =	stream.indirect.scatter.add.f32 [tilespmem:s24], [sflag:$0x3], $0x80, s7, s23, $0xb8;
	[tilespmem:$0x1E080] =	vst v63  }
0x5f: {  	_ =	swait.ge [sflag:s21], $0x3E80  }
0x60: {  	s31 =	simm.s32 $0x100;
	s0 =	simm.s32 $0x800;
	[sflag:s21] =	ssyncset.done $0x0  }
.LBB2_4:
0x61: {  	s2 =	sadd.s32 $0x80, s31  }
0x62: {  	[sflag:s21] =	ssyncadd.s32 $0xFFFFC180;
	s6 =	smov.u32 s0;
	s7 =	sadd.s32 $0x400, s0  }
0x63: {  	[tilespmem:s24], [sflag:$0x2] =	stream.indirect.gather [hbm4b:s4+s23], $0x80, s2, s23, $0xb8;
	[tilespmem:$0x1E080] =	vst v63  }
0x64: {  	p1 =	sne.s32 s0, $0x4800;
	_ =	swait.ge [sflag:s25], $0x3E80  }
0x65: {  	[sflag:s25] =	ssyncset.done $0x0  }
0x66: {  	s0 =	sadd.s32 $0x1400, s31;
	[sflag:s25] =	ssyncadd.s32 $0xFFFFC180  }
0x67: {  	[spmem:s1] =	stream.indirect.scatter.add.f32 [tilespmem:s20], [sflag:$0x3], $0x80, s0, s23, $0xb8;
	[tilespmem:$0x1E080] =	vst v63  }
0x68: {  	_ =	swait.ge [sflag:s21], $0x3E80  }
0x69: {  	[sflag:s21] =	ssyncset.done $0x0  }
0x6a: {  	s0 =	sadd.s32 $0x100, s31;
	[sflag:s21] =	ssyncadd.s32 $0xFFFFC180  }
0x6b: {  	[tilespmem:s20], [sflag:$0x1] =	stream.indirect.gather [hbm4b:s4+s23], $0x80, s0, s23, $0xb8;
	[tilespmem:$0x1E080] =	vst v63  }
0x6c: {  	_ =	swait.ge [sflag:s26], $0x3E80  }
.Ltmp1:
0x6d: {  	[sflag:s26] =	ssyncset.done $0x0;
	(pc) =	sbr.rel @p1 .LBB2_4-.Ltmp1, $4  }
0x6e: {  	s0 =	sadd.s32 $0x1480, s31;
	[sflag:s26] =	ssyncadd.s32 $0xFFFFC180  }
0x6f: {  	[spmem:s1] =	stream.indirect.scatter.add.f32 [tilespmem:s24], [sflag:$0x3], $0x80, s0, s23, $0xb8;
	[tilespmem:$0x1E080] =	vst v63  }
0x70: {  	_ =	swait.ge [sflag:s21], $0x3E80  }
0x71: {  	s31 =	sshra.s32 s6, $0x2;
	s0 =	smov.u32 s7;
	[sflag:s21] =	ssyncset.done $0x0  }
0x72: {  	s0 =	sadd.s32 $0x80, s31;
	[sflag:s21] =	ssyncadd.s32 $0xFFFFC180  }
0x73: {  	[tilespmem:s24], [sflag:$0x2] =	stream.indirect.gather [hbm4b:s4+s23], $0x80, s0, s23, $0xb8;
	[tilespmem:$0x1E080] =	vst v63  }
0x74: {  	_ =	swait.ge [sflag:s25], $0x3E80  }
0x75: {  	[sflag:s25] =	ssyncset.done $0x0  }
0x76: {  	s6 =	sadd.s32 $0x1400, s31;
	[sflag:s25] =	ssyncadd.s32 $0xFFFFC180  }
0x77: {  	[spmem:s1] =	stream.indirect.scatter.add.f32 [tilespmem:s20], [sflag:$0x3], $0x80, s6, s23, $0xb8;
	[tilespmem:$0x1E080] =	vst v63  }
0x78: {  	_ =	swait.ge [sflag:s21], $0x3E80  }
0x79: {  	[sflag:s21] =	ssyncset.done $0x0  }
0x7a: {  	s7 =	sadd.s32 $0x100, s31;
	[sflag:s21] =	ssyncadd.s32 $0xFFFFC180  }
0x7b: {  	[tilespmem:s20], [sflag:$0x1] =	stream.indirect.gather [hbm4b:s4+s23], $0x80, s7, s23, $0xb8;
	[tilespmem:$0x1E080] =	vst v63  }
0x7c: {  	_ =	swait.ge [sflag:s26], $0x3E80  }
0x7d: {  	[sflag:s26] =	ssyncset.done $0x0  }
0x7e: {  	s2 =	sadd.s32 $0x1480, s31;
	[sflag:s26] =	ssyncadd.s32 $0xFFFFC180  }
0x7f: {  	[spmem:s1] =	stream.indirect.scatter.add.f32 [tilespmem:s24], [sflag:$0x3], $0x80, s2, s23, $0xb8;
	[tilespmem:$0x1E080] =	vst v63  }
0x80: {  	_ =	swait.ge [sflag:s21], $0x3E80  }
0x81: {  	[sflag:s21] =	ssyncset.done $0x0  }
0x82: {  	[sflag:s21] =	ssyncadd.s32 $0xFFFFC180  }
0x83: {  	[tilespmem:s24], [sflag:$0x2] =	stream.indirect.gather [hbm4b:s4+s23], $0x80, s28, s23, $0xb8;
	[tilespmem:$0x1E080] =	vst v63  }
0x84: {  	_ =	swait.ge [sflag:s25], $0x3E80  }
0x85: {  	[sflag:s25] =	ssyncset.done $0x0  }
0x86: {  	[sflag:s25] =	ssyncadd.s32 $0xFFFFC180  }
0x87: {  	[spmem:s1] =	stream.indirect.scatter.add.f32 [tilespmem:s20], [sflag:$0x3], $0x80, s29, s23, $0xb8;
	[tilespmem:$0x1E080] =	vst v63  }
0x88: {  	_ =	swait.ge [sflag:s21], $0x3E80  }
0x89: {  	[sflag:s21] =	ssyncset.done $0x0  }
0x8a: {  	[sflag:s21] =	ssyncadd.s32 $0xFFFFC180  }
0x8b: {  	_ =	swait.ge [sflag:s26], $0x3E80  }
0x8c: {  	[sflag:s26] =	ssyncset.done $0x0  }
0x8d: {  	[sflag:s26] =	ssyncadd.s32 $0xFFFFC180  }
0x8e: {  	[spmem:s1] =	stream.indirect.scatter.add.f32 [tilespmem:s24], [sflag:$0x3], $0x80, s30, s23, $0xb8;
	[tilespmem:$0x1E080] =	vst v63  }
0x8f: {  	_ =	swait.ge [sflag:s21], $0x3E80  }
0x90: {  	[sflag:s21] =	ssyncset.done $0x0  }
0x91: {  	s6 =	simm.s32 $0x0;
	[sflag:s21] =	ssyncadd.s32 $0xFFFFC180  }
0x92: {  	[tilespmem:s6], [sflag:$0x3] =	stream.linear.gather [hbm4b:s15+s6], $0x1400, $0x38;
	[tilespmem:$0x1E080] =	vst v63  }
0x93: {  	_ =	swait.ge [sflag:s21], $0x1400  }
0x94: {  	[sflag:s21] =	ssyncset.done $0x0  }
0x95: {  	[sflag:s21] =	ssyncadd.s32 $0xFFFFEC00  }
0x96: {  	[tilespmem:s22], [sflag:$0x3] =	stream.linear.gather [hbm4b:s16+s6], $0x1400, $0x38;
	[tilespmem:$0x1E080] =	vst v63  }
0x97: {  	_ =	swait.ge [sflag:s21], $0x1400  }
0x98: {  	[sflag:s21] =	ssyncset.done $0x0  }
0x99: {  	[sflag:s21] =	ssyncadd.s32 $0xFFFFEC00  }
0x9a: {  	[tilespmem:s20], [sflag:$0x1] =	stream.indirect.gather [hbm4b:s4+s23], $0x80, s6, s23, $0xb8;
	[tilespmem:$0x1E080] =	vst v63  }
0x9b: {  	s7 =	simm.s32 $0x80  }
0x9c: {  	[tilespmem:s24], [sflag:$0x2] =	stream.indirect.gather [hbm4b:s4+s23], $0x80, s7, s23, $0xb8;
	[tilespmem:$0x1E080] =	vst v63  }
0x9d: {  	_ =	swait.ge [sflag:s25], $0x3E80  }
0x9e: {  	[sflag:s25] =	ssyncset.done $0x0  }
0x9f: {  	s2 =	simm.s32 $0x1400;
	[sflag:s25] =	ssyncadd.s32 $0xFFFFC180  }
0xa0: {  	[spmem:s1] =	stream.indirect.scatter.add.f32 [tilespmem:s20], [sflag:$0x3], $0x80, s2, s23, $0xb8;
	[tilespmem:$0x1E080] =	vst v63  }
0xa1: {  	_ =	swait.ge [sflag:s21], $0x3E80  }
0xa2: {  	[sflag:s21] =	ssyncset.done $0x0  }
0xa3: {  	s6 =	simm.s32 $0x100;
	[sflag:s21] =	ssyncadd.s32 $0xFFFFC180  }
0xa4: {  	[tilespmem:s20], [sflag:$0x1] =	stream.indirect.gather [hbm4b:s4+s23], $0x80, s6, s23, $0xb8;
	[tilespmem:$0x1E080] =	vst v63  }
0xa5: {  	_ =	swait.ge [sflag:s26], $0x3E80  }
0xa6: {  	[sflag:s26] =	ssyncset.done $0x0  }
0xa7: {  	s7 =	simm.s32 $0x1480;
	[sflag:s26] =	ssyncadd.s32 $0xFFFFC180  }
0xa8: {  	[spmem:s1] =	stream.indirect.scatter.add.f32 [tilespmem:s24], [sflag:$0x3], $0x80, s7, s23, $0xb8;
	[tilespmem:$0x1E080] =	vst v63  }
0xa9: {  	_ =	swait.ge [sflag:s21], $0x3E80  }
0xaa: {  	s31 =	simm.s32 $0x100;
	s0 =	simm.s32 $0x800;
	[sflag:s21] =	ssyncset.done $0x0  }
.LBB2_6:
0xab: {  	s2 =	sadd.s32 $0x80, s31  }
0xac: {  	[sflag:s21] =	ssyncadd.s32 $0xFFFFC180;
	s6 =	smov.u32 s0;
	s7 =	sadd.s32 $0x400, s0  }
0xad: {  	[tilespmem:s24], [sflag:$0x2] =	stream.indirect.gather [hbm4b:s4+s23], $0x80, s2, s23, $0xb8;
	[tilespmem:$0x1E080] =	vst v63  }
0xae: {  	p1 =	sne.s32 s0, $0x4800;
	_ =	swait.ge [sflag:s25], $0x3E80  }
0xaf: {  	[sflag:s25] =	ssyncset.done $0x0  }
0xb0: {  	s0 =	sadd.s32 $0x1400, s31;
	[sflag:s25] =	ssyncadd.s32 $0xFFFFC180  }
0xb1: {  	[spmem:s1] =	stream.indirect.scatter.add.f32 [tilespmem:s20], [sflag:$0x3], $0x80, s0, s23, $0xb8;
	[tilespmem:$0x1E080] =	vst v63  }
0xb2: {  	_ =	swait.ge [sflag:s21], $0x3E80  }
0xb3: {  	[sflag:s21] =	ssyncset.done $0x0  }
0xb4: {  	s0 =	sadd.s32 $0x100, s31;
	[sflag:s21] =	ssyncadd.s32 $0xFFFFC180  }
0xb5: {  	[tilespmem:s20], [sflag:$0x1] =	stream.indirect.gather [hbm4b:s4+s23], $0x80, s0, s23, $0xb8;
	[tilespmem:$0x1E080] =	vst v63  }
0xb6: {  	_ =	swait.ge [sflag:s26], $0x3E80  }
.Ltmp2:
0xb7: {  	[sflag:s26] =	ssyncset.done $0x0;
	(pc) =	sbr.rel @p1 .LBB2_6-.Ltmp2, $4  }
0xb8: {  	s0 =	sadd.s32 $0x1480, s31;
	[sflag:s26] =	ssyncadd.s32 $0xFFFFC180  }
0xb9: {  	[spmem:s1] =	stream.indirect.scatter.add.f32 [tilespmem:s24], [sflag:$0x3], $0x80, s0, s23, $0xb8;
	[tilespmem:$0x1E080] =	vst v63  }
0xba: {  	_ =	swait.ge [sflag:s21], $0x3E80  }
0xbb: {  	s31 =	sshra.s32 s6, $0x2;
	s0 =	smov.u32 s7;
	[sflag:s21] =	ssyncset.done $0x0  }
0xbc: {  	s0 =	sadd.s32 $0x80, s31;
	[sflag:s21] =	ssyncadd.s32 $0xFFFFC180  }
0xbd: {  	[tilespmem:s24], [sflag:$0x2] =	stream.indirect.gather [hbm4b:s4+s23], $0x80, s0, s23, $0xb8;
	[tilespmem:$0x1E080] =	vst v63  }
0xbe: {  	_ =	swait.ge [sflag:s25], $0x3E80  }
0xbf: {  	[sflag:s25] =	ssyncset.done $0x0  }
0xc0: {  	s2 =	sadd.s32 $0x1400, s31;
	[sflag:s25] =	ssyncadd.s32 $0xFFFFC180  }
0xc1: {  	[spmem:s1] =	stream.indirect.scatter.add.f32 [tilespmem:s20], [sflag:$0x3], $0x80, s2, s23, $0xb8;
	[tilespmem:$0x1E080] =	vst v63  }
0xc2: {  	_ =	swait.ge [sflag:s21], $0x3E80  }
0xc3: {  	[sflag:s21] =	ssyncset.done $0x0  }
0xc4: {  	s6 =	sadd.s32 $0x100, s31;
	[sflag:s21] =	ssyncadd.s32 $0xFFFFC180  }
0xc5: {  	[tilespmem:s20], [sflag:$0x1] =	stream.indirect.gather [hbm4b:s4+s23], $0x80, s6, s23, $0xb8;
	[tilespmem:$0x1E080] =	vst v63  }
0xc6: {  	_ =	swait.ge [sflag:s26], $0x3E80  }
0xc7: {  	[sflag:s26] =	ssyncset.done $0x0  }
0xc8: {  	s7 =	sadd.s32 $0x1480, s31;
	[sflag:s26] =	ssyncadd.s32 $0xFFFFC180  }
0xc9: {  	[spmem:s1] =	stream.indirect.scatter.add.f32 [tilespmem:s24], [sflag:$0x3], $0x80, s7, s23, $0xb8;
	[tilespmem:$0x1E080] =	vst v63  }
0xca: {  	_ =	swait.ge [sflag:s21], $0x3E80  }
0xcb: {  	[sflag:s21] =	ssyncset.done $0x0  }
0xcc: {  	[sflag:s21] =	ssyncadd.s32 $0xFFFFC180  }
0xcd: {  	[tilespmem:s24], [sflag:$0x2] =	stream.indirect.gather [hbm4b:s4+s23], $0x80, s28, s23, $0xb8;
	[tilespmem:$0x1E080] =	vst v63  }
0xce: {  	_ =	swait.ge [sflag:s25], $0x3E80  }
0xcf: {  	[sflag:s25] =	ssyncset.done $0x0  }
0xd0: {  	[sflag:s25] =	ssyncadd.s32 $0xFFFFC180  }
0xd1: {  	[spmem:s1] =	stream.indirect.scatter.add.f32 [tilespmem:s20], [sflag:$0x3], $0x80, s29, s23, $0xb8;
	[tilespmem:$0x1E080] =	vst v63  }
0xd2: {  	_ =	swait.ge [sflag:s21], $0x3E80  }
0xd3: {  	[sflag:s21] =	ssyncset.done $0x0  }
0xd4: {  	[sflag:s21] =	ssyncadd.s32 $0xFFFFC180  }
0xd5: {  	_ =	swait.ge [sflag:s26], $0x3E80  }
0xd6: {  	[sflag:s26] =	ssyncset.done $0x0  }
0xd7: {  	[sflag:s26] =	ssyncadd.s32 $0xFFFFC180  }
0xd8: {  	[spmem:s1] =	stream.indirect.scatter.add.f32 [tilespmem:s24], [sflag:$0x3], $0x80, s30, s23, $0xb8;
	[tilespmem:$0x1E080] =	vst v63  }
0xd9: {  	_ =	swait.ge [sflag:s21], $0x3E80  }
0xda: {  	s31 =	stileid.u32;
	[sflag:s21] =	ssyncset.done $0x0  }
0xdb: {  	s0 =	sshll.u32 s31, $0x6;
	[sflag:s21] =	ssyncadd.s32 $0xFFFFC180  }
0xdc: {  	s0 =	sor.u32 $0x1C03, s0;
	s2 =	sshrl.u32 s5, $0x3;
	[bflag:$0x0] =	sbarrier.arrive $0xFFFF  }
0xdd: {  	[hbm:s17], [sflag:s0] =	dma.local [spmem:s2], $0x2700  }
0xde: {  	_ =	swait.ge [sflag:s21], $0x2700  }
0xdf: {  	s3 =	sadd.s32 $0x1, s3;
	[sflag:s21] =	ssyncset.done $0x0  }
0xe0: {  	p1 =	sne.s32 s3, s19;
	s2 =	sshrl.u32 @!p0 s12, $0x3;
	[sflag:s21] =	ssyncadd.s32 $0xFFFFD900  }
0xe1: {  	[hbm:s18], [sflag:s0] =	dma.local @!p0 [spmem:s2], $0x100  }
.Ltmp3:
0xe2: {  	_ = 	snop;
	(pc) =	sbr.rel @p1 .LBB2_1-.Ltmp3, $4  }
0xe3: {  	s0 =	simm.s32 @!p0 $0x3  }
0xe4: {  	_ =	swait.ge @!p0 [sflag:s0], $0x100  }
0xe5: {  	[sflag:s0] =	ssyncset.done @!p0 $0x0  }
0xe6: {  	[sflag:s0] =	ssyncadd.s32 @!p0 $0xFFFFFF00  }
0xe7: {  	_ =	sfence.sel $0x180000  }
0xe8: {  	[bflag:$0x0] =	sbarrier.arrive $0xFFFF  }
0xe9: {  	_ =	strace $0x9000004A  }
0xea: {  	s0 =	stileid.u32;
	[bflag:$0x2] =	sbarrier.arrive $0xFFFF  }
0xeb: {  	p0 =	sne.s32 s0, $0x0;
	s0 =	rddreg [dreg:$0x2]  }
0xec: {  	s0 =	sadd.s32 @!p0 $0x100000, s0  }
0xed: {  	[sflag:s0] =	ssyncadd.tile.s32 @!p0 $0x1;
	_ =	shalt  }
.Lfunc_end2:
_tile_overlayer_lowered:
.L_overlay_start_2:
0xee: {  	(tag) =	ssettag $0x2  }
0xef: {  	s0 =	rddreg [dreg:$0x0];
	s2 =	stileid.u32  }
0xf0: {  	s1 =	rddreg [dreg:$0x1];
	p0 =	sne.s32 s2, $0x0  }
0xf1: {  	s3 =	rddreg [dreg:$0x2];
	[bflag:$0x3] =	sbarrier.arrive $0xFFFF;
	s2 =	simm.s32 @!p0 $0x1C03  }
0xf2: {  	[timem:s3], [sflag:s2] =	dma.local @!p0 [hbm:s0], s1  }
0xf3: {  	s0 =	simm.s32 @!p0 $0x3  }
0xf4: {  	_ =	swait.ge @!p0 [sflag:s0], s1  }
0xf5: {  	s1 =	ssub.s32 @!p0 $0x0, s1;
	[sflag:s0] =	ssyncset.done @!p0 $0x0  }
0xf6: {  	[sflag:s0] =	ssyncadd.s32 @!p0 s1  }
0xf7: {  	[bflag:$0x3] =	sbarrier.arrive $0xFFFF  }
0xf8: {  	_ =	shalt  }

// kernel: kernel.14.cloned.1.call-start
scs
__scs_entry_jumppad:
0x0: {  	(pc) =	sbr.rel $0x88, $3  }
0x1: {  	(tag) =	ssettag $0x0;
	lr =	simm.s32 $0x1  }
0x2: {  	[smem:$0x3F8B] =	sst lr;
	_ =	strace $0xD0000000  }
0x3: {  	_ = 	snop  }
0x4: {  	_ = 	snop  }
0x5: {  	_ = 	snop  }
0x6: {  	_ = 	snop  }
0x7: {  	_ = 	snop  }
__scs_overlays_trampoline_lowered:
0x8: {  	[smem:$0x3F9A] =	sst s0  }
0x9: {  	[smem:$0x3F9B] =	sst s1  }
0xa: {  	[smem:$0x3F9C] =	sst s2  }
0xb: {  	[smem:$0x3F9D] =	sst s3  }
0xc: {  	[smem:$0x3F9E] =	sst s4  }
0xd: {  	[smem:$0x3F9F] =	sst s5  }
0xe: {  	[smem:$0x3FA0] =	sst s6  }
0xf: {  	[smem:$0x3FA1] =	sst s7  }
0x10: {  	[smem:$0x3FA2] =	sst s8  }
0x11: {  	[smem:$0x3FA3] =	sst s9;
	s0 =	simm.s32 @!p0 $0x0  }
0x12: {  	s1 =	sld [smem:$0x3F89];
	s0 =	simm.s32 @p0 $0x1  }
0x13: {  	[smem:$0x3FA4] =	sst s0;
	s0 =	simm.s32 @!p1 $0x0  }
0x14: {  	s2 =	sld [smem:$0x3F88];
	s0 =	simm.s32 @p1 $0x1  }
0x15: {  	[smem:$0x3FA5] =	sst s0;
	s0 =	simm.s32 @!p2 $0x0  }
0x16: {  	s3 =	sld [smem:$0x3FDB];
	s0 =	simm.s32 @p2 $0x1  }
0x17: {  	s4 =	simm.s32 $0x1BF5;
	[smem:$0x3FA7] =	sst s0  }
0x18: {  	s0 =	sld [smem:$0x3F8A];
	_ =	swait.ge [sflag:s4], $0x0  }
0x19: {  	s7 =	sld [smem:$0x3F8B]  }
0x1a: {  	s8 =	sadd.s32 $0xFFFFE003, lr  }
0x1b: {  	s9 =	sadd.s32 $0xFFFFFEF7, lr;
	s5 =	simm.s32 $0xFFFFFFFF;
	p2 =	slt.u32 s8, $0xFFFFF086  }
0x1c: {  	p1 =	slt.u32 s9, $0xF7A;
	s5 =	simm.s32 @!p2 $0x0  }
0x1d: {  	s5 =	simm.s32 @p1 $0x1;
	p0 =	seq.s32 s7, s2  }
0x1e: {  	s7 =	smul.u32 @!p0 $0xF7A, s2;
	p2 =	seq.s32 @!p0 s5, $0x0  }
0x1f: {  	s9 =	smul.u32 $0xF7A, s1;
	s8 =	simm.s32 @!p0 $0x1BF5;
	p2 =	por !p2, p0  }
0x20: {  	[sflag:s8] =	ssyncset.s32 @!p0 $0xFFFFF086;
	s6 =	sadd.s32 @!p0 s3, s7;
	s7 =	simm.s32 @!p0 $0x108  }
0x21: {  	s3 =	sadd.s32 s3, s9;
	s6 =	sadd.s32 @!p0 $0x88, s6;
	s7 =	simm.s32 @p2 $0x1082  }
0x22: {  	[simem:s7], [sflag:s8] =	dma.local @!p0 [hbm:s6], $0xF7A  }
0x23: {  	s9 =	sor.u32 $0xD0000000, s2;
	s6 =	simm.s32 $0x108;
	_ =	swait.ge @!p0 [sflag:s8], $0x0  }
0x24: {  	s3 =	sadd.s32 $0x88, s3;
	s6 =	simm.s32 @!p1 $0x1082;
	[sflag:s4] =	ssyncset.s32 $0xFFFFF086  }
0x25: {  	[simem:s6], [sflag:s4] =	dma.local [hbm:s3], $0xF7A  }
0x26: {  	[smem:$0x3F8B] =	sst s1;
	(tag) =	ssettag s2;
	_ =	strace s9  }
0x27: {  	s1 =	sld [smem:$0x3F9B]  }
0x28: {  	s2 =	sld [smem:$0x3F9C]  }
0x29: {  	s4 =	sld [smem:$0x3F9E]  }
0x2a: {  	p0 =	seq.s32 s5, $0x0;
	s5 =	sld [smem:$0x3F9F]  }
0x2b: {  	s6 =	sld [smem:$0x3FA0]  }
0x2c: {  	s7 =	sld [smem:$0x3FA1]  }
0x2d: {  	s3 =	simm.s32 $0x108;
	s8 =	sld [smem:$0x3FA2]  }
0x2e: {  	s3 =	simm.s32 @!p0 $0x1082;
	s9 =	sld [smem:$0x3FA3]  }
0x2f: {  	lr =	sadd.s32 s0, s3;
	s0 =	sld [smem:$0x3F9A]  }
0x30: {  	s3 =	sld [smem:$0x3F9D]  }
0x31: {  	[smem:$0x3FA6] =	sst s10  }
0x32: {  	s10 =	sld [smem:$0x3FA4];
	_ =	sdelay $0x3  }
0x33: {  	p0 =	seq.s32 s10, $0x1;
	s10 =	sld [smem:$0x3FA6];
	_ =	sdelay $0x3  }
0x34: {  	[smem:$0x3FA6] =	sst s10  }
0x35: {  	s10 =	sld [smem:$0x3FA5];
	_ =	sdelay $0x3  }
0x36: {  	p1 =	seq.s32 s10, $0x1;
	s10 =	sld [smem:$0x3FA6];
	_ =	sdelay $0x3  }
0x37: {  	[smem:$0x3FA6] =	sst s10  }
0x38: {  	s10 =	sld [smem:$0x3FA7]  }
0x39: {  	_ = 	snop;
	(pc) =	sbr.ind lr, $3  }
0x3a: {  	_ = 	snop  }
0x3b: {  	_ = 	snop  }
0x3c: {  	p2 =	seq.s32 s10, $0x1;
	s10 =	sld [smem:$0x3FA6]  }
0x3d: {  	_ =	shalt  }
0x3e: {  	_ =	shalt  }
0x3f: {  	_ =	shalt  }
0x40: {  	_ =	shalt  }
0x41: {  	_ =	shalt  }
0x42: {  	_ =	shalt  }
0x43: {  	_ =	shalt  }
0x44: {  	_ =	shalt  }
0x45: {  	_ =	shalt  }
0x46: {  	_ =	shalt  }
0x47: {  	_ =	shalt  }
0x48: {  	_ =	shalt  }
0x49: {  	_ =	shalt  }
0x4a: {  	_ =	shalt  }
0x4b: {  	_ =	shalt  }
0x4c: {  	_ =	shalt  }
0x4d: {  	_ =	shalt  }
0x4e: {  	_ =	shalt  }
0x4f: {  	_ =	shalt  }
0x50: {  	_ =	shalt  }
0x51: {  	_ =	shalt  }
0x52: {  	_ =	shalt  }
0x53: {  	_ =	shalt  }
0x54: {  	_ =	shalt  }
0x55: {  	_ =	shalt  }
0x56: {  	_ =	shalt  }
0x57: {  	_ =	shalt  }
0x58: {  	_ =	shalt  }
0x59: {  	_ =	shalt  }
0x5a: {  	_ =	shalt  }
0x5b: {  	_ =	shalt  }
0x5c: {  	_ =	shalt  }
0x5d: {  	_ =	shalt  }
0x5e: {  	_ =	shalt  }
0x5f: {  	_ =	shalt  }
0x60: {  	_ =	shalt  }
0x61: {  	_ =	shalt  }
0x62: {  	_ =	shalt  }
0x63: {  	_ =	shalt  }
0x64: {  	_ =	shalt  }
0x65: {  	_ =	shalt  }
0x66: {  	_ =	shalt  }
0x67: {  	_ =	shalt  }
0x68: {  	_ =	shalt  }
0x69: {  	_ =	shalt  }
0x6a: {  	_ =	shalt  }
0x6b: {  	_ =	shalt  }
0x6c: {  	_ =	shalt  }
0x6d: {  	_ =	shalt  }
0x6e: {  	_ =	shalt  }
0x6f: {  	_ =	shalt  }
0x70: {  	_ =	shalt  }
0x71: {  	_ =	shalt  }
0x72: {  	_ =	shalt  }
0x73: {  	_ =	shalt  }
0x74: {  	_ =	shalt  }
0x75: {  	_ =	shalt  }
0x76: {  	_ =	shalt  }
0x77: {  	_ =	shalt  }
0x78: {  	_ =	shalt  }
0x79: {  	_ =	shalt  }
0x7a: {  	_ =	shalt  }
0x7b: {  	_ =	shalt  }
0x7c: {  	_ =	shalt  }
0x7d: {  	_ =	shalt  }
0x7e: {  	_ =	shalt  }
0x7f: {  	_ =	shalt  }
0x80: {  	_ =	shalt  }
0x81: {  	_ =	shalt  }
0x82: {  	_ =	shalt  }
0x83: {  	_ =	shalt  }
0x84: {  	_ =	shalt  }
0x85: {  	_ =	shalt  }
0x86: {  	_ =	shalt  }
0x87: {  	_ =	shalt  }
.Lfunc_end0:
.L_simem_size_0:
called_computation.2_lowered:
.L_overlay_start_0:
0x88: {  	s2 =	sld [smem:$0x3FD9]  }
0x89: {  	s3 =	sld [smem:$0x3FFE];
	_ =	sdelay $0x1  }
0x8a: {  	s1 =	srdreg.scid  }
0x8b: {  	s0 =	sand.u32 $0x1, s1  }
0x8c: {  	s16 =	sshll.u32 s0, $0xA;
	s2 =	sadd.s32 s3, s2  }
0x8d: {  	s2 =	sadd.s32 s2, s16  }
0x8e: {  	[smem:$0x3FB2] =	sst s2  }
0x8f: {  	_ = 	snop  }
0x90: {  	(tm) =	ssettm $0x1  }
0x91: {  	s17 =	sld [smem:$0x3FFB];
	_ =	sdelay $0x3  }
0x92: {  	_ =	strace s17  }
0x93: {  	s2 =	sld [smem:$0x3FFC];
	_ =	sdelay $0x3  }
0x94: {  	_ =	strace s2  }
0x95: {  	s2 =	sld [smem:$0x3FFD];
	_ =	sdelay $0x3  }
0x96: {  	_ =	strace s2  }
0x97: {  	_ =	strace $0x8FFFFFFF  }
0x98: {  	s18 =	sld [smem:$0x3FDB];
	_ =	sdelay $0x1  }
0x99: {  	s19 =	simm.s32 $_scs_section_size  }
0x9a: {  	s4 =	simm.s32 $_size__tile_overlayer_lowered;
	s5 =	simm.s32 $_tile_overlayer_lowered  }
0x9b: {  	s22 =	simm.s32 $0x1BFF;
	s21 =	sshll.u32 s5, $0x1;
	s2 =	sadd.s32 s19, s18  }
0x9c: {  	s6 =	simm.s32 $0x0;
	s20 =	sshll.u32 s4, $0x1;
	s4 =	sadd.s32 s21, s2  }
0x9d: {  	[timem:s6], [sflag:s22] =	dma.local [hbm:s4], s20  }
0x9e: {  	_ =	swait.ge [sflag:s22], s20  }
0x9f: {  	s3 =	ssub.s32 $0x0, s20;
	[sflag:s22] =	ssyncset.done $0x0  }
0xa0: {  	[sflag:s22] =	ssyncadd.s32 s3;
	_ =	sdelay $0x1  }
0xa1: {  	s23 =	simm.s32 $0x1B8B  }
0xa2: {  	_ =	swait.ge [sflag:s23], $0x1  }
0xa3: {  	[sflag:s23] =	ssyncset.done $0x0  }
0xa4: {  	s25 =	simm.s32 $0x1B8E;
	s24 =	sld [smem:$0x3FFE];
	[sflag:s23] =	ssyncadd.s32 $0xFFFFFFFF  }
0xa5: {  	s26 =	simm.s32 $execute0_lowered;
	[smem:$0x3FD2] =	sst s25  }
0xa6: {  	s4 =	sshll.u32 s26, $0x1;
	_ =	strace $0x8000004C;
	[dreg:$0x1] =	wrdreg $0xFFFFFFFF  }
0xa7: {  	s28 =	simm.s32 $_size_execute0_lowered;
	s2 =	sadd.s32 s2, s4;
	[dreg:$0x0] =	wrdreg $0x0  }
0xa8: {  	s4 =	sshll.u32 s28, $0x1;
	[dreg:$0x2] =	wrdreg s2  }
0xa9: {  	[dreg:$0x3] =	wrdreg s4  }
0xaa: {  	[dreg:$0x4] =	wrdreg $0xC0  }
0xab: {  	_ =	task [dreg:s6], $0x5FFFF  }
0xac: {  	[dreg:$0x1] =	wrdreg $0xFFFFFFFF  }
0xad: {  	[dreg:$0x0] =	wrdreg $0x60  }
0xae: {  	[dreg:$0x2] =	wrdreg s24  }
0xaf: {  	[dreg:$0x3] =	wrdreg $0xA8000  }
0xb0: {  	[dreg:$0x4] =	wrdreg $0x9  }
0xb1: {  	_ =	task.clear_ibuf [dreg:s6], $0x5FFFF;
	_ =	strace $0x9000004C  }
0xb2: {  	s29 =	simm.s32 $0x9;
	_ =	strace $0x8000004E  }
0xb3: {  	_ =	swait.ge [sflag:s29], $0x1  }
0xb4: {  	[sflag:s29] =	ssyncadd.s32 $0xFFFFFFFF  }
0xb5: {  	_ =	strace $0x9000004E  }
0xb6: {  	_ =	sfence  }
0xb7: {  	s30 =	sld [smem:$0x0];
	_ =	sdelay $0x2  }
0xb8: {  	s31 =	sshll.u32 s1, $0xD;
	s1 =	sshrl.u32 s1, $0x2  }
0xb9: {  	s3 =	sand.u32 $0x4000, s31;
	s1 =	sadd.s32 s1, s30  }
0xba: {  	s0 =	sor.u32 s3, s0;
	s1 =	sshll.u32 s1, $0x11  }
0xbb: {  	s0 =	sor.u32 s1, s0  }
0xbc: {  	s0 =	sadd.s32 $0x8F2B, s0  }
0xbd: {  	[sflag:s0] =	ssyncadd.remote.s32 $0x1  }
0xbe: {  	_ =	sfence.sel $0xFFFF  }
0xbf: {  	[dreg:$0x0] =	wrdreg $0xFFFFFFFF;
	(pc) =	sbr.abs _section_cstart, $3  }
0xc0: {  	[dreg:$0x1] =	wrdreg $0xFFFFFFFF  }
0xc1: {  	_ =	task.clear_ibuf [dreg:s6], $0x2FFFF;
	_ =	strace $0x9FFFFFFF  }
0xc2: {  	(tm) =	ssettm $0x7FFFFFFF  }
0xc3: {  	_ =	shalt  }
tec
execute0_lowered:
.L_overlay_start_1:
0x0: {  	(tag) =	ssettag $0x1  }
0x1: {  	s0 =	rddreg [dreg:$0x0]  }
0x2: {  	s1 =	rddreg [dreg:$0x1]  }
0x3: {  	s3 =	simm.s32 $0x0;
	s2 =	stileid.u32;
	s5 =	srdreg.scid  }
0x4: {  	s22 =	simm.s32 $0x1400;
	s23 =	simm.s32 $0x7D;
	s28 =	simm.s32 $0x1380  }
0x5: {  	s29 =	simm.s32 $0x2700;
	s30 =	simm.s32 $0x2780;
	[smem:$0x7FF] =	sst s3  }
0x6: {  	s4 =	sadd.s32 $0x18600, s0;
	s6 =	smul.u32 $0x4E000, s2;
	s15 =	sadd.s32 $0x4600, s0  }
0x7: {  	s16 =	sadd.s32 $0xE600, s0;
	s11 =	sand.u32 $0x1, s5;
	s0 =	sadd.s32 $0x3F800, s0  }
0x8: {  	s20 =	smul.u32 $0x13800, s2;
	p0 =	sne.s32 s2, $0xF;
	_ =	strace $0x8000004D  }
0x9: {  	s7 =	ssub.s32 $0x2, s11;
	s8 =	sshll.u32 s11, $0x4;
	s17 =	smul.u32 $0x138800, s11  }
0xa: {  	s24 =	sshrl.u32 s6, $0x2;
	s25 =	sshrl.u32 s7, $0x1;
	s9 =	sor.u32 s2, s8  }
0xb: {  	s5 =	sadd.s32 s24, s1;
	s19 =	ssub.s32 s7, s25;
	s12 =	smul.u32 $0x2800, s9  }
0xc: {  	s20 =	sadd.s32 s20, s17;
	s17 =	sshrl.u32 s17, $0x3;
	s24 =	simm.s32 $0x6800  }
0xd: {  	s25 =	simm.s32 $0x1;
	s26 =	sadd.s32 $0x3000, s5;
	s31 =	sadd.s32 $0x6000, s5  }
0xe: {  	s8 =	sadd.s32 $0x9000, s5;
	s9 =	sadd.s32 $0xC000, s5;
	s10 =	sadd.s32 $0xF000, s5  }
0xf: {  	s11 =	sadd.s32 $0x12000, s5;
	s20 =	sshrl.u32 s20, $0x3;
	[dreg:$0x3] =	wrdreg s26  }
0x10: {  	s21 =	sadd.s32 s0, s17;
	s19 =	smax.u32 s19, $0x1;
	[dreg:$0x4] =	wrdreg s31  }
0x11: {  	s18 =	sshrl.u32 s12, $0x3;
	s12 =	sadd.s32 $0x138000, s1;
	s17 =	sadd.s32 s0, s20  }
0x12: {  	s13 =	sadd.s32 s15, s18;
	s14 =	sadd.s32 s16, s18;
	s18 =	sadd.s32 $0x280, s18  }
0x13: {  	s20 =	simm.s32 $0x2800;
	s26 =	simm.s32 $0x2;
	s15 =	sadd.s32 s15, s18  }
0x14: {  	v0 =	vimm.f32 $0.0e+00;
	s16 =	sadd.s32 s16, s18;
	s18 =	sadd.s32 $0x27000, s21;
	s21 =	simm.s32 $0x3  }
.LBB2_1:
0x15: {  	s31 =	simm.s32 $0x70;
	s0 =	simm.s32 $0x3C0  }
.LBB2_2:
0x16: {  	p1 =	sne.s32 s0, $0xBFC0;
	[tilespmem:s31+$0x2800] =	vst v0  }
0x17: {  	[tilespmem:s31+$0x2790] =	vst v0  }
0x18: {  	[tilespmem:s31+$0x27A0] =	vst v0  }
.Ltmp0:
0x19: {  	[tilespmem:s31+$0x27B0] =	vst v0;
	(pc) =	sbr.rel @p1 .LBB2_2-.Ltmp0, $4  }
0x1a: {  	[tilespmem:s31+$0x27C0] =	vst v0  }
0x1b: {  	[tilespmem:s31+$0x27D0] =	vst v0  }
0x1c: {  	[tilespmem:s31+$0x27E0] =	vst v0  }
0x1d: {  	[tilespmem:s31+$0x27F0] =	vst v0;
	s31 =	sshra.s32 s0, $0x2;
	s0 =	sadd.s32 $0x200, s0  }
0x1e: {  	[tilespmem:s31+$0x2800] =	vst v0  }
0x1f: {  	[tilespmem:s31+$0x2790] =	vst v0  }
0x20: {  	[tilespmem:s31+$0x27A0] =	vst v0  }
0x21: {  	[tilespmem:s31+$0x27B0] =	vst v0  }
0x22: {  	[tilespmem:s31+$0x27C0] =	vst v0  }
0x23: {  	[tilespmem:s31+$0x27D0] =	vst v0  }
0x24: {  	[tilespmem:s31+$0x27E0] =	vst v0  }
0x25: {  	[tilespmem:s31+$0x27F0] =	vst v0  }
0x26: {  	[spmem:s5] =	stream.linear.scatter [tilespmem:s20], [sflag:$0x3], $0x3000, $0x38;
	[tilespmem:$0x1E080] =	vst v63  }
0x27: {  	_ =	swait.ge [sflag:s21], $0x3000  }
0x28: {  	[sflag:s21] =	ssyncset.done $0x0  }
0x29: {  	s0 =	rddreg [dreg:$0x3];
	[sflag:s21] =	ssyncadd.s32 $0xFFFFD000  }
0x2a: {  	[spmem:s0] =	stream.linear.scatter [tilespmem:s20], [sflag:$0x3], $0x3000, $0x38;
	[tilespmem:$0x1E080] =	vst v63  }
0x2b: {  	_ =	swait.ge [sflag:s21], $0x3000  }
0x2c: {  	[sflag:s21] =	ssyncset.done $0x0  }
0x2d: {  	s2 =	rddreg [dreg:$0x4];
	[sflag:s21] =	ssyncadd.s32 $0xFFFFD000  }
0x2e: {  	[spmem:s2] =	stream.linear.scatter [tilespmem:s20], [sflag:$0x3], $0x3000, $0x38;
	[tilespmem:$0x1E080] =	vst v63  }
0x2f: {  	_ =	swait.ge [sflag:s21], $0x3000  }
0x30: {  	[sflag:s21] =	ssyncset.done $0x0  }
0x31: {  	[sflag:s21] =	ssyncadd.s32 $0xFFFFD000  }
0x32: {  	[spmem:s8] =	stream.linear.scatter [tilespmem:s20], [sflag:$0x3], $0x3000, $0x38;
	[tilespmem:$0x1E080] =	vst v63  }
0x33: {  	_ =	swait.ge [sflag:s21], $0x3000  }
0x34: {  	[sflag:s21] =	ssyncset.done $0x0  }
0x35: {  	[sflag:s21] =	ssyncadd.s32 $0xFFFFD000  }
0x36: {  	[spmem:s9] =	stream.linear.scatter [tilespmem:s20], [sflag:$0x3], $0x3000, $0x38;
	[tilespmem:$0x1E080] =	vst v63  }
0x37: {  	_ =	swait.ge [sflag:s21], $0x3000  }
0x38: {  	[sflag:s21] =	ssyncset.done $0x0  }
0x39: {  	[sflag:s21] =	ssyncadd.s32 $0xFFFFD000  }
0x3a: {  	[spmem:s10] =	stream.linear.scatter [tilespmem:s20], [sflag:$0x3], $0x3000, $0x38;
	[tilespmem:$0x1E080] =	vst v63  }
0x3b: {  	_ =	swait.ge [sflag:s21], $0x3000  }
0x3c: {  	[sflag:s21] =	ssyncset.done $0x0  }
0x3d: {  	[sflag:s21] =	ssyncadd.s32 $0xFFFFD000  }
0x3e: {  	[spmem:s11] =	stream.linear.scatter [tilespmem:s20], [sflag:$0x3], $0x1800, $0x38;
	[tilespmem:$0x1E080] =	vst v63  }
0x3f: {  	_ =	swait.ge [sflag:s21], $0x1800  }
0x40: {  	[sflag:s21] =	ssyncset.done $0x0  }
0x41: {  	s0 =	simm.s32 @!p0 $0x2800;
	[sflag:s21] =	ssyncadd.s32 $0xFFFFE800  }
0x42: {  	[spmem:s12] =	stream.linear.scatter @!p0 [tilespmem:s0], [sflag:$0x3], $0x800, $0x38;
	[tilespmem:$0x1E080] =	vst v63  }
0x43: {  	s0 =	simm.s32 @!p0 $0x3  }
0x44: {  	_ =	swait.ge @!p0 [sflag:s0], $0x800  }
0x45: {  	[sflag:s0] =	ssyncset.done @!p0 $0x0  }
0x46: {  	[sflag:s0] =	ssyncadd.s32 @!p0 $0xFFFFF800  }
0x47: {  	s6 =	simm.s32 $0x0;
	[bflag:$0x0] =	sbarrier.arrive $0xFFFF  }
0x48: {  	[tilespmem:s6], [sflag:$0x3] =	stream.linear.gather [hbm4b:s13+s6], $0x1400, $0x38;
	[tilespmem:$0x1E080] =	vst v63  }
0x49: {  	_ =	swait.ge [sflag:s21], $0x1400  }
0x4a: {  	[sflag:s21] =	ssyncset.done $0x0  }
0x4b: {  	[sflag:s21] =	ssyncadd.s32 $0xFFFFEC00  }
0x4c: {  	[tilespmem:s22], [sflag:$0x3] =	stream.linear.gather [hbm4b:s14+s6], $0x1400, $0x38;
	[tilespmem:$0x1E080] =	vst v63  }
0x4d: {  	_ =	swait.ge [sflag:s21], $0x1400  }
0x4e: {  	[sflag:s21] =	ssyncset.done $0x0  }
0x4f: {  	[sflag:s21] =	ssyncadd.s32 $0xFFFFEC00  }
0x50: {  	[tilespmem:s20], [sflag:$0x1] =	stream.indirect.gather [hbm4b:s4+s23], $0x80, s6, s23, $0xb8;
	[tilespmem:$0x1E080] =	vst v63  }
0x51: {  	s7 =	simm.s32 $0x80  }
0x52: {  	[tilespmem:s24], [sflag:$0x2] =	stream.indirect.gather [hbm4b:s4+s23], $0x80, s7, s23, $0xb8;
	[tilespmem:$0x1E080] =	vst v63  }
0x53: {  	_ =	swait.ge [sflag:s25], $0x3E80  }
0x54: {  	[sflag:s25] =	ssyncset.done $0x0  }
0x55: {  	s2 =	simm.s32 $0x1400;
	[sflag:s25] =	ssyncadd.s32 $0xFFFFC180  }
0x56: {  	[spmem:s1] =	stream.indirect.scatter.add.f32 [tilespmem:s20], [sflag:$0x3], $0x80, s2, s23, $0xb8;
	[tilespmem:$0x1E080] =	vst v63  }
0x57: {  	_ =	swait.ge [sflag:s21], $0x3E80  }
0x58: {  	[sflag:s21] =	ssyncset.done $0x0  }
0x59: {  	s6 =	simm.s32 $0x100;
	[sflag:s21] =	ssyncadd.s32 $0xFFFFC180  }
0x5a: {  	[tilespmem:s20], [sflag:$0x1] =	stream.indirect.gather [hbm4b:s4+s23], $0x80, s6, s23, $0xb8;
	[tilespmem:$0x1E080] =	vst v63  }
0x5b: {  	_ =	swait.ge [sflag:s26], $0x3E80  }
0x5c: {  	[sflag:s26] =	ssyncset.done $0x0  }
0x5d: {  	s7 =	simm.s32 $0x1480;
	[sflag:s26] =	ssyncadd.s32 $0xFFFFC180  }
0x5e: {  	[spmem:s1] =	stream.indirect.scatter.add.f32 [tilespmem:s24], [sflag:$0x3], $0x80, s7, s23, $0xb8;
	[tilespmem:$0x1E080] =	vst v63  }
0x5f: {  	_ =	swait.ge [sflag:s21], $0x3E80  }
0x60: {  	s31 =	simm.s32 $0x100;
	s0 =	simm.s32 $0x800;
	[sflag:s21] =	ssyncset.done $0x0  }
.LBB2_4:
0x61: {  	s2 =	sadd.s32 $0x80, s31  }
0x62: {  	[sflag:s21] =	ssyncadd.s32 $0xFFFFC180;
	s6 =	smov.u32 s0;
	s7 =	sadd.s32 $0x400, s0  }
0x63: {  	[tilespmem:s24], [sflag:$0x2] =	stream.indirect.gather [hbm4b:s4+s23], $0x80, s2, s23, $0xb8;
	[tilespmem:$0x1E080] =	vst v63  }
0x64: {  	p1 =	sne.s32 s0, $0x4800;
	_ =	swait.ge [sflag:s25], $0x3E80  }
0x65: {  	[sflag:s25] =	ssyncset.done $0x0  }
0x66: {  	s0 =	sadd.s32 $0x1400, s31;
	[sflag:s25] =	ssyncadd.s32 $0xFFFFC180  }
0x67: {  	[spmem:s1] =	stream.indirect.scatter.add.f32 [tilespmem:s20], [sflag:$0x3], $0x80, s0, s23, $0xb8;
	[tilespmem:$0x1E080] =	vst v63  }
0x68: {  	_ =	swait.ge [sflag:s21], $0x3E80  }
0x69: {  	[sflag:s21] =	ssyncset.done $0x0  }
0x6a: {  	s0 =	sadd.s32 $0x100, s31;
	[sflag:s21] =	ssyncadd.s32 $0xFFFFC180  }
0x6b: {  	[tilespmem:s20], [sflag:$0x1] =	stream.indirect.gather [hbm4b:s4+s23], $0x80, s0, s23, $0xb8;
	[tilespmem:$0x1E080] =	vst v63  }
0x6c: {  	_ =	swait.ge [sflag:s26], $0x3E80  }
.Ltmp1:
0x6d: {  	[sflag:s26] =	ssyncset.done $0x0;
	(pc) =	sbr.rel @p1 .LBB2_4-.Ltmp1, $4  }
0x6e: {  	s0 =	sadd.s32 $0x1480, s31;
	[sflag:s26] =	ssyncadd.s32 $0xFFFFC180  }
0x6f: {  	[spmem:s1] =	stream.indirect.scatter.add.f32 [tilespmem:s24], [sflag:$0x3], $0x80, s0, s23, $0xb8;
	[tilespmem:$0x1E080] =	vst v63  }
0x70: {  	_ =	swait.ge [sflag:s21], $0x3E80  }
0x71: {  	s31 =	sshra.s32 s6, $0x2;
	s0 =	smov.u32 s7;
	[sflag:s21] =	ssyncset.done $0x0  }
0x72: {  	s0 =	sadd.s32 $0x80, s31;
	[sflag:s21] =	ssyncadd.s32 $0xFFFFC180  }
0x73: {  	[tilespmem:s24], [sflag:$0x2] =	stream.indirect.gather [hbm4b:s4+s23], $0x80, s0, s23, $0xb8;
	[tilespmem:$0x1E080] =	vst v63  }
0x74: {  	_ =	swait.ge [sflag:s25], $0x3E80  }
0x75: {  	[sflag:s25] =	ssyncset.done $0x0  }
0x76: {  	s6 =	sadd.s32 $0x1400, s31;
	[sflag:s25] =	ssyncadd.s32 $0xFFFFC180  }
0x77: {  	[spmem:s1] =	stream.indirect.scatter.add.f32 [tilespmem:s20], [sflag:$0x3], $0x80, s6, s23, $0xb8;
	[tilespmem:$0x1E080] =	vst v63  }
0x78: {  	_ =	swait.ge [sflag:s21], $0x3E80  }
0x79: {  	[sflag:s21] =	ssyncset.done $0x0  }
0x7a: {  	s7 =	sadd.s32 $0x100, s31;
	[sflag:s21] =	ssyncadd.s32 $0xFFFFC180  }
0x7b: {  	[tilespmem:s20], [sflag:$0x1] =	stream.indirect.gather [hbm4b:s4+s23], $0x80, s7, s23, $0xb8;
	[tilespmem:$0x1E080] =	vst v63  }
0x7c: {  	_ =	swait.ge [sflag:s26], $0x3E80  }
0x7d: {  	[sflag:s26] =	ssyncset.done $0x0  }
0x7e: {  	s2 =	sadd.s32 $0x1480, s31;
	[sflag:s26] =	ssyncadd.s32 $0xFFFFC180  }
0x7f: {  	[spmem:s1] =	stream.indirect.scatter.add.f32 [tilespmem:s24], [sflag:$0x3], $0x80, s2, s23, $0xb8;
	[tilespmem:$0x1E080] =	vst v63  }
0x80: {  	_ =	swait.ge [sflag:s21], $0x3E80  }
0x81: {  	[sflag:s21] =	ssyncset.done $0x0  }
0x82: {  	[sflag:s21] =	ssyncadd.s32 $0xFFFFC180  }
0x83: {  	[tilespmem:s24], [sflag:$0x2] =	stream.indirect.gather [hbm4b:s4+s23], $0x80, s28, s23, $0xb8;
	[tilespmem:$0x1E080] =	vst v63  }
0x84: {  	_ =	swait.ge [sflag:s25], $0x3E80  }
0x85: {  	[sflag:s25] =	ssyncset.done $0x0  }
0x86: {  	[sflag:s25] =	ssyncadd.s32 $0xFFFFC180  }
0x87: {  	[spmem:s1] =	stream.indirect.scatter.add.f32 [tilespmem:s20], [sflag:$0x3], $0x80, s29, s23, $0xb8;
	[tilespmem:$0x1E080] =	vst v63  }
0x88: {  	_ =	swait.ge [sflag:s21], $0x3E80  }
0x89: {  	[sflag:s21] =	ssyncset.done $0x0  }
0x8a: {  	[sflag:s21] =	ssyncadd.s32 $0xFFFFC180  }
0x8b: {  	_ =	swait.ge [sflag:s26], $0x3E80  }
0x8c: {  	[sflag:s26] =	ssyncset.done $0x0  }
0x8d: {  	[sflag:s26] =	ssyncadd.s32 $0xFFFFC180  }
0x8e: {  	[spmem:s1] =	stream.indirect.scatter.add.f32 [tilespmem:s24], [sflag:$0x3], $0x80, s30, s23, $0xb8;
	[tilespmem:$0x1E080] =	vst v63  }
0x8f: {  	_ =	swait.ge [sflag:s21], $0x3E80  }
0x90: {  	[sflag:s21] =	ssyncset.done $0x0  }
0x91: {  	s6 =	simm.s32 $0x0;
	[sflag:s21] =	ssyncadd.s32 $0xFFFFC180  }
0x92: {  	[tilespmem:s6], [sflag:$0x3] =	stream.linear.gather [hbm4b:s15+s6], $0x1400, $0x38;
	[tilespmem:$0x1E080] =	vst v63  }
0x93: {  	_ =	swait.ge [sflag:s21], $0x1400  }
0x94: {  	[sflag:s21] =	ssyncset.done $0x0  }
0x95: {  	[sflag:s21] =	ssyncadd.s32 $0xFFFFEC00  }
0x96: {  	[tilespmem:s22], [sflag:$0x3] =	stream.linear.gather [hbm4b:s16+s6], $0x1400, $0x38;
	[tilespmem:$0x1E080] =	vst v63  }
0x97: {  	_ =	swait.ge [sflag:s21], $0x1400  }
0x98: {  	[sflag:s21] =	ssyncset.done $0x0  }
0x99: {  	[sflag:s21] =	ssyncadd.s32 $0xFFFFEC00  }
0x9a: {  	[tilespmem:s20], [sflag:$0x1] =	stream.indirect.gather [hbm4b:s4+s23], $0x80, s6, s23, $0xb8;
	[tilespmem:$0x1E080] =	vst v63  }
0x9b: {  	s7 =	simm.s32 $0x80  }
0x9c: {  	[tilespmem:s24], [sflag:$0x2] =	stream.indirect.gather [hbm4b:s4+s23], $0x80, s7, s23, $0xb8;
	[tilespmem:$0x1E080] =	vst v63  }
0x9d: {  	_ =	swait.ge [sflag:s25], $0x3E80  }
0x9e: {  	[sflag:s25] =	ssyncset.done $0x0  }
0x9f: {  	s2 =	simm.s32 $0x1400;
	[sflag:s25] =	ssyncadd.s32 $0xFFFFC180  }
0xa0: {  	[spmem:s1] =	stream.indirect.scatter.add.f32 [tilespmem:s20], [sflag:$0x3], $0x80, s2, s23, $0xb8;
	[tilespmem:$0x1E080] =	vst v63  }
0xa1: {  	_ =	swait.ge [sflag:s21], $0x3E80  }
0xa2: {  	[sflag:s21] =	ssyncset.done $0x0  }
0xa3: {  	s6 =	simm.s32 $0x100;
	[sflag:s21] =	ssyncadd.s32 $0xFFFFC180  }
0xa4: {  	[tilespmem:s20], [sflag:$0x1] =	stream.indirect.gather [hbm4b:s4+s23], $0x80, s6, s23, $0xb8;
	[tilespmem:$0x1E080] =	vst v63  }
0xa5: {  	_ =	swait.ge [sflag:s26], $0x3E80  }
0xa6: {  	[sflag:s26] =	ssyncset.done $0x0  }
0xa7: {  	s7 =	simm.s32 $0x1480;
	[sflag:s26] =	ssyncadd.s32 $0xFFFFC180  }
0xa8: {  	[spmem:s1] =	stream.indirect.scatter.add.f32 [tilespmem:s24], [sflag:$0x3], $0x80, s7, s23, $0xb8;
	[tilespmem:$0x1E080] =	vst v63  }
0xa9: {  	_ =	swait.ge [sflag:s21], $0x3E80  }
0xaa: {  	s31 =	simm.s32 $0x100;
	s0 =	simm.s32 $0x800;
	[sflag:s21] =	ssyncset.done $0x0  }
.LBB2_6:
0xab: {  	s2 =	sadd.s32 $0x80, s31  }
0xac: {  	[sflag:s21] =	ssyncadd.s32 $0xFFFFC180;
	s6 =	smov.u32 s0;
	s7 =	sadd.s32 $0x400, s0  }
0xad: {  	[tilespmem:s24], [sflag:$0x2] =	stream.indirect.gather [hbm4b:s4+s23], $0x80, s2, s23, $0xb8;
	[tilespmem:$0x1E080] =	vst v63  }
0xae: {  	p1 =	sne.s32 s0, $0x4800;
	_ =	swait.ge [sflag:s25], $0x3E80  }
0xaf: {  	[sflag:s25] =	ssyncset.done $0x0  }
0xb0: {  	s0 =	sadd.s32 $0x1400, s31;
	[sflag:s25] =	ssyncadd.s32 $0xFFFFC180  }
0xb1: {  	[spmem:s1] =	stream.indirect.scatter.add.f32 [tilespmem:s20], [sflag:$0x3], $0x80, s0, s23, $0xb8;
	[tilespmem:$0x1E080] =	vst v63  }
0xb2: {  	_ =	swait.ge [sflag:s21], $0x3E80  }
0xb3: {  	[sflag:s21] =	ssyncset.done $0x0  }
0xb4: {  	s0 =	sadd.s32 $0x100, s31;
	[sflag:s21] =	ssyncadd.s32 $0xFFFFC180  }
0xb5: {  	[tilespmem:s20], [sflag:$0x1] =	stream.indirect.gather [hbm4b:s4+s23], $0x80, s0, s23, $0xb8;
	[tilespmem:$0x1E080] =	vst v63  }
0xb6: {  	_ =	swait.ge [sflag:s26], $0x3E80  }
.Ltmp2:
0xb7: {  	[sflag:s26] =	ssyncset.done $0x0;
	(pc) =	sbr.rel @p1 .LBB2_6-.Ltmp2, $4  }
0xb8: {  	s0 =	sadd.s32 $0x1480, s31;
	[sflag:s26] =	ssyncadd.s32 $0xFFFFC180  }
0xb9: {  	[spmem:s1] =	stream.indirect.scatter.add.f32 [tilespmem:s24], [sflag:$0x3], $0x80, s0, s23, $0xb8;
	[tilespmem:$0x1E080] =	vst v63  }
0xba: {  	_ =	swait.ge [sflag:s21], $0x3E80  }
0xbb: {  	s31 =	sshra.s32 s6, $0x2;
	s0 =	smov.u32 s7;
	[sflag:s21] =	ssyncset.done $0x0  }
0xbc: {  	s0 =	sadd.s32 $0x80, s31;
	[sflag:s21] =	ssyncadd.s32 $0xFFFFC180  }
0xbd: {  	[tilespmem:s24], [sflag:$0x2] =	stream.indirect.gather [hbm4b:s4+s23], $0x80, s0, s23, $0xb8;
	[tilespmem:$0x1E080] =	vst v63  }
0xbe: {  	_ =	swait.ge [sflag:s25], $0x3E80  }
0xbf: {  	[sflag:s25] =	ssyncset.done $0x0  }
0xc0: {  	s2 =	sadd.s32 $0x1400, s31;
	[sflag:s25] =	ssyncadd.s32 $0xFFFFC180  }
0xc1: {  	[spmem:s1] =	stream.indirect.scatter.add.f32 [tilespmem:s20], [sflag:$0x3], $0x80, s2, s23, $0xb8;
	[tilespmem:$0x1E080] =	vst v63  }
0xc2: {  	_ =	swait.ge [sflag:s21], $0x3E80  }
0xc3: {  	[sflag:s21] =	ssyncset.done $0x0  }
0xc4: {  	s6 =	sadd.s32 $0x100, s31;
	[sflag:s21] =	ssyncadd.s32 $0xFFFFC180  }
0xc5: {  	[tilespmem:s20], [sflag:$0x1] =	stream.indirect.gather [hbm4b:s4+s23], $0x80, s6, s23, $0xb8;
	[tilespmem:$0x1E080] =	vst v63  }
0xc6: {  	_ =	swait.ge [sflag:s26], $0x3E80  }
0xc7: {  	[sflag:s26] =	ssyncset.done $0x0  }
0xc8: {  	s7 =	sadd.s32 $0x1480, s31;
	[sflag:s26] =	ssyncadd.s32 $0xFFFFC180  }
0xc9: {  	[spmem:s1] =	stream.indirect.scatter.add.f32 [tilespmem:s24], [sflag:$0x3], $0x80, s7, s23, $0xb8;
	[tilespmem:$0x1E080] =	vst v63  }
0xca: {  	_ =	swait.ge [sflag:s21], $0x3E80  }
0xcb: {  	[sflag:s21] =	ssyncset.done $0x0  }
0xcc: {  	[sflag:s21] =	ssyncadd.s32 $0xFFFFC180  }
0xcd: {  	[tilespmem:s24], [sflag:$0x2] =	stream.indirect.gather [hbm4b:s4+s23], $0x80, s28, s23, $0xb8;
	[tilespmem:$0x1E080] =	vst v63  }
0xce: {  	_ =	swait.ge [sflag:s25], $0x3E80  }
0xcf: {  	[sflag:s25] =	ssyncset.done $0x0  }
0xd0: {  	[sflag:s25] =	ssyncadd.s32 $0xFFFFC180  }
0xd1: {  	[spmem:s1] =	stream.indirect.scatter.add.f32 [tilespmem:s20], [sflag:$0x3], $0x80, s29, s23, $0xb8;
	[tilespmem:$0x1E080] =	vst v63  }
0xd2: {  	_ =	swait.ge [sflag:s21], $0x3E80  }
0xd3: {  	[sflag:s21] =	ssyncset.done $0x0  }
0xd4: {  	[sflag:s21] =	ssyncadd.s32 $0xFFFFC180  }
0xd5: {  	_ =	swait.ge [sflag:s26], $0x3E80  }
0xd6: {  	[sflag:s26] =	ssyncset.done $0x0  }
0xd7: {  	[sflag:s26] =	ssyncadd.s32 $0xFFFFC180  }
0xd8: {  	[spmem:s1] =	stream.indirect.scatter.add.f32 [tilespmem:s24], [sflag:$0x3], $0x80, s30, s23, $0xb8;
	[tilespmem:$0x1E080] =	vst v63  }
0xd9: {  	_ =	swait.ge [sflag:s21], $0x3E80  }
0xda: {  	s31 =	stileid.u32;
	[sflag:s21] =	ssyncset.done $0x0  }
0xdb: {  	s0 =	sshll.u32 s31, $0x6;
	[sflag:s21] =	ssyncadd.s32 $0xFFFFC180  }
0xdc: {  	s0 =	sor.u32 $0x1C03, s0;
	s2 =	sshrl.u32 s5, $0x3;
	[bflag:$0x0] =	sbarrier.arrive $0xFFFF  }
0xdd: {  	[hbm:s17], [sflag:s0] =	dma.local [spmem:s2], $0x2700  }
0xde: {  	_ =	swait.ge [sflag:s21], $0x2700  }
0xdf: {  	s3 =	sadd.s32 $0x1, s3;
	[sflag:s21] =	ssyncset.done $0x0  }
0xe0: {  	p1 =	sne.s32 s3, s19;
	s2 =	sshrl.u32 @!p0 s12, $0x3;
	[sflag:s21] =	ssyncadd.s32 $0xFFFFD900  }
0xe1: {  	[hbm:s18], [sflag:s0] =	dma.local @!p0 [spmem:s2], $0x100  }
.Ltmp3:
0xe2: {  	_ = 	snop;
	(pc) =	sbr.rel @p1 .LBB2_1-.Ltmp3, $4  }
0xe3: {  	s0 =	simm.s32 @!p0 $0x3  }
0xe4: {  	_ =	swait.ge @!p0 [sflag:s0], $0x100  }
0xe5: {  	[sflag:s0] =	ssyncset.done @!p0 $0x0  }
0xe6: {  	[sflag:s0] =	ssyncadd.s32 @!p0 $0xFFFFFF00  }
0xe7: {  	_ =	sfence.sel $0x180000  }
0xe8: {  	[bflag:$0x0] =	sbarrier.arrive $0xFFFF  }
0xe9: {  	_ =	strace $0x9000004D  }
0xea: {  	s0 =	stileid.u32;
	[bflag:$0x2] =	sbarrier.arrive $0xFFFF  }
0xeb: {  	p0 =	sne.s32 s0, $0x0;
	s0 =	rddreg [dreg:$0x2]  }
0xec: {  	s0 =	sadd.s32 @!p0 $0x100000, s0  }
0xed: {  	[sflag:s0] =	ssyncadd.tile.s32 @!p0 $0x1;
	_ =	shalt  }
.Lfunc_end2:
_tile_overlayer_lowered:
.L_overlay_start_2:
0xee: {  	(tag) =	ssettag $0x2  }
0xef: {  	s0 =	rddreg [dreg:$0x0];
	s2 =	stileid.u32  }
0xf0: {  	s1 =	rddreg [dreg:$0x1];
	p0 =	sne.s32 s2, $0x0  }
0xf1: {  	s3 =	rddreg [dreg:$0x2];
	[bflag:$0x3] =	sbarrier.arrive $0xFFFF;
	s2 =	simm.s32 @!p0 $0x1C03  }
0xf2: {  	[timem:s3], [sflag:s2] =	dma.local @!p0 [hbm:s0], s1  }
0xf3: {  	s0 =	simm.s32 @!p0 $0x3  }
0xf4: {  	_ =	swait.ge @!p0 [sflag:s0], s1  }
0xf5: {  	s1 =	ssub.s32 @!p0 $0x0, s1;
	[sflag:s0] =	ssyncset.done @!p0 $0x0  }
0xf6: {  	[sflag:s0] =	ssyncadd.s32 @!p0 s1  }
0xf7: {  	[bflag:$0x3] =	sbarrier.arrive $0xFFFF  }
0xf8: {  	_ =	shalt  }

// kernel: kernel.8.cloned.1.call-start
scs
__scs_entry_jumppad:
0x0: {  	(pc) =	sbr.rel $0x88, $3  }
0x1: {  	(tag) =	ssettag $0x0;
	lr =	simm.s32 $0x1  }
0x2: {  	[smem:$0x3F8B] =	sst lr;
	_ =	strace $0xD0000000  }
0x3: {  	_ = 	snop  }
0x4: {  	_ = 	snop  }
0x5: {  	_ = 	snop  }
0x6: {  	_ = 	snop  }
0x7: {  	_ = 	snop  }
__scs_overlays_trampoline_lowered:
0x8: {  	[smem:$0x3F9A] =	sst s0  }
0x9: {  	[smem:$0x3F9B] =	sst s1  }
0xa: {  	[smem:$0x3F9C] =	sst s2  }
0xb: {  	[smem:$0x3F9D] =	sst s3  }
0xc: {  	[smem:$0x3F9E] =	sst s4  }
0xd: {  	[smem:$0x3F9F] =	sst s5  }
0xe: {  	[smem:$0x3FA0] =	sst s6  }
0xf: {  	[smem:$0x3FA1] =	sst s7  }
0x10: {  	[smem:$0x3FA2] =	sst s8  }
0x11: {  	[smem:$0x3FA3] =	sst s9;
	s0 =	simm.s32 @!p0 $0x0  }
0x12: {  	s1 =	sld [smem:$0x3F89];
	s0 =	simm.s32 @p0 $0x1  }
0x13: {  	[smem:$0x3FA4] =	sst s0;
	s0 =	simm.s32 @!p1 $0x0  }
0x14: {  	s2 =	sld [smem:$0x3F88];
	s0 =	simm.s32 @p1 $0x1  }
0x15: {  	[smem:$0x3FA5] =	sst s0;
	s0 =	simm.s32 @!p2 $0x0  }
0x16: {  	s3 =	sld [smem:$0x3FDB];
	s0 =	simm.s32 @p2 $0x1  }
0x17: {  	s4 =	simm.s32 $0x1BF5;
	[smem:$0x3FA7] =	sst s0  }
0x18: {  	s0 =	sld [smem:$0x3F8A];
	_ =	swait.ge [sflag:s4], $0x0  }
0x19: {  	s7 =	sld [smem:$0x3F8B]  }
0x1a: {  	s8 =	sadd.s32 $0xFFFFE003, lr  }
0x1b: {  	s9 =	sadd.s32 $0xFFFFFEF7, lr;
	s5 =	simm.s32 $0xFFFFFFFF;
	p2 =	slt.u32 s8, $0xFFFFF086  }
0x1c: {  	p1 =	slt.u32 s9, $0xF7A;
	s5 =	simm.s32 @!p2 $0x0  }
0x1d: {  	s5 =	simm.s32 @p1 $0x1;
	p0 =	seq.s32 s7, s2  }
0x1e: {  	s7 =	smul.u32 @!p0 $0xF7A, s2;
	p2 =	seq.s32 @!p0 s5, $0x0  }
0x1f: {  	s9 =	smul.u32 $0xF7A, s1;
	s8 =	simm.s32 @!p0 $0x1BF5;
	p2 =	por !p2, p0  }
0x20: {  	[sflag:s8] =	ssyncset.s32 @!p0 $0xFFFFF086;
	s6 =	sadd.s32 @!p0 s3, s7;
	s7 =	simm.s32 @!p0 $0x108  }
0x21: {  	s3 =	sadd.s32 s3, s9;
	s6 =	sadd.s32 @!p0 $0x88, s6;
	s7 =	simm.s32 @p2 $0x1082  }
0x22: {  	[simem:s7], [sflag:s8] =	dma.local @!p0 [hbm:s6], $0xF7A  }
0x23: {  	s9 =	sor.u32 $0xD0000000, s2;
	s6 =	simm.s32 $0x108;
	_ =	swait.ge @!p0 [sflag:s8], $0x0  }
0x24: {  	s3 =	sadd.s32 $0x88, s3;
	s6 =	simm.s32 @!p1 $0x1082;
	[sflag:s4] =	ssyncset.s32 $0xFFFFF086  }
0x25: {  	[simem:s6], [sflag:s4] =	dma.local [hbm:s3], $0xF7A  }
0x26: {  	[smem:$0x3F8B] =	sst s1;
	(tag) =	ssettag s2;
	_ =	strace s9  }
0x27: {  	s1 =	sld [smem:$0x3F9B]  }
0x28: {  	s2 =	sld [smem:$0x3F9C]  }
0x29: {  	s4 =	sld [smem:$0x3F9E]  }
0x2a: {  	p0 =	seq.s32 s5, $0x0;
	s5 =	sld [smem:$0x3F9F]  }
0x2b: {  	s6 =	sld [smem:$0x3FA0]  }
0x2c: {  	s7 =	sld [smem:$0x3FA1]  }
0x2d: {  	s3 =	simm.s32 $0x108;
	s8 =	sld [smem:$0x3FA2]  }
0x2e: {  	s3 =	simm.s32 @!p0 $0x1082;
	s9 =	sld [smem:$0x3FA3]  }
0x2f: {  	lr =	sadd.s32 s0, s3;
	s0 =	sld [smem:$0x3F9A]  }
0x30: {  	s3 =	sld [smem:$0x3F9D]  }
0x31: {  	[smem:$0x3FA6] =	sst s10  }
0x32: {  	s10 =	sld [smem:$0x3FA4];
	_ =	sdelay $0x3  }
0x33: {  	p0 =	seq.s32 s10, $0x1;
	s10 =	sld [smem:$0x3FA6];
	_ =	sdelay $0x3  }
0x34: {  	[smem:$0x3FA6] =	sst s10  }
0x35: {  	s10 =	sld [smem:$0x3FA5];
	_ =	sdelay $0x3  }
0x36: {  	p1 =	seq.s32 s10, $0x1;
	s10 =	sld [smem:$0x3FA6];
	_ =	sdelay $0x3  }
0x37: {  	[smem:$0x3FA6] =	sst s10  }
0x38: {  	s10 =	sld [smem:$0x3FA7]  }
0x39: {  	_ = 	snop;
	(pc) =	sbr.ind lr, $3  }
0x3a: {  	_ = 	snop  }
0x3b: {  	_ = 	snop  }
0x3c: {  	p2 =	seq.s32 s10, $0x1;
	s10 =	sld [smem:$0x3FA6]  }
0x3d: {  	_ =	shalt  }
0x3e: {  	_ =	shalt  }
0x3f: {  	_ =	shalt  }
0x40: {  	_ =	shalt  }
0x41: {  	_ =	shalt  }
0x42: {  	_ =	shalt  }
0x43: {  	_ =	shalt  }
0x44: {  	_ =	shalt  }
0x45: {  	_ =	shalt  }
0x46: {  	_ =	shalt  }
0x47: {  	_ =	shalt  }
0x48: {  	_ =	shalt  }
0x49: {  	_ =	shalt  }
0x4a: {  	_ =	shalt  }
0x4b: {  	_ =	shalt  }
0x4c: {  	_ =	shalt  }
0x4d: {  	_ =	shalt  }
0x4e: {  	_ =	shalt  }
0x4f: {  	_ =	shalt  }
0x50: {  	_ =	shalt  }
0x51: {  	_ =	shalt  }
0x52: {  	_ =	shalt  }
0x53: {  	_ =	shalt  }
0x54: {  	_ =	shalt  }
0x55: {  	_ =	shalt  }
0x56: {  	_ =	shalt  }
0x57: {  	_ =	shalt  }
0x58: {  	_ =	shalt  }
0x59: {  	_ =	shalt  }
0x5a: {  	_ =	shalt  }
0x5b: {  	_ =	shalt  }
0x5c: {  	_ =	shalt  }
0x5d: {  	_ =	shalt  }
0x5e: {  	_ =	shalt  }
0x5f: {  	_ =	shalt  }
0x60: {  	_ =	shalt  }
0x61: {  	_ =	shalt  }
0x62: {  	_ =	shalt  }
0x63: {  	_ =	shalt  }
0x64: {  	_ =	shalt  }
0x65: {  	_ =	shalt  }
0x66: {  	_ =	shalt  }
0x67: {  	_ =	shalt  }
0x68: {  	_ =	shalt  }
0x69: {  	_ =	shalt  }
0x6a: {  	_ =	shalt  }
0x6b: {  	_ =	shalt  }
0x6c: {  	_ =	shalt  }
0x6d: {  	_ =	shalt  }
0x6e: {  	_ =	shalt  }
0x6f: {  	_ =	shalt  }
0x70: {  	_ =	shalt  }
0x71: {  	_ =	shalt  }
0x72: {  	_ =	shalt  }
0x73: {  	_ =	shalt  }
0x74: {  	_ =	shalt  }
0x75: {  	_ =	shalt  }
0x76: {  	_ =	shalt  }
0x77: {  	_ =	shalt  }
0x78: {  	_ =	shalt  }
0x79: {  	_ =	shalt  }
0x7a: {  	_ =	shalt  }
0x7b: {  	_ =	shalt  }
0x7c: {  	_ =	shalt  }
0x7d: {  	_ =	shalt  }
0x7e: {  	_ =	shalt  }
0x7f: {  	_ =	shalt  }
0x80: {  	_ =	shalt  }
0x81: {  	_ =	shalt  }
0x82: {  	_ =	shalt  }
0x83: {  	_ =	shalt  }
0x84: {  	_ =	shalt  }
0x85: {  	_ =	shalt  }
0x86: {  	_ =	shalt  }
0x87: {  	_ =	shalt  }
.Lfunc_end0:
.L_simem_size_0:
called_computation_lowered:
.L_overlay_start_0:
0x88: {  	s2 =	sld [smem:$0x3FD9]  }
0x89: {  	s3 =	sld [smem:$0x3FFE];
	_ =	sdelay $0x1  }
0x8a: {  	s1 =	srdreg.scid  }
0x8b: {  	s0 =	sand.u32 $0x1, s1  }
0x8c: {  	s17 =	sshll.u32 s0, $0xA;
	s2 =	sadd.s32 s3, s2  }
0x8d: {  	s2 =	sadd.s32 s2, s17  }
0x8e: {  	[smem:$0x3FB2] =	sst s2  }
0x8f: {  	_ = 	snop  }
0x90: {  	s2 =	sld [smem:$0x3FC9];
	(tm) =	ssettm $0x1  }
0x91: {  	s18 =	sld [smem:$0x3FFB];
	_ =	sdelay $0x3  }
0x92: {  	_ =	strace s18  }
0x93: {  	s3 =	sld [smem:$0x3FFC];
	_ =	sdelay $0x3  }
0x94: {  	_ =	strace s3  }
0x95: {  	s3 =	sld [smem:$0x3FFD];
	_ =	sdelay $0x3  }
0x96: {  	_ =	strace s3  }
0x97: {  	_ =	strace $0x8FFFFFFF  }
0x98: {  	s19 =	sld [smem:$0x3FDB];
	_ =	sdelay $0x1  }
0x99: {  	s4 =	simm.s32 $_scs_section_size  }
0x9a: {  	s5 =	simm.s32 $_size__tile_overlayer_lowered;
	s6 =	simm.s32 $_tile_overlayer_lowered  }
0x9b: {  	s22 =	simm.s32 $0x1BFF;
	s21 =	sshll.u32 s6, $0x1;
	s3 =	sadd.s32 s4, s19  }
0x9c: {  	s7 =	simm.s32 $0x0;
	s20 =	sshll.u32 s5, $0x1;
	s5 =	sadd.s32 s21, s3  }
0x9d: {  	[timem:s7], [sflag:s22] =	dma.local [hbm:s5], s20  }
0x9e: {  	_ =	swait.ge [sflag:s22], s20  }
0x9f: {  	s4 =	ssub.s32 $0x0, s20;
	[sflag:s22] =	ssyncset.done $0x0  }
0xa0: {  	[sflag:s22] =	ssyncadd.s32 s4;
	_ =	sdelay $0x1  }
0xa1: {  	s23 =	simm.s32 $0x1B8B  }
0xa2: {  	_ =	swait.ge [sflag:s23], $0x1  }
0xa3: {  	[sflag:s23] =	ssyncset.done $0x0  }
0xa4: {  	s25 =	simm.s32 $0x1B8E;
	s24 =	sld [smem:$0x3FFE];
	[sflag:s23] =	ssyncadd.s32 $0xFFFFFFFF  }
0xa5: {  	s26 =	simm.s32 $execute0_lowered;
	[smem:$0x3FD2] =	sst s25  }
0xa6: {  	s5 =	sshll.u32 s26, $0x1;
	_ =	strace $0x80000046;
	[dreg:$0x1] =	wrdreg $0xFFFFFFFF  }
0xa7: {  	s28 =	simm.s32 $_size_execute0_lowered;
	s3 =	sadd.s32 s3, s5;
	[dreg:$0x0] =	wrdreg $0x0  }
0xa8: {  	s5 =	sshll.u32 s28, $0x1;
	[dreg:$0x2] =	wrdreg s3  }
0xa9: {  	[dreg:$0x3] =	wrdreg s5  }
0xaa: {  	[dreg:$0x4] =	wrdreg $0xC0  }
0xab: {  	_ =	task [dreg:s7], $0x5FFFF  }
0xac: {  	[dreg:$0x1] =	wrdreg $0xFFFFFFFF  }
0xad: {  	[dreg:$0x0] =	wrdreg $0x60  }
0xae: {  	[dreg:$0x2] =	wrdreg s2  }
0xaf: {  	[dreg:$0x3] =	wrdreg s24  }
0xb0: {  	[dreg:$0x4] =	wrdreg $0xA8000  }
0xb1: {  	[dreg:$0x5] =	wrdreg $0x9  }
0xb2: {  	_ =	task.clear_ibuf [dreg:s7], $0x6FFFF;
	_ =	strace $0x90000046  }
0xb3: {  	s29 =	simm.s32 $0x9;
	_ =	strace $0x80000048  }
0xb4: {  	_ =	swait.ge [sflag:s29], $0x1  }
0xb5: {  	[sflag:s29] =	ssyncadd.s32 $0xFFFFFFFF  }
0xb6: {  	_ =	strace $0x90000048  }
0xb7: {  	_ =	sfence  }
0xb8: {  	s30 =	sld [smem:$0x0];
	_ =	sdelay $0x2  }
0xb9: {  	s31 =	sshll.u32 s1, $0xD;
	s1 =	sshrl.u32 s1, $0x2  }
0xba: {  	s3 =	sand.u32 $0x4000, s31;
	s1 =	sadd.s32 s1, s30  }
0xbb: {  	s0 =	sor.u32 s3, s0;
	s1 =	sshll.u32 s1, $0x11  }
0xbc: {  	s0 =	sor.u32 s1, s0  }
0xbd: {  	s0 =	sadd.s32 $0x8F2B, s0  }
0xbe: {  	[sflag:s0] =	ssyncadd.remote.s32 $0x1  }
0xbf: {  	_ =	sfence.sel $0xFFFF  }
0xc0: {  	[dreg:$0x0] =	wrdreg $0xFFFFFFFF;
	(pc) =	sbr.abs _section_cstart, $3  }
0xc1: {  	[dreg:$0x1] =	wrdreg $0xFFFFFFFF  }
0xc2: {  	_ =	task.clear_ibuf [dreg:s7], $0x2FFFF;
	_ =	strace $0x9FFFFFFF  }
0xc3: {  	(tm) =	ssettm $0x7FFFFFFF  }
tec
execute0_lowered:
.L_overlay_start_1:
0x0: {  	(tag) =	ssettag $0x1  }
0x1: {  	s1 =	rddreg [dreg:$0x0]  }
0x2: {  	s0 =	rddreg [dreg:$0x1]  }
0x3: {  	s3 =	rddreg [dreg:$0x2];
	s4 =	simm.s32 $0x0;
	s2 =	stileid.u32  }
0x4: {  	s5 =	srdreg.scid;
	s22 =	simm.s32 $0x1400;
	s23 =	simm.s32 $0x7D  }
0x5: {  	s28 =	simm.s32 $0x1380;
	s29 =	simm.s32 $0x2700;
	s30 =	simm.s32 $0x2780  }
0x6: {  	[smem:$0x7FF] =	sst s4;
	s6 =	smul.u32 $0x4E000, s2;
	s15 =	sadd.s32 $0x4600, s0  }
0x7: {  	s16 =	sadd.s32 $0xE600, s0;
	s11 =	sand.u32 $0x1, s5;
	s0 =	sadd.s32 $0x18600, s0  }
0x8: {  	s20 =	smul.u32 $0x13800, s2;
	p0 =	sne.s32 s2, $0xF;
	_ =	strace $0x80000047  }
0x9: {  	s7 =	ssub.s32 $0x2, s11;
	s8 =	sshll.u32 s11, $0x4;
	s17 =	smul.u32 $0x138800, s11  }
0xa: {  	s24 =	sshrl.u32 s6, $0x2;
	s25 =	sshrl.u32 s7, $0x1;
	s9 =	sor.u32 s2, s8  }
0xb: {  	s5 =	sadd.s32 s24, s3;
	s19 =	ssub.s32 s7, s25;
	s12 =	smul.u32 $0x2800, s9  }
0xc: {  	s20 =	sadd.s32 s20, s17;
	s17 =	sshrl.u32 s17, $0x3;
	s24 =	simm.s32 $0x6800  }
0xd: {  	s25 =	simm.s32 $0x1;
	s26 =	sadd.s32 $0x3000, s5;
	s31 =	sadd.s32 $0x6000, s5  }
0xe: {  	s8 =	sadd.s32 $0x9000, s5;
	s9 =	sadd.s32 $0xC000, s5;
	s10 =	sadd.s32 $0xF000, s5  }
0xf: {  	s11 =	sadd.s32 $0x12000, s5;
	s20 =	sshrl.u32 s20, $0x3;
	[dreg:$0x4] =	wrdreg s26  }
0x10: {  	s21 =	sadd.s32 s0, s17;
	s19 =	smax.u32 s19, $0x1;
	[dreg:$0x5] =	wrdreg s31  }
0x11: {  	s18 =	sshrl.u32 s12, $0x3;
	s12 =	sadd.s32 $0x138000, s3;
	s17 =	sadd.s32 s0, s20  }
0x12: {  	s13 =	sadd.s32 s15, s18;
	s14 =	sadd.s32 s16, s18;
	s18 =	sadd.s32 $0x280, s18  }
0x13: {  	s20 =	simm.s32 $0x2800;
	s26 =	simm.s32 $0x2;
	s15 =	sadd.s32 s15, s18  }
0x14: {  	v0 =	vimm.f32 $0.0e+00;
	s16 =	sadd.s32 s16, s18;
	s18 =	sadd.s32 $0x27000, s21;
	s21 =	simm.s32 $0x3  }
.LBB2_1:
0x15: {  	s31 =	simm.s32 $0x70;
	s0 =	simm.s32 $0x3C0  }
.LBB2_2:
0x16: {  	p1 =	sne.s32 s0, $0xBFC0;
	[tilespmem:s31+$0x2800] =	vst v0  }
0x17: {  	[tilespmem:s31+$0x2790] =	vst v0  }
0x18: {  	[tilespmem:s31+$0x27A0] =	vst v0  }
.Ltmp0:
0x19: {  	[tilespmem:s31+$0x27B0] =	vst v0;
	(pc) =	sbr.rel @p1 .LBB2_2-.Ltmp0, $4  }
0x1a: {  	[tilespmem:s31+$0x27C0] =	vst v0  }
0x1b: {  	[tilespmem:s31+$0x27D0] =	vst v0  }
0x1c: {  	[tilespmem:s31+$0x27E0] =	vst v0  }
0x1d: {  	[tilespmem:s31+$0x27F0] =	vst v0;
	s31 =	sshra.s32 s0, $0x2;
	s0 =	sadd.s32 $0x200, s0  }
0x1e: {  	[tilespmem:s31+$0x2800] =	vst v0  }
0x1f: {  	[tilespmem:s31+$0x2790] =	vst v0  }
0x20: {  	[tilespmem:s31+$0x27A0] =	vst v0  }
0x21: {  	[tilespmem:s31+$0x27B0] =	vst v0  }
0x22: {  	[tilespmem:s31+$0x27C0] =	vst v0  }
0x23: {  	[tilespmem:s31+$0x27D0] =	vst v0  }
0x24: {  	[tilespmem:s31+$0x27E0] =	vst v0  }
0x25: {  	[tilespmem:s31+$0x27F0] =	vst v0  }
0x26: {  	[spmem:s5] =	stream.linear.scatter [tilespmem:s20], [sflag:$0x3], $0x3000, $0x38;
	[tilespmem:$0x1E080] =	vst v63  }
0x27: {  	_ =	swait.ge [sflag:s21], $0x3000  }
0x28: {  	[sflag:s21] =	ssyncset.done $0x0  }
0x29: {  	s0 =	rddreg [dreg:$0x4];
	[sflag:s21] =	ssyncadd.s32 $0xFFFFD000  }
0x2a: {  	[spmem:s0] =	stream.linear.scatter [tilespmem:s20], [sflag:$0x3], $0x3000, $0x38;
	[tilespmem:$0x1E080] =	vst v63  }
0x2b: {  	_ =	swait.ge [sflag:s21], $0x3000  }
0x2c: {  	[sflag:s21] =	ssyncset.done $0x0  }
0x2d: {  	s2 =	rddreg [dreg:$0x5];
	[sflag:s21] =	ssyncadd.s32 $0xFFFFD000  }
0x2e: {  	[spmem:s2] =	stream.linear.scatter [tilespmem:s20], [sflag:$0x3], $0x3000, $0x38;
	[tilespmem:$0x1E080] =	vst v63  }
0x2f: {  	_ =	swait.ge [sflag:s21], $0x3000  }
0x30: {  	[sflag:s21] =	ssyncset.done $0x0  }
0x31: {  	[sflag:s21] =	ssyncadd.s32 $0xFFFFD000  }
0x32: {  	[spmem:s8] =	stream.linear.scatter [tilespmem:s20], [sflag:$0x3], $0x3000, $0x38;
	[tilespmem:$0x1E080] =	vst v63  }
0x33: {  	_ =	swait.ge [sflag:s21], $0x3000  }
0x34: {  	[sflag:s21] =	ssyncset.done $0x0  }
0x35: {  	[sflag:s21] =	ssyncadd.s32 $0xFFFFD000  }
0x36: {  	[spmem:s9] =	stream.linear.scatter [tilespmem:s20], [sflag:$0x3], $0x3000, $0x38;
	[tilespmem:$0x1E080] =	vst v63  }
0x37: {  	_ =	swait.ge [sflag:s21], $0x3000  }
0x38: {  	[sflag:s21] =	ssyncset.done $0x0  }
0x39: {  	[sflag:s21] =	ssyncadd.s32 $0xFFFFD000  }
0x3a: {  	[spmem:s10] =	stream.linear.scatter [tilespmem:s20], [sflag:$0x3], $0x3000, $0x38;
	[tilespmem:$0x1E080] =	vst v63  }
0x3b: {  	_ =	swait.ge [sflag:s21], $0x3000  }
0x3c: {  	[sflag:s21] =	ssyncset.done $0x0  }
0x3d: {  	[sflag:s21] =	ssyncadd.s32 $0xFFFFD000  }
0x3e: {  	[spmem:s11] =	stream.linear.scatter [tilespmem:s20], [sflag:$0x3], $0x1800, $0x38;
	[tilespmem:$0x1E080] =	vst v63  }
0x3f: {  	_ =	swait.ge [sflag:s21], $0x1800  }
0x40: {  	[sflag:s21] =	ssyncset.done $0x0  }
0x41: {  	s0 =	simm.s32 @!p0 $0x2800;
	[sflag:s21] =	ssyncadd.s32 $0xFFFFE800  }
0x42: {  	[spmem:s12] =	stream.linear.scatter @!p0 [tilespmem:s0], [sflag:$0x3], $0x800, $0x38;
	[tilespmem:$0x1E080] =	vst v63  }
0x43: {  	s0 =	simm.s32 @!p0 $0x3  }
0x44: {  	_ =	swait.ge @!p0 [sflag:s0], $0x800  }
0x45: {  	[sflag:s0] =	ssyncset.done @!p0 $0x0  }
0x46: {  	[sflag:s0] =	ssyncadd.s32 @!p0 $0xFFFFF800  }
0x47: {  	s6 =	simm.s32 $0x0;
	[bflag:$0x0] =	sbarrier.arrive $0xFFFF  }
0x48: {  	[tilespmem:s6], [sflag:$0x3] =	stream.linear.gather [hbm4b:s13+s6], $0x1400, $0x38;
	[tilespmem:$0x1E080] =	vst v63  }
0x49: {  	_ =	swait.ge [sflag:s21], $0x1400  }
0x4a: {  	[sflag:s21] =	ssyncset.done $0x0  }
0x4b: {  	[sflag:s21] =	ssyncadd.s32 $0xFFFFEC00  }
0x4c: {  	[tilespmem:s22], [sflag:$0x3] =	stream.linear.gather [hbm4b:s14+s6], $0x1400, $0x38;
	[tilespmem:$0x1E080] =	vst v63  }
0x4d: {  	_ =	swait.ge [sflag:s21], $0x1400  }
0x4e: {  	[sflag:s21] =	ssyncset.done $0x0  }
0x4f: {  	[sflag:s21] =	ssyncadd.s32 $0xFFFFEC00  }
0x50: {  	[tilespmem:s20], [sflag:$0x1] =	stream.indirect.gather [hbm4b:s1+s23], $0x80, s6, s23, $0xb8;
	[tilespmem:$0x1E080] =	vst v63  }
0x51: {  	s7 =	simm.s32 $0x80  }
0x52: {  	[tilespmem:s24], [sflag:$0x2] =	stream.indirect.gather [hbm4b:s1+s23], $0x80, s7, s23, $0xb8;
	[tilespmem:$0x1E080] =	vst v63  }
0x53: {  	_ =	swait.ge [sflag:s25], $0x3E80  }
0x54: {  	[sflag:s25] =	ssyncset.done $0x0  }
0x55: {  	s2 =	simm.s32 $0x1400;
	[sflag:s25] =	ssyncadd.s32 $0xFFFFC180  }
0x56: {  	[spmem:s3] =	stream.indirect.scatter.add.f32 [tilespmem:s20], [sflag:$0x3], $0x80, s2, s23, $0xb8;
	[tilespmem:$0x1E080] =	vst v63  }
0x57: {  	_ =	swait.ge [sflag:s21], $0x3E80  }
0x58: {  	[sflag:s21] =	ssyncset.done $0x0  }
0x59: {  	s6 =	simm.s32 $0x100;
	[sflag:s21] =	ssyncadd.s32 $0xFFFFC180  }
0x5a: {  	[tilespmem:s20], [sflag:$0x1] =	stream.indirect.gather [hbm4b:s1+s23], $0x80, s6, s23, $0xb8;
	[tilespmem:$0x1E080] =	vst v63  }
0x5b: {  	_ =	swait.ge [sflag:s26], $0x3E80  }
0x5c: {  	[sflag:s26] =	ssyncset.done $0x0  }
0x5d: {  	s7 =	simm.s32 $0x1480;
	[sflag:s26] =	ssyncadd.s32 $0xFFFFC180  }
0x5e: {  	[spmem:s3] =	stream.indirect.scatter.add.f32 [tilespmem:s24], [sflag:$0x3], $0x80, s7, s23, $0xb8;
	[tilespmem:$0x1E080] =	vst v63  }
0x5f: {  	_ =	swait.ge [sflag:s21], $0x3E80  }
0x60: {  	s31 =	simm.s32 $0x100;
	s0 =	simm.s32 $0x800;
	[sflag:s21] =	ssyncset.done $0x0  }
.LBB2_4:
0x61: {  	s2 =	sadd.s32 $0x80, s31  }
0x62: {  	[sflag:s21] =	ssyncadd.s32 $0xFFFFC180;
	s6 =	smov.u32 s0;
	s7 =	sadd.s32 $0x400, s0  }
0x63: {  	[tilespmem:s24], [sflag:$0x2] =	stream.indirect.gather [hbm4b:s1+s23], $0x80, s2, s23, $0xb8;
	[tilespmem:$0x1E080] =	vst v63  }
0x64: {  	p1 =	sne.s32 s0, $0x4800;
	_ =	swait.ge [sflag:s25], $0x3E80  }
0x65: {  	[sflag:s25] =	ssyncset.done $0x0  }
0x66: {  	s0 =	sadd.s32 $0x1400, s31;
	[sflag:s25] =	ssyncadd.s32 $0xFFFFC180  }
0x67: {  	[spmem:s3] =	stream.indirect.scatter.add.f32 [tilespmem:s20], [sflag:$0x3], $0x80, s0, s23, $0xb8;
	[tilespmem:$0x1E080] =	vst v63  }
0x68: {  	_ =	swait.ge [sflag:s21], $0x3E80  }
0x69: {  	[sflag:s21] =	ssyncset.done $0x0  }
0x6a: {  	s0 =	sadd.s32 $0x100, s31;
	[sflag:s21] =	ssyncadd.s32 $0xFFFFC180  }
0x6b: {  	[tilespmem:s20], [sflag:$0x1] =	stream.indirect.gather [hbm4b:s1+s23], $0x80, s0, s23, $0xb8;
	[tilespmem:$0x1E080] =	vst v63  }
0x6c: {  	_ =	swait.ge [sflag:s26], $0x3E80  }
.Ltmp1:
0x6d: {  	[sflag:s26] =	ssyncset.done $0x0;
	(pc) =	sbr.rel @p1 .LBB2_4-.Ltmp1, $4  }
0x6e: {  	s0 =	sadd.s32 $0x1480, s31;
	[sflag:s26] =	ssyncadd.s32 $0xFFFFC180  }
0x6f: {  	[spmem:s3] =	stream.indirect.scatter.add.f32 [tilespmem:s24], [sflag:$0x3], $0x80, s0, s23, $0xb8;
	[tilespmem:$0x1E080] =	vst v63  }
0x70: {  	_ =	swait.ge [sflag:s21], $0x3E80  }
0x71: {  	s31 =	sshra.s32 s6, $0x2;
	s0 =	smov.u32 s7;
	[sflag:s21] =	ssyncset.done $0x0  }
0x72: {  	s0 =	sadd.s32 $0x80, s31;
	[sflag:s21] =	ssyncadd.s32 $0xFFFFC180  }
0x73: {  	[tilespmem:s24], [sflag:$0x2] =	stream.indirect.gather [hbm4b:s1+s23], $0x80, s0, s23, $0xb8;
	[tilespmem:$0x1E080] =	vst v63  }
0x74: {  	_ =	swait.ge [sflag:s25], $0x3E80  }
0x75: {  	[sflag:s25] =	ssyncset.done $0x0  }
0x76: {  	s6 =	sadd.s32 $0x1400, s31;
	[sflag:s25] =	ssyncadd.s32 $0xFFFFC180  }
0x77: {  	[spmem:s3] =	stream.indirect.scatter.add.f32 [tilespmem:s20], [sflag:$0x3], $0x80, s6, s23, $0xb8;
	[tilespmem:$0x1E080] =	vst v63  }
0x78: {  	_ =	swait.ge [sflag:s21], $0x3E80  }
0x79: {  	[sflag:s21] =	ssyncset.done $0x0  }
0x7a: {  	s7 =	sadd.s32 $0x100, s31;
	[sflag:s21] =	ssyncadd.s32 $0xFFFFC180  }
0x7b: {  	[tilespmem:s20], [sflag:$0x1] =	stream.indirect.gather [hbm4b:s1+s23], $0x80, s7, s23, $0xb8;
	[tilespmem:$0x1E080] =	vst v63  }
0x7c: {  	_ =	swait.ge [sflag:s26], $0x3E80  }
0x7d: {  	[sflag:s26] =	ssyncset.done $0x0  }
0x7e: {  	s2 =	sadd.s32 $0x1480, s31;
	[sflag:s26] =	ssyncadd.s32 $0xFFFFC180  }
0x7f: {  	[spmem:s3] =	stream.indirect.scatter.add.f32 [tilespmem:s24], [sflag:$0x3], $0x80, s2, s23, $0xb8;
	[tilespmem:$0x1E080] =	vst v63  }
0x80: {  	_ =	swait.ge [sflag:s21], $0x3E80  }
0x81: {  	[sflag:s21] =	ssyncset.done $0x0  }
0x82: {  	[sflag:s21] =	ssyncadd.s32 $0xFFFFC180  }
0x83: {  	[tilespmem:s24], [sflag:$0x2] =	stream.indirect.gather [hbm4b:s1+s23], $0x80, s28, s23, $0xb8;
	[tilespmem:$0x1E080] =	vst v63  }
0x84: {  	_ =	swait.ge [sflag:s25], $0x3E80  }
0x85: {  	[sflag:s25] =	ssyncset.done $0x0  }
0x86: {  	[sflag:s25] =	ssyncadd.s32 $0xFFFFC180  }
0x87: {  	[spmem:s3] =	stream.indirect.scatter.add.f32 [tilespmem:s20], [sflag:$0x3], $0x80, s29, s23, $0xb8;
	[tilespmem:$0x1E080] =	vst v63  }
0x88: {  	_ =	swait.ge [sflag:s21], $0x3E80  }
0x89: {  	[sflag:s21] =	ssyncset.done $0x0  }
0x8a: {  	[sflag:s21] =	ssyncadd.s32 $0xFFFFC180  }
0x8b: {  	_ =	swait.ge [sflag:s26], $0x3E80  }
0x8c: {  	[sflag:s26] =	ssyncset.done $0x0  }
0x8d: {  	[sflag:s26] =	ssyncadd.s32 $0xFFFFC180  }
0x8e: {  	[spmem:s3] =	stream.indirect.scatter.add.f32 [tilespmem:s24], [sflag:$0x3], $0x80, s30, s23, $0xb8;
	[tilespmem:$0x1E080] =	vst v63  }
0x8f: {  	_ =	swait.ge [sflag:s21], $0x3E80  }
0x90: {  	[sflag:s21] =	ssyncset.done $0x0  }
0x91: {  	s6 =	simm.s32 $0x0;
	[sflag:s21] =	ssyncadd.s32 $0xFFFFC180  }
0x92: {  	[tilespmem:s6], [sflag:$0x3] =	stream.linear.gather [hbm4b:s15+s6], $0x1400, $0x38;
	[tilespmem:$0x1E080] =	vst v63  }
0x93: {  	_ =	swait.ge [sflag:s21], $0x1400  }
0x94: {  	[sflag:s21] =	ssyncset.done $0x0  }
0x95: {  	[sflag:s21] =	ssyncadd.s32 $0xFFFFEC00  }
0x96: {  	[tilespmem:s22], [sflag:$0x3] =	stream.linear.gather [hbm4b:s16+s6], $0x1400, $0x38;
	[tilespmem:$0x1E080] =	vst v63  }
0x97: {  	_ =	swait.ge [sflag:s21], $0x1400  }
0x98: {  	[sflag:s21] =	ssyncset.done $0x0  }
0x99: {  	[sflag:s21] =	ssyncadd.s32 $0xFFFFEC00  }
0x9a: {  	[tilespmem:s20], [sflag:$0x1] =	stream.indirect.gather [hbm4b:s1+s23], $0x80, s6, s23, $0xb8;
	[tilespmem:$0x1E080] =	vst v63  }
0x9b: {  	s7 =	simm.s32 $0x80  }
0x9c: {  	[tilespmem:s24], [sflag:$0x2] =	stream.indirect.gather [hbm4b:s1+s23], $0x80, s7, s23, $0xb8;
	[tilespmem:$0x1E080] =	vst v63  }
0x9d: {  	_ =	swait.ge [sflag:s25], $0x3E80  }
0x9e: {  	[sflag:s25] =	ssyncset.done $0x0  }
0x9f: {  	s2 =	simm.s32 $0x1400;
	[sflag:s25] =	ssyncadd.s32 $0xFFFFC180  }
0xa0: {  	[spmem:s3] =	stream.indirect.scatter.add.f32 [tilespmem:s20], [sflag:$0x3], $0x80, s2, s23, $0xb8;
	[tilespmem:$0x1E080] =	vst v63  }
0xa1: {  	_ =	swait.ge [sflag:s21], $0x3E80  }
0xa2: {  	[sflag:s21] =	ssyncset.done $0x0  }
0xa3: {  	s6 =	simm.s32 $0x100;
	[sflag:s21] =	ssyncadd.s32 $0xFFFFC180  }
0xa4: {  	[tilespmem:s20], [sflag:$0x1] =	stream.indirect.gather [hbm4b:s1+s23], $0x80, s6, s23, $0xb8;
	[tilespmem:$0x1E080] =	vst v63  }
0xa5: {  	_ =	swait.ge [sflag:s26], $0x3E80  }
0xa6: {  	[sflag:s26] =	ssyncset.done $0x0  }
0xa7: {  	s7 =	simm.s32 $0x1480;
	[sflag:s26] =	ssyncadd.s32 $0xFFFFC180  }
0xa8: {  	[spmem:s3] =	stream.indirect.scatter.add.f32 [tilespmem:s24], [sflag:$0x3], $0x80, s7, s23, $0xb8;
	[tilespmem:$0x1E080] =	vst v63  }
0xa9: {  	_ =	swait.ge [sflag:s21], $0x3E80  }
0xaa: {  	s31 =	simm.s32 $0x100;
	s0 =	simm.s32 $0x800;
	[sflag:s21] =	ssyncset.done $0x0  }
.LBB2_6:
0xab: {  	s2 =	sadd.s32 $0x80, s31  }
0xac: {  	[sflag:s21] =	ssyncadd.s32 $0xFFFFC180;
	s6 =	smov.u32 s0;
	s7 =	sadd.s32 $0x400, s0  }
0xad: {  	[tilespmem:s24], [sflag:$0x2] =	stream.indirect.gather [hbm4b:s1+s23], $0x80, s2, s23, $0xb8;
	[tilespmem:$0x1E080] =	vst v63  }
0xae: {  	p1 =	sne.s32 s0, $0x4800;
	_ =	swait.ge [sflag:s25], $0x3E80  }
0xaf: {  	[sflag:s25] =	ssyncset.done $0x0  }
0xb0: {  	s0 =	sadd.s32 $0x1400, s31;
	[sflag:s25] =	ssyncadd.s32 $0xFFFFC180  }
0xb1: {  	[spmem:s3] =	stream.indirect.scatter.add.f32 [tilespmem:s20], [sflag:$0x3], $0x80, s0, s23, $0xb8;
	[tilespmem:$0x1E080] =	vst v63  }
0xb2: {  	_ =	swait.ge [sflag:s21], $0x3E80  }
0xb3: {  	[sflag:s21] =	ssyncset.done $0x0  }
0xb4: {  	s0 =	sadd.s32 $0x100, s31;
	[sflag:s21] =	ssyncadd.s32 $0xFFFFC180  }
0xb5: {  	[tilespmem:s20], [sflag:$0x1] =	stream.indirect.gather [hbm4b:s1+s23], $0x80, s0, s23, $0xb8;
	[tilespmem:$0x1E080] =	vst v63  }
0xb6: {  	_ =	swait.ge [sflag:s26], $0x3E80  }
.Ltmp2:
0xb7: {  	[sflag:s26] =	ssyncset.done $0x0;
	(pc) =	sbr.rel @p1 .LBB2_6-.Ltmp2, $4  }
0xb8: {  	s0 =	sadd.s32 $0x1480, s31;
	[sflag:s26] =	ssyncadd.s32 $0xFFFFC180  }
0xb9: {  	[spmem:s3] =	stream.indirect.scatter.add.f32 [tilespmem:s24], [sflag:$0x3], $0x80, s0, s23, $0xb8;
	[tilespmem:$0x1E080] =	vst v63  }
0xba: {  	_ =	swait.ge [sflag:s21], $0x3E80  }
0xbb: {  	s31 =	sshra.s32 s6, $0x2;
	s0 =	smov.u32 s7;
	[sflag:s21] =	ssyncset.done $0x0  }
0xbc: {  	s0 =	sadd.s32 $0x80, s31;
	[sflag:s21] =	ssyncadd.s32 $0xFFFFC180  }
0xbd: {  	[tilespmem:s24], [sflag:$0x2] =	stream.indirect.gather [hbm4b:s1+s23], $0x80, s0, s23, $0xb8;
	[tilespmem:$0x1E080] =	vst v63  }
0xbe: {  	_ =	swait.ge [sflag:s25], $0x3E80  }
0xbf: {  	[sflag:s25] =	ssyncset.done $0x0  }
0xc0: {  	s2 =	sadd.s32 $0x1400, s31;
	[sflag:s25] =	ssyncadd.s32 $0xFFFFC180  }
0xc1: {  	[spmem:s3] =	stream.indirect.scatter.add.f32 [tilespmem:s20], [sflag:$0x3], $0x80, s2, s23, $0xb8;
	[tilespmem:$0x1E080] =	vst v63  }
0xc2: {  	_ =	swait.ge [sflag:s21], $0x3E80  }
0xc3: {  	[sflag:s21] =	ssyncset.done $0x0  }
0xc4: {  	s6 =	sadd.s32 $0x100, s31;
	[sflag:s21] =	ssyncadd.s32 $0xFFFFC180  }
0xc5: {  	[tilespmem:s20], [sflag:$0x1] =	stream.indirect.gather [hbm4b:s1+s23], $0x80, s6, s23, $0xb8;
	[tilespmem:$0x1E080] =	vst v63  }
0xc6: {  	_ =	swait.ge [sflag:s26], $0x3E80  }
0xc7: {  	[sflag:s26] =	ssyncset.done $0x0  }
0xc8: {  	s7 =	sadd.s32 $0x1480, s31;
	[sflag:s26] =	ssyncadd.s32 $0xFFFFC180  }
0xc9: {  	[spmem:s3] =	stream.indirect.scatter.add.f32 [tilespmem:s24], [sflag:$0x3], $0x80, s7, s23, $0xb8;
	[tilespmem:$0x1E080] =	vst v63  }
0xca: {  	_ =	swait.ge [sflag:s21], $0x3E80  }
0xcb: {  	[sflag:s21] =	ssyncset.done $0x0  }
0xcc: {  	[sflag:s21] =	ssyncadd.s32 $0xFFFFC180  }
0xcd: {  	[tilespmem:s24], [sflag:$0x2] =	stream.indirect.gather [hbm4b:s1+s23], $0x80, s28, s23, $0xb8;
	[tilespmem:$0x1E080] =	vst v63  }
0xce: {  	_ =	swait.ge [sflag:s25], $0x3E80  }
0xcf: {  	[sflag:s25] =	ssyncset.done $0x0  }
0xd0: {  	[sflag:s25] =	ssyncadd.s32 $0xFFFFC180  }
0xd1: {  	[spmem:s3] =	stream.indirect.scatter.add.f32 [tilespmem:s20], [sflag:$0x3], $0x80, s29, s23, $0xb8;
	[tilespmem:$0x1E080] =	vst v63  }
0xd2: {  	_ =	swait.ge [sflag:s21], $0x3E80  }
0xd3: {  	[sflag:s21] =	ssyncset.done $0x0  }
0xd4: {  	[sflag:s21] =	ssyncadd.s32 $0xFFFFC180  }
0xd5: {  	_ =	swait.ge [sflag:s26], $0x3E80  }
0xd6: {  	[sflag:s26] =	ssyncset.done $0x0  }
0xd7: {  	[sflag:s26] =	ssyncadd.s32 $0xFFFFC180  }
0xd8: {  	[spmem:s3] =	stream.indirect.scatter.add.f32 [tilespmem:s24], [sflag:$0x3], $0x80, s30, s23, $0xb8;
	[tilespmem:$0x1E080] =	vst v63  }
0xd9: {  	_ =	swait.ge [sflag:s21], $0x3E80  }
0xda: {  	s31 =	stileid.u32;
	[sflag:s21] =	ssyncset.done $0x0  }
0xdb: {  	s0 =	sshll.u32 s31, $0x6;
	[sflag:s21] =	ssyncadd.s32 $0xFFFFC180  }
0xdc: {  	s0 =	sor.u32 $0x1C03, s0;
	s2 =	sshrl.u32 s5, $0x3;
	[bflag:$0x0] =	sbarrier.arrive $0xFFFF  }
0xdd: {  	[hbm:s17], [sflag:s0] =	dma.local [spmem:s2], $0x2700  }
0xde: {  	_ =	swait.ge [sflag:s21], $0x2700  }
0xdf: {  	s4 =	sadd.s32 $0x1, s4;
	[sflag:s21] =	ssyncset.done $0x0  }
0xe0: {  	p1 =	sne.s32 s4, s19;
	s2 =	sshrl.u32 @!p0 s12, $0x3;
	[sflag:s21] =	ssyncadd.s32 $0xFFFFD900  }
0xe1: {  	[hbm:s18], [sflag:s0] =	dma.local @!p0 [spmem:s2], $0x100  }
.Ltmp3:
0xe2: {  	_ = 	snop;
	(pc) =	sbr.rel @p1 .LBB2_1-.Ltmp3, $4  }
0xe3: {  	s0 =	simm.s32 @!p0 $0x3  }
0xe4: {  	_ =	swait.ge @!p0 [sflag:s0], $0x100  }
0xe5: {  	[sflag:s0] =	ssyncset.done @!p0 $0x0  }
0xe6: {  	[sflag:s0] =	ssyncadd.s32 @!p0 $0xFFFFFF00  }
0xe7: {  	_ =	sfence.sel $0x180000  }
0xe8: {  	[bflag:$0x0] =	sbarrier.arrive $0xFFFF  }
0xe9: {  	_ =	strace $0x90000047  }
0xea: {  	s0 =	stileid.u32;
	[bflag:$0x2] =	sbarrier.arrive $0xFFFF  }
0xeb: {  	p0 =	sne.s32 s0, $0x0;
	s0 =	rddreg [dreg:$0x3]  }
0xec: {  	s0 =	sadd.s32 @!p0 $0x100000, s0  }
0xed: {  	[sflag:s0] =	ssyncadd.tile.s32 @!p0 $0x1;
	_ =	shalt  }
.Lfunc_end2:
_tile_overlayer_lowered:
.L_overlay_start_2:
0xee: {  	(tag) =	ssettag $0x2  }
0xef: {  	s0 =	rddreg [dreg:$0x0];
	s2 =	stileid.u32  }
0xf0: {  	s1 =	rddreg [dreg:$0x1];
	p0 =	sne.s32 s2, $0x0  }
0xf1: {  	s3 =	rddreg [dreg:$0x2];
	[bflag:$0x3] =	sbarrier.arrive $0xFFFF;
	s2 =	simm.s32 @!p0 $0x1C03  }
0xf2: {  	[timem:s3], [sflag:s2] =	dma.local @!p0 [hbm:s0], s1  }
0xf3: {  	s0 =	simm.s32 @!p0 $0x3  }
0xf4: {  	_ =	swait.ge @!p0 [sflag:s0], s1  }
0xf5: {  	s1 =	ssub.s32 @!p0 $0x0, s1;
	[sflag:s0] =	ssyncset.done @!p0 $0x0  }
0xf6: {  	[sflag:s0] =	ssyncadd.s32 @!p0 s1  }
0xf7: {  	[bflag:$0x3] =	sbarrier.arrive $0xFFFF  }
0xf8: {  	_ =	shalt  }

</sc_bundles>
